<compile_context>
chip_gen: v7x
topology: tpu7x:2x2x1
jax: 0.10.2.dev20260603
libtpu: 0.0.44.dev20260713+nightly
codegen_flags: <defaults>
</compile_context>

<pallas_src>
import functools

import numpy as np
import jax
import jax.numpy as jnp
from jax import lax
from jax.experimental import pallas as pl
from jax.experimental.pallas import tpu as pltpu
from jax.experimental.pallas import tpu_sc as plsc

PSZ = 7
BQ = 1024
BK = 2048

SC_NC = 2
SC_NS = 16
SC_NW = SC_NC * SC_NS


def _argmin_body(qa_ref, qb_ref, k_ref, val_ref, idx_ref, qs_ref, *, C, W, p):
    kblk = pl.program_id(1)

    @pl.when(kblk == 0)
    def _build():
        q2 = jnp.concatenate([qa_ref[...], qb_ref[...]], axis=1) * -2.0
        rows = []
        for c in range(C):
            for i in range(p):
                for j in range(p):
                    s = i * W + j
                    rows.append(q2[c:c + 1, s:s + BQ])
        qs_ref[...] = jnp.concatenate(rows, axis=0)

    kb = k_ref[...]
    kn = jnp.sum(kb * kb, axis=1)
    d = jnp.dot(kb, qs_ref[...], preferred_element_type=jnp.float32) + kn[:, None]
    m = jnp.min(d, axis=0)
    BIAS = jnp.int32(0x3F800000)
    row = lax.broadcasted_iota(jnp.int32, d.shape, 0) + BIAS
    sel = jnp.where(d == m[None, :], row, jnp.int32(0x40000000))
    lif = jnp.min(lax.bitcast_convert_type(sel, jnp.float32), axis=0)
    li = lax.bitcast_convert_type(lif, jnp.int32) - BIAS + kblk * BK
    mv = m.reshape(BQ // 128, 128)
    iv = li.reshape(BQ // 128, 128)

    @pl.when(kblk == 0)
    def _init():
        val_ref[...] = mv
        idx_ref[...] = iv

    @pl.when(kblk > 0)
    def _update():
        pv = val_ref[...]
        better = mv < pv
        val_ref[...] = jnp.where(better, mv, pv)
        idx_ref[...] = jnp.where(better, iv, idx_ref[...])


def _nn_indices(key, qext, T, C, W, p):
    D = C * p * p
    K = key.shape[0]
    grid = (T // BQ, K // BK)
    body = functools.partial(_argmin_body, C=C, W=W, p=p)
    out = pl.pallas_call(
        body,
        grid=grid,
        in_specs=[
            pl.BlockSpec((C, BQ), lambda i, k: (0, i)),
            pl.BlockSpec((C, BQ), lambda i, k: (0, i + 1)),
            pl.BlockSpec((BK, D), lambda i, k: (k, 0)),
        ],
        out_specs=[
            pl.BlockSpec((BQ // 128, 128), lambda i, k: (i, 0)),
            pl.BlockSpec((BQ // 128, 128), lambda i, k: (i, 0)),
        ],
        out_shape=[
            jax.ShapeDtypeStruct((T // 128, 128), jnp.float32),
            jax.ShapeDtypeStruct((T // 128, 128), jnp.int32),
        ],
        scratch_shapes=[pltpu.VMEM((D, BQ), jnp.float32)],
    )(qext, qext, key)
    return out[1].reshape(T)


def _make_sc_gather(D, B):
    b_per_w = B // SC_NW
    mesh = plsc.VectorSubcoreMesh(core_axis_name="c", subcore_axis_name="s")

    @functools.partial(
        pl.kernel,
        out_type=jax.ShapeDtypeStruct((B, D), jnp.float32),
        mesh=mesh,
        scratch_types=[
            pltpu.VMEM((b_per_w,), jnp.int32),
            pltpu.VMEM((b_per_w, D), jnp.float32),
            pltpu.SemaphoreType.DMA,
        ],
        compiler_params=pltpu.CompilerParams(use_tc_tiling_on_sc=False),
    )
    def gather(table_hbm, idx_hbm, out_hbm, idx_v, rows_v, sem):
        wid = lax.axis_index("s") * SC_NC + lax.axis_index("c")
        base = wid * b_per_w
        pltpu.sync_copy(idx_hbm.at[pl.ds(base, b_per_w)], idx_v)
        pltpu.async_copy(table_hbm.at[idx_v], rows_v, sem).wait()
        pltpu.sync_copy(rows_v, out_hbm.at[pl.ds(base, b_per_w)])

    return gather


def _fold_body(pr_ref, icnt_ref, out_ref, *, C, H, W, p):
    Ho, Wo = H - p + 1, W - p + 1
    chans = []
    for c in range(C):
        acc = jnp.zeros((H, W), jnp.float32)
        for i in range(p):
            for j in range(p):
                slab = pr_ref[c * p * p + i * p + j, :Ho, :Wo]
                acc = acc + jnp.pad(slab, ((i, H - Ho - i), (j, W - Wo - j)))
        chans.append(acc[None])
    out_ref[...] = jnp.concatenate(chans, axis=0) * icnt_ref[...][None]


def _fold(pr, icnt, C, H, W, p):
    body = functools.partial(_fold_body, C=C, H=H, W=W, p=p)
    return pl.pallas_call(
        body,
        out_shape=jax.ShapeDtypeStruct((C, H, W), jnp.float32),
    )(pr, icnt)


def kernel(query, key, value):
    B, C, H, W = query.shape
    p = PSZ
    Ho, Wo = H - p + 1, W - p + 1
    D = C * p * p
    K = key.shape[0]

    T = H * W
    TP = T + BQ
    qext = jnp.pad(query[0].reshape(C, T), ((0, 0), (0, TP - T)))

    idx = _nn_indices(key, qext, T, C, W, p)

    DG = ((D + 15) // 16) * 16
    vpad = jnp.pad(value, ((0, 0), (0, DG - D)))
    rows = _make_sc_gather(DG, T)(vpad, idx)

    pr = rows[:, :D].T.reshape(D, H, W)

    cnt = np.zeros((H, W), np.float32)
    for i in range(p):
        for j in range(p):
            cnt[i:i + Ho, j:j + Wo] += 1.0
    icnt = jnp.asarray(1.0 / cnt)

    out = _fold(pr, icnt, C, H, W, p)
    return out[None]

# --- scband reference (transcript-rebuilt; emitter-appended) ---
"""Pipeline reference for scband-torch-patch-nn-45689862095502 (READ-ONLY COPY).

The authoritative reference and input builder live on the scoring server;
editing this copy changes nothing except your own understanding.
"""

import jax, jax.numpy as jnp
import numpy as np

PATCH = 7


def _unfold2d(x, p):
    # x: [B, C, H, W] -> patches [B, L, C*p*p] in torch F.unfold ordering
    B, C, H, W = x.shape
    Ho, Wo = H - p + 1, W - p + 1
    slabs = []
    for i in range(p):
        for j in range(p):
            slabs.append(x[:, :, i:i + Ho, j:j + Wo])
    # stack over kernel positions: [B, C, p*p, Ho, Wo] (channel-major, matches F.unfold)
    patches = jnp.stack(slabs, axis=2)
    patches = patches.reshape(B, C * p * p, Ho * Wo)
    patches = jnp.transpose(patches, (0, 2, 1))  # [B, L, D]
    return patches, (Ho, Wo)


def _fold2d_mean(patches, C, H, W, p):
    # patches: [B, L, C*p*p] -> [B, C, H, W] averaging overlaps (reduce='mean')
    B, L, D = patches.shape
    Ho, Wo = H - p + 1, W - p + 1
    pr = jnp.transpose(patches, (0, 2, 1)).reshape(B, C, p, p, Ho, Wo)
    out = jnp.zeros((B, C, H, W), patches.dtype)
    cnt = jnp.zeros((H, W), patches.dtype)
    for i in range(p):
        for j in range(p):
            out = out.at[:, :, i:i + Ho, j:j + Wo].add(pr[:, :, i, j])
            cnt = cnt.at[i:i + Ho, j:j + Wo].add(1.0)
    return out / cnt[None, None, :, :]


def _forward(query, key, value, p=PATCH):
    B, C, H, W = query.shape
    qp, (Ho, Wo) = _unfold2d(query, p)  # [B, L, D]
    D = qp.shape[-1]
    q2 = qp.reshape(-1, D)  # [Q, D]
    # squared L2 distance matrix (dist_fn = l2_squared)
    qn = jnp.sum(q2 * q2, axis=1, keepdims=True)          # [Q, 1]
    kn = jnp.sum(key * key, axis=1)[None, :]              # [1, K]
    dist = qn - 2.0 * (q2 @ key.T) + kn                   # [Q, K]
    idx = jnp.argmin(dist, axis=1)                        # nn_lookup2d
    result = jnp.take(value, idx, axis=0)                 # index_select
    result = result.reshape(B, Ho * Wo, D)                # view_2d_as
    out = _fold2d_mean(result, C, H, W, p)                # fold2d mean
    return out


def setup_inputs() -> dict:
    key0 = jax.random.key(0)
    k1, k2, k3 = jax.random.split(key0, 3)
    query = jax.random.normal(k1, (1, 3, 96, 96), dtype=jnp.float32)
    key = jax.random.normal(k2, (8192, 147), dtype=jnp.float32)
    value = jax.random.normal(k3, (8192, 147), dtype=jnp.float32)
    return {"query": query, "key": key, "value": value}


def reference(query, key, value):
    return _forward(query, key, value)

if __name__ == "__main__":
    import jax
    _d = setup_inputs()
    print(jax.jit(kernel)(*tuple(_d.values())))

</pallas_src>

<mosaic_0001>
#map = affine_map<(d0, d1) -> (0, 0)>
#map1 = affine_map<(d0, d1) -> (0)>
module attributes {stable_mosaic.version = 14 : i64} {
  func.func @gather(%arg0: i32, %arg1: i32, %arg2: memref<8192x160xf32, #tpu.memory_space<hbm>>, %arg3: memref<9216xi32, #tpu.memory_space<hbm>>, %arg4: memref<9216x160xf32, #tpu.memory_space<hbm>>, %arg5: memref<288xi32, #tpu.memory_space<vmem>>, %arg6: memref<288x160xf32, #tpu.memory_space<vmem>>, %arg7: memref<!tpu.dma_semaphore, #tpu.memory_space<semaphore_mem>>) attributes {dimension_semantics = [#tpu.dimension_semantics<core_parallel>, #tpu.dimension_semantics<subcore_parallel>], iteration_bounds = array<i64: 2, 16>, scalar_prefetch = 0 : i64, scratch_operands = 3 : i64, tpu.core_type = #tpu.core_type<sc_vector_subcore>, window_params = [{transform_indices = #map}, {transform_indices = #map1}, {transform_indices = #map}]} {
    %mul3A = arith.constant 2 : i32
    %mul3A_0 = arith.muli %arg1, %mul3A : i32
    %add3A = arith.addi %mul3A_0, %arg0 : i32
    %mul3A_1 = arith.constant 288 : i32
    %mul3A_2 = arith.muli %add3A, %mul3A_1 : i32
    "tpu.region"() ({
      %run_scoped3A = tpu.sem_alloc : memref<!tpu.dma_semaphore, #tpu.memory_space<semaphore_mem>>
      %dma_start3A_7 = tpu.memref_slice %arg3[%mul3A_2] : memref<9216xi32, #tpu.memory_space<hbm>> -> memref<288xi32, #tpu.memory_space<hbm>>
      %dma_start3A_8 = tpu.memref_slice %arg3[%mul3A_2] : memref<9216xi32, #tpu.memory_space<hbm>> -> memref<288xi32, #tpu.memory_space<hbm>>
      tpu.enqueue_dma source(%dma_start3A_8 : memref<288xi32, #tpu.memory_space<hbm>>) target(%arg5 : memref<288xi32, #tpu.memory_space<vmem>>) target_semaphore(%run_scoped3A : memref<!tpu.dma_semaphore, #tpu.memory_space<semaphore_mem>>)
      %dma_wait3A_9 = tpu.memref_slice %arg3[%mul3A_2] : memref<9216xi32, #tpu.memory_space<hbm>> -> memref<288xi32, #tpu.memory_space<hbm>>
      %dma_wait3A_10 = tpu.memref_slice %arg3[%mul3A_2] : memref<9216xi32, #tpu.memory_space<hbm>> -> memref<288xi32, #tpu.memory_space<hbm>>
      tpu.wait_dma2 semaphore(%run_scoped3A : memref<!tpu.dma_semaphore, #tpu.memory_space<semaphore_mem>>) src(%dma_wait3A_10 : memref<288xi32, #tpu.memory_space<hbm>>) dst(%arg5 : memref<288xi32, #tpu.memory_space<vmem>>)
      tpu.yield
    }) : () -> ()
    %dma_start3A = arith.constant 0 : i32
    %dma_start3A_3 = arith.constant 0 : i32
    %dma_start3A_4 = tpu.memref_slice %arg2[%dma_start3A, %dma_start3A_3] : memref<8192x160xf32, #tpu.memory_space<hbm>> -> memref<8192x160xf32, #tpu.memory_space<hbm>>
    tpu.enqueue_indirect_dma source(%dma_start3A_4 : memref<8192x160xf32, #tpu.memory_space<hbm>>) target(%arg6 : memref<288x160xf32, #tpu.memory_space<vmem>>) offsets(%arg5 : memref<288xi32, #tpu.memory_space<vmem>>) semaphore(%arg7 : memref<!tpu.dma_semaphore, #tpu.memory_space<semaphore_mem>>)
    %dma_wait3A = arith.constant 0 : i32
    %dma_wait3A_5 = arith.constant 0 : i32
    %dma_wait3A_6 = tpu.memref_slice %arg2[%dma_wait3A, %dma_wait3A_5] : memref<8192x160xf32, #tpu.memory_space<hbm>> -> memref<8192x160xf32, #tpu.memory_space<hbm>>
    tpu.wait_indirect_dma semaphore(%arg7 : memref<!tpu.dma_semaphore, #tpu.memory_space<semaphore_mem>>) src(%dma_wait3A_6 : memref<8192x160xf32, #tpu.memory_space<hbm>>) dst(%arg6 : memref<288x160xf32, #tpu.memory_space<vmem>>)
    "tpu.region"() ({
      %run_scoped3A = tpu.sem_alloc : memref<!tpu.dma_semaphore, #tpu.memory_space<semaphore_mem>>
      %dma_start3A_7 = arith.constant 0 : i32
      %dma_start3A_8 = tpu.memref_slice %arg4[%mul3A_2, %dma_start3A_7] : memref<9216x160xf32, #tpu.memory_space<hbm>> -> memref<288x160xf32, #tpu.memory_space<hbm>>
      %dma_start3A_9 = arith.constant 0 : i32
      %dma_start3A_10 = tpu.memref_slice %arg4[%mul3A_2, %dma_start3A_9] : memref<9216x160xf32, #tpu.memory_space<hbm>> -> memref<288x160xf32, #tpu.memory_space<hbm>>
      tpu.enqueue_dma source(%arg6 : memref<288x160xf32, #tpu.memory_space<vmem>>) target(%dma_start3A_10 : memref<288x160xf32, #tpu.memory_space<hbm>>) target_semaphore(%run_scoped3A : memref<!tpu.dma_semaphore, #tpu.memory_space<semaphore_mem>>)
      %dma_wait3A_11 = arith.constant 0 : i32
      %dma_wait3A_12 = tpu.memref_slice %arg4[%mul3A_2, %dma_wait3A_11] : memref<9216x160xf32, #tpu.memory_space<hbm>> -> memref<288x160xf32, #tpu.memory_space<hbm>>
      %dma_wait3A_13 = arith.constant 0 : i32
      %dma_wait3A_14 = tpu.memref_slice %arg4[%mul3A_2, %dma_wait3A_13] : memref<9216x160xf32, #tpu.memory_space<hbm>> -> memref<288x160xf32, #tpu.memory_space<hbm>>
      tpu.wait_dma2 semaphore(%run_scoped3A : memref<!tpu.dma_semaphore, #tpu.memory_space<semaphore_mem>>) src(%arg6 : memref<288x160xf32, #tpu.memory_space<vmem>>) dst(%dma_wait3A_14 : memref<288x160xf32, #tpu.memory_space<hbm>>)
      tpu.yield
    }) : () -> ()
    return
  }
}

module attributes {stable_mosaic.version = 14 : i64} {
  func.func @_argmin_body(%arg0: i32, %arg1: i32, %arg2: memref<3x1024xf32, #tpu.memory_space<vmem>>, %arg3: memref<3x1024xf32, #tpu.memory_space<vmem>>, %arg4: memref<2048x147xf32, #tpu.memory_space<vmem>>, %arg5: memref<8x128xf32, #tpu.memory_space<vmem>>, %arg6: memref<8x128xi32, #tpu.memory_space<vmem>>, %arg7: memref<147x1024xf32, #tpu.memory_space<vmem>>) attributes {dimension_semantics = [#tpu.dimension_semantics<arbitrary>, #tpu.dimension_semantics<arbitrary>], iteration_bounds = array<i64: 9, 4>, scalar_prefetch = 0 : i64, scratch_operands = 1 : i64, tpu.core_type = #tpu.core_type<tc>, window_params = [{transform_indices = @transform_0, window_bounds = array<i64: 3, 1024>}, {transform_indices = @transform_1, window_bounds = array<i64: 3, 1024>}, {transform_indices = @transform_2, window_bounds = array<i64: 2048, 147>}, {transform_indices = @transform_3, window_bounds = array<i64: 8, 128>}, {transform_indices = @transform_4, window_bounds = array<i64: 8, 128>}]} {
    %eq3A = arith.constant 0 : i32
    %eq3A_0 = arith.cmpi eq, %arg1, %eq3A : i32
    %convert_element_type3A = arith.extui %eq3A_0 : i1 to i32
    %cond3A = arith.constant 0 : i32
    %cond3A_1 = arith.cmpi ne, %convert_element_type3A, %cond3A : i32
    scf.if %cond3A_1 {
      %get3A_37 = arith.constant 0 : index
      %get3A_38 = arith.constant 0 : index
      %get3A_39 = vector.load %arg2[%get3A_37, %get3A_38] : memref<3x1024xf32, #tpu.memory_space<vmem>>, vector<3x1024xf32>
      %get3A_40 = arith.constant 0 : index
      %get3A_41 = arith.constant 0 : index
      %get3A_42 = vector.load %arg3[%get3A_40, %get3A_41] : memref<3x1024xf32, #tpu.memory_space<vmem>>, vector<3x1024xf32>
      %concatenate3A = tpu.concatenate %get3A_39, %get3A_42 in 1 : vector<3x1024xf32>, vector<3x1024xf32> -> vector<3x2048xf32>
      %mul3A_43 = arith.constant -2.000000e+00 : f32
      %mul3A_44 = vector.broadcast %mul3A_43 : f32 to vector<3x2048xf32>
      %mul3A_45 = arith.mulf %concatenate3A, %mul3A_44 : vector<3x2048xf32>
      %slice3A = vector.extract_strided_slice %mul3A_45 {offsets = [0, 0], sizes = [1, 1024], strides = [1, 1]} : vector<3x2048xf32> to vector<1x1024xf32>
      %slice3A_46 = vector.extract_strided_slice %mul3A_45 {offsets = [0, 1], sizes = [1, 1024], strides = [1, 1]} : vector<3x2048xf32> to vector<1x1024xf32>
      %slice3A_47 = vector.extract_strided_slice %mul3A_45 {offsets = [0, 2], sizes = [1, 1024], strides = [1, 1]} : vector<3x2048xf32> to vector<1x1024xf32>
      %slice3A_48 = vector.extract_strided_slice %mul3A_45 {offsets = [0, 3], sizes = [1, 1024], strides = [1, 1]} : vector<3x2048xf32> to vector<1x1024xf32>
      %slice3A_49 = vector.extract_strided_slice %mul3A_45 {offsets = [0, 4], sizes = [1, 1024], strides = [1, 1]} : vector<3x2048xf32> to vector<1x1024xf32>
      %slice3A_50 = vector.extract_strided_slice %mul3A_45 {offsets = [0, 5], sizes = [1, 1024], strides = [1, 1]} : vector<3x2048xf32> to vector<1x1024xf32>
      %slice3A_51 = vector.extract_strided_slice %mul3A_45 {offsets = [0, 6], sizes = [1, 1024], strides = [1, 1]} : vector<3x2048xf32> to vector<1x1024xf32>
      %slice3A_52 = vector.extract_strided_slice %mul3A_45 {offsets = [0, 96], sizes = [1, 1024], strides = [1, 1]} : vector<3x2048xf32> to vector<1x1024xf32>
      %slice3A_53 = vector.extract_strided_slice %mul3A_45 {offsets = [0, 97], sizes = [1, 1024], strides = [1, 1]} : vector<3x2048xf32> to vector<1x1024xf32>
      %slice3A_54 = vector.extract_strided_slice %mul3A_45 {offsets = [0, 98], sizes = [1, 1024], strides = [1, 1]} : vector<3x2048xf32> to vector<1x1024xf32>
      %slice3A_55 = vector.extract_strided_slice %mul3A_45 {offsets = [0, 99], sizes = [1, 1024], strides = [1, 1]} : vector<3x2048xf32> to vector<1x1024xf32>
      %slice3A_56 = vector.extract_strided_slice %mul3A_45 {offsets = [0, 100], sizes = [1, 1024], strides = [1, 1]} : vector<3x2048xf32> to vector<1x1024xf32>
      %slice3A_57 = vector.extract_strided_slice %mul3A_45 {offsets = [0, 101], sizes = [1, 1024], strides = [1, 1]} : vector<3x2048xf32> to vector<1x1024xf32>
      %slice3A_58 = vector.extract_strided_slice %mul3A_45 {offsets = [0, 102], sizes = [1, 1024], strides = [1, 1]} : vector<3x2048xf32> to vector<1x1024xf32>
      %slice3A_59 = vector.extract_strided_slice %mul3A_45 {offsets = [0, 192], sizes = [1, 1024], strides = [1, 1]} : vector<3x2048xf32> to vector<1x1024xf32>
      %slice3A_60 = vector.extract_strided_slice %mul3A_45 {offsets = [0, 193], sizes = [1, 1024], strides = [1, 1]} : vector<3x2048xf32> to vector<1x1024xf32>
      %slice3A_61 = vector.extract_strided_slice %mul3A_45 {offsets = [0, 194], sizes = [1, 1024], strides = [1, 1]} : vector<3x2048xf32> to vector<1x1024xf32>
      %slice3A_62 = vector.extract_strided_slice %mul3A_45 {offsets = [0, 195], sizes = [1, 1024], strides = [1, 1]} : vector<3x2048xf32> to vector<1x1024xf32>
      %slice3A_63 = vector.extract_strided_slice %mul3A_45 {offsets = [0, 196], sizes = [1, 1024], strides = [1, 1]} : vector<3x2048xf32> to vector<1x1024xf32>
      %slice3A_64 = vector.extract_strided_slice %mul3A_45 {offsets = [0, 197], sizes = [1, 1024], strides = [1, 1]} : vector<3x2048xf32> to vector<1x1024xf32>
      %slice3A_65 = vector.extract_strided_slice %mul3A_45 {offsets = [0, 198], sizes = [1, 1024], strides = [1, 1]} : vector<3x2048xf32> to vector<1x1024xf32>
      %slice3A_66 = vector.extract_strided_slice %mul3A_45 {offsets = [0, 288], sizes = [1, 1024], strides = [1, 1]} : vector<3x2048xf32> to vector<1x1024xf32>
      %slice3A_67 = vector.extract_strided_slice %mul3A_45 {offsets = [0, 289], sizes = [1, 1024], strides = [1, 1]} : vector<3x2048xf32> to vector<1x1024xf32>
      %slice3A_68 = vector.extract_strided_slice %mul3A_45 {offsets = [0, 290], sizes = [1, 1024], strides = [1, 1]} : vector<3x2048xf32> to vector<1x1024xf32>
      %slice3A_69 = vector.extract_strided_slice %mul3A_45 {offsets = [0, 291], sizes = [1, 1024], strides = [1, 1]} : vector<3x2048xf32> to vector<1x1024xf32>
      %slice3A_70 = vector.extract_strided_slice %mul3A_45 {offsets = [0, 292], sizes = [1, 1024], strides = [1, 1]} : vector<3x2048xf32> to vector<1x1024xf32>
      %slice3A_71 = vector.extract_strided_slice %mul3A_45 {offsets = [0, 293], sizes = [1, 1024], strides = [1, 1]} : vector<3x2048xf32> to vector<1x1024xf32>
      %slice3A_72 = vector.extract_strided_slice %mul3A_45 {offsets = [0, 294], sizes = [1, 1024], strides = [1, 1]} : vector<3x2048xf32> to vector<1x1024xf32>
      %slice3A_73 = vector.extract_strided_slice %mul3A_45 {offsets = [0, 384], sizes = [1, 1024], strides = [1, 1]} : vector<3x2048xf32> to vector<1x1024xf32>
      %slice3A_74 = vector.extract_strided_slice %mul3A_45 {offsets = [0, 385], sizes = [1, 1024], strides = [1, 1]} : vector<3x2048xf32> to vector<1x1024xf32>
      %slice3A_75 = vector.extract_strided_slice %mul3A_45 {offsets = [0, 386], sizes = [1, 1024], strides = [1, 1]} : vector<3x2048xf32> to vector<1x1024xf32>
      %slice3A_76 = vector.extract_strided_slice %mul3A_45 {offsets = [0, 387], sizes = [1, 1024], strides = [1, 1]} : vector<3x2048xf32> to vector<1x1024xf32>
      %slice3A_77 = vector.extract_strided_slice %mul3A_45 {offsets = [0, 388], sizes = [1, 1024], strides = [1, 1]} : vector<3x2048xf32> to vector<1x1024xf32>
      %slice3A_78 = vector.extract_strided_slice %mul3A_45 {offsets = [0, 389], sizes = [1, 1024], strides = [1, 1]} : vector<3x2048xf32> to vector<1x1024xf32>
      %slice3A_79 = vector.extract_strided_slice %mul3A_45 {offsets = [0, 390], sizes = [1, 1024], strides = [1, 1]} : vector<3x2048xf32> to vector<1x1024xf32>
      %slice3A_80 = vector.extract_strided_slice %mul3A_45 {offsets = [0, 480], sizes = [1, 1024], strides = [1, 1]} : vector<3x2048xf32> to vector<1x1024xf32>
      %slice3A_81 = vector.extract_strided_slice %mul3A_45 {offsets = [0, 481], sizes = [1, 1024], strides = [1, 1]} : vector<3x2048xf32> to vector<1x1024xf32>
      %slice3A_82 = vector.extract_strided_slice %mul3A_45 {offsets = [0, 482], sizes = [1, 1024], strides = [1, 1]} : vector<3x2048xf32> to vector<1x1024xf32>
      %slice3A_83 = vector.extract_strided_slice %mul3A_45 {offsets = [0, 483], sizes = [1, 1024], strides = [1, 1]} : vector<3x2048xf32> to vector<1x1024xf32>
      %slice3A_84 = vector.extract_strided_slice %mul3A_45 {offsets = [0, 484], sizes = [1, 1024], strides = [1, 1]} : vector<3x2048xf32> to vector<1x1024xf32>
      %slice3A_85 = vector.extract_strided_slice %mul3A_45 {offsets = [0, 485], sizes = [1, 1024], strides = [1, 1]} : vector<3x2048xf32> to vector<1x1024xf32>
      %slice3A_86 = vector.extract_strided_slice %mul3A_45 {offsets = [0, 486], sizes = [1, 1024], strides = [1, 1]} : vector<3x2048xf32> to vector<1x1024xf32>
      %slice3A_87 = vector.extract_strided_slice %mul3A_45 {offsets = [0, 576], sizes = [1, 1024], strides = [1, 1]} : vector<3x2048xf32> to vector<1x1024xf32>
      %slice3A_88 = vector.extract_strided_slice %mul3A_45 {offsets = [0, 577], sizes = [1, 1024], strides = [1, 1]} : vector<3x2048xf32> to vector<1x1024xf32>
      %slice3A_89 = vector.extract_strided_slice %mul3A_45 {offsets = [0, 578], sizes = [1, 1024], strides = [1, 1]} : vector<3x2048xf32> to vector<1x1024xf32>
      %slice3A_90 = vector.extract_strided_slice %mul3A_45 {offsets = [0, 579], sizes = [1, 1024], strides = [1, 1]} : vector<3x2048xf32> to vector<1x1024xf32>
      %slice3A_91 = vector.extract_strided_slice %mul3A_45 {offsets = [0, 580], sizes = [1, 1024], strides = [1, 1]} : vector<3x2048xf32> to vector<1x1024xf32>
      %slice3A_92 = vector.extract_strided_slice %mul3A_45 {offsets = [0, 581], sizes = [1, 1024], strides = [1, 1]} : vector<3x2048xf32> to vector<1x1024xf32>
      %slice3A_93 = vector.extract_strided_slice %mul3A_45 {offsets = [0, 582], sizes = [1, 1024], strides = [1, 1]} : vector<3x2048xf32> to vector<1x1024xf32>
      %slice3A_94 = vector.extract_strided_slice %mul3A_45 {offsets = [1, 0], sizes = [1, 1024], strides = [1, 1]} : vector<3x2048xf32> to vector<1x1024xf32>
      %slice3A_95 = vector.extract_strided_slice %mul3A_45 {offsets = [1, 1], sizes = [1, 1024], strides = [1, 1]} : vector<3x2048xf32> to vector<1x1024xf32>
      %slice3A_96 = vector.extract_strided_slice %mul3A_45 {offsets = [1, 2], sizes = [1, 1024], strides = [1, 1]} : vector<3x2048xf32> to vector<1x1024xf32>
      %slice3A_97 = vector.extract_strided_slice %mul3A_45 {offsets = [1, 3], sizes = [1, 1024], strides = [1, 1]} : vector<3x2048xf32> to vector<1x1024xf32>
      %slice3A_98 = vector.extract_strided_slice %mul3A_45 {offsets = [1, 4], sizes = [1, 1024], strides = [1, 1]} : vector<3x2048xf32> to vector<1x1024xf32>
      %slice3A_99 = vector.extract_strided_slice %mul3A_45 {offsets = [1, 5], sizes = [1, 1024], strides = [1, 1]} : vector<3x2048xf32> to vector<1x1024xf32>
      %slice3A_100 = vector.extract_strided_slice %mul3A_45 {offsets = [1, 6], sizes = [1, 1024], strides = [1, 1]} : vector<3x2048xf32> to vector<1x1024xf32>
      %slice3A_101 = vector.extract_strided_slice %mul3A_45 {offsets = [1, 96], sizes = [1, 1024], strides = [1, 1]} : vector<3x2048xf32> to vector<1x1024xf32>
      %slice3A_102 = vector.extract_strided_slice %mul3A_45 {offsets = [1, 97], sizes = [1, 1024], strides = [1, 1]} : vector<3x2048xf32> to vector<1x1024xf32>
      %slice3A_103 = vector.extract_strided_slice %mul3A_45 {offsets = [1, 98], sizes = [1, 1024], strides = [1, 1]} : vector<3x2048xf32> to vector<1x1024xf32>
      %slice3A_104 = vector.extract_strided_slice %mul3A_45 {offsets = [1, 99], sizes = [1, 1024], strides = [1, 1]} : vector<3x2048xf32> to vector<1x1024xf32>
      %slice3A_105 = vector.extract_strided_slice %mul3A_45 {offsets = [1, 100], sizes = [1, 1024], strides = [1, 1]} : vector<3x2048xf32> to vector<1x1024xf32>
      %slice3A_106 = vector.extract_strided_slice %mul3A_45 {offsets = [1, 101], sizes = [1, 1024], strides = [1, 1]} : vector<3x2048xf32> to vector<1x1024xf32>
      %slice3A_107 = vector.extract_strided_slice %mul3A_45 {offsets = [1, 102], sizes = [1, 1024], strides = [1, 1]} : vector<3x2048xf32> to vector<1x1024xf32>
      %slice3A_108 = vector.extract_strided_slice %mul3A_45 {offsets = [1, 192], sizes = [1, 1024], strides = [1, 1]} : vector<3x2048xf32> to vector<1x1024xf32>
      %slice3A_109 = vector.extract_strided_slice %mul3A_45 {offsets = [1, 193], sizes = [1, 1024], strides = [1, 1]} : vector<3x2048xf32> to vector<1x1024xf32>
      %slice3A_110 = vector.extract_strided_slice %mul3A_45 {offsets = [1, 194], sizes = [1, 1024], strides = [1, 1]} : vector<3x2048xf32> to vector<1x1024xf32>
      %slice3A_111 = vector.extract_strided_slice %mul3A_45 {offsets = [1, 195], sizes = [1, 1024], strides = [1, 1]} : vector<3x2048xf32> to vector<1x1024xf32>
      %slice3A_112 = vector.extract_strided_slice %mul3A_45 {offsets = [1, 196], sizes = [1, 1024], strides = [1, 1]} : vector<3x2048xf32> to vector<1x1024xf32>
      %slice3A_113 = vector.extract_strided_slice %mul3A_45 {offsets = [1, 197], sizes = [1, 1024], strides = [1, 1]} : vector<3x2048xf32> to vector<1x1024xf32>
      %slice3A_114 = vector.extract_strided_slice %mul3A_45 {offsets = [1, 198], sizes = [1, 1024], strides = [1, 1]} : vector<3x2048xf32> to vector<1x1024xf32>
      %slice3A_115 = vector.extract_strided_slice %mul3A_45 {offsets = [1, 288], sizes = [1, 1024], strides = [1, 1]} : vector<3x2048xf32> to vector<1x1024xf32>
      %slice3A_116 = vector.extract_strided_slice %mul3A_45 {offsets = [1, 289], sizes = [1, 1024], strides = [1, 1]} : vector<3x2048xf32> to vector<1x1024xf32>
      %slice3A_117 = vector.extract_strided_slice %mul3A_45 {offsets = [1, 290], sizes = [1, 1024], strides = [1, 1]} : vector<3x2048xf32> to vector<1x1024xf32>
      %slice3A_118 = vector.extract_strided_slice %mul3A_45 {offsets = [1, 291], sizes = [1, 1024], strides = [1, 1]} : vector<3x2048xf32> to vector<1x1024xf32>
      %slice3A_119 = vector.extract_strided_slice %mul3A_45 {offsets = [1, 292], sizes = [1, 1024], strides = [1, 1]} : vector<3x2048xf32> to vector<1x1024xf32>
      %slice3A_120 = vector.extract_strided_slice %mul3A_45 {offsets = [1, 293], sizes = [1, 1024], strides = [1, 1]} : vector<3x2048xf32> to vector<1x1024xf32>
      %slice3A_121 = vector.extract_strided_slice %mul3A_45 {offsets = [1, 294], sizes = [1, 1024], strides = [1, 1]} : vector<3x2048xf32> to vector<1x1024xf32>
      %slice3A_122 = vector.extract_strided_slice %mul3A_45 {offsets = [1, 384], sizes = [1, 1024], strides = [1, 1]} : vector<3x2048xf32> to vector<1x1024xf32>
      %slice3A_123 = vector.extract_strided_slice %mul3A_45 {offsets = [1, 385], sizes = [1, 1024], strides = [1, 1]} : vector<3x2048xf32> to vector<1x1024xf32>
      %slice3A_124 = vector.extract_strided_slice %mul3A_45 {offsets = [1, 386], sizes = [1, 1024], strides = [1, 1]} : vector<3x2048xf32> to vector<1x1024xf32>
      %slice3A_125 = vector.extract_strided_slice %mul3A_45 {offsets = [1, 387], sizes = [1, 1024], strides = [1, 1]} : vector<3x2048xf32> to vector<1x1024xf32>
      %slice3A_126 = vector.extract_strided_slice %mul3A_45 {offsets = [1, 388], sizes = [1, 1024], strides = [1, 1]} : vector<3x2048xf32> to vector<1x1024xf32>
      %slice3A_127 = vector.extract_strided_slice %mul3A_45 {offsets = [1, 389], sizes = [1, 1024], strides = [1, 1]} : vector<3x2048xf32> to vector<1x1024xf32>
      %slice3A_128 = vector.extract_strided_slice %mul3A_45 {offsets = [1, 390], sizes = [1, 1024], strides = [1, 1]} : vector<3x2048xf32> to vector<1x1024xf32>
      %slice3A_129 = vector.extract_strided_slice %mul3A_45 {offsets = [1, 480], sizes = [1, 1024], strides = [1, 1]} : vector<3x2048xf32> to vector<1x1024xf32>
      %slice3A_130 = vector.extract_strided_slice %mul3A_45 {offsets = [1, 481], sizes = [1, 1024], strides = [1, 1]} : vector<3x2048xf32> to vector<1x1024xf32>
      %slice3A_131 = vector.extract_strided_slice %mul3A_45 {offsets = [1, 482], sizes = [1, 1024], strides = [1, 1]} : vector<3x2048xf32> to vector<1x1024xf32>
      %slice3A_132 = vector.extract_strided_slice %mul3A_45 {offsets = [1, 483], sizes = [1, 1024], strides = [1, 1]} : vector<3x2048xf32> to vector<1x1024xf32>
      %slice3A_133 = vector.extract_strided_slice %mul3A_45 {offsets = [1, 484], sizes = [1, 1024], strides = [1, 1]} : vector<3x2048xf32> to vector<1x1024xf32>
      %slice3A_134 = vector.extract_strided_slice %mul3A_45 {offsets = [1, 485], sizes = [1, 1024], strides = [1, 1]} : vector<3x2048xf32> to vector<1x1024xf32>
      %slice3A_135 = vector.extract_strided_slice %mul3A_45 {offsets = [1, 486], sizes = [1, 1024], strides = [1, 1]} : vector<3x2048xf32> to vector<1x1024xf32>
      %slice3A_136 = vector.extract_strided_slice %mul3A_45 {offsets = [1, 576], sizes = [1, 1024], strides = [1, 1]} : vector<3x2048xf32> to vector<1x1024xf32>
      %slice3A_137 = vector.extract_strided_slice %mul3A_45 {offsets = [1, 577], sizes = [1, 1024], strides = [1, 1]} : vector<3x2048xf32> to vector<1x1024xf32>
      %slice3A_138 = vector.extract_strided_slice %mul3A_45 {offsets = [1, 578], sizes = [1, 1024], strides = [1, 1]} : vector<3x2048xf32> to vector<1x1024xf32>
      %slice3A_139 = vector.extract_strided_slice %mul3A_45 {offsets = [1, 579], sizes = [1, 1024], strides = [1, 1]} : vector<3x2048xf32> to vector<1x1024xf32>
      %slice3A_140 = vector.extract_strided_slice %mul3A_45 {offsets = [1, 580], sizes = [1, 1024], strides = [1, 1]} : vector<3x2048xf32> to vector<1x1024xf32>
      %slice3A_141 = vector.extract_strided_slice %mul3A_45 {offsets = [1, 581], sizes = [1, 1024], strides = [1, 1]} : vector<3x2048xf32> to vector<1x1024xf32>
      %slice3A_142 = vector.extract_strided_slice %mul3A_45 {offsets = [1, 582], sizes = [1, 1024], strides = [1, 1]} : vector<3x2048xf32> to vector<1x1024xf32>
      %slice3A_143 = vector.extract_strided_slice %mul3A_45 {offsets = [2, 0], sizes = [1, 1024], strides = [1, 1]} : vector<3x2048xf32> to vector<1x1024xf32>
      %slice3A_144 = vector.extract_strided_slice %mul3A_45 {offsets = [2, 1], sizes = [1, 1024], strides = [1, 1]} : vector<3x2048xf32> to vector<1x1024xf32>
      %slice3A_145 = vector.extract_strided_slice %mul3A_45 {offsets = [2, 2], sizes = [1, 1024], strides = [1, 1]} : vector<3x2048xf32> to vector<1x1024xf32>
      %slice3A_146 = vector.extract_strided_slice %mul3A_45 {offsets = [2, 3], sizes = [1, 1024], strides = [1, 1]} : vector<3x2048xf32> to vector<1x1024xf32>
      %slice3A_147 = vector.extract_strided_slice %mul3A_45 {offsets = [2, 4], sizes = [1, 1024], strides = [1, 1]} : vector<3x2048xf32> to vector<1x1024xf32>
      %slice3A_148 = vector.extract_strided_slice %mul3A_45 {offsets = [2, 5], sizes = [1, 1024], strides = [1, 1]} : vector<3x2048xf32> to vector<1x1024xf32>
      %slice3A_149 = vector.extract_strided_slice %mul3A_45 {offsets = [2, 6], sizes = [1, 1024], strides = [1, 1]} : vector<3x2048xf32> to vector<1x1024xf32>
      %slice3A_150 = vector.extract_strided_slice %mul3A_45 {offsets = [2, 96], sizes = [1, 1024], strides = [1, 1]} : vector<3x2048xf32> to vector<1x1024xf32>
      %slice3A_151 = vector.extract_strided_slice %mul3A_45 {offsets = [2, 97], sizes = [1, 1024], strides = [1, 1]} : vector<3x2048xf32> to vector<1x1024xf32>
      %slice3A_152 = vector.extract_strided_slice %mul3A_45 {offsets = [2, 98], sizes = [1, 1024], strides = [1, 1]} : vector<3x2048xf32> to vector<1x1024xf32>
      %slice3A_153 = vector.extract_strided_slice %mul3A_45 {offsets = [2, 99], sizes = [1, 1024], strides = [1, 1]} : vector<3x2048xf32> to vector<1x1024xf32>
      %slice3A_154 = vector.extract_strided_slice %mul3A_45 {offsets = [2, 100], sizes = [1, 1024], strides = [1, 1]} : vector<3x2048xf32> to vector<1x1024xf32>
      %slice3A_155 = vector.extract_strided_slice %mul3A_45 {offsets = [2, 101], sizes = [1, 1024], strides = [1, 1]} : vector<3x2048xf32> to vector<1x1024xf32>
      %slice3A_156 = vector.extract_strided_slice %mul3A_45 {offsets = [2, 102], sizes = [1, 1024], strides = [1, 1]} : vector<3x2048xf32> to vector<1x1024xf32>
      %slice3A_157 = vector.extract_strided_slice %mul3A_45 {offsets = [2, 192], sizes = [1, 1024], strides = [1, 1]} : vector<3x2048xf32> to vector<1x1024xf32>
      %slice3A_158 = vector.extract_strided_slice %mul3A_45 {offsets = [2, 193], sizes = [1, 1024], strides = [1, 1]} : vector<3x2048xf32> to vector<1x1024xf32>
      %slice3A_159 = vector.extract_strided_slice %mul3A_45 {offsets = [2, 194], sizes = [1, 1024], strides = [1, 1]} : vector<3x2048xf32> to vector<1x1024xf32>
      %slice3A_160 = vector.extract_strided_slice %mul3A_45 {offsets = [2, 195], sizes = [1, 1024], strides = [1, 1]} : vector<3x2048xf32> to vector<1x1024xf32>
      %slice3A_161 = vector.extract_strided_slice %mul3A_45 {offsets = [2, 196], sizes = [1, 1024], strides = [1, 1]} : vector<3x2048xf32> to vector<1x1024xf32>
      %slice3A_162 = vector.extract_strided_slice %mul3A_45 {offsets = [2, 197], sizes = [1, 1024], strides = [1, 1]} : vector<3x2048xf32> to vector<1x1024xf32>
      %slice3A_163 = vector.extract_strided_slice %mul3A_45 {offsets = [2, 198], sizes = [1, 1024], strides = [1, 1]} : vector<3x2048xf32> to vector<1x1024xf32>
      %slice3A_164 = vector.extract_strided_slice %mul3A_45 {offsets = [2, 288], sizes = [1, 1024], strides = [1, 1]} : vector<3x2048xf32> to vector<1x1024xf32>
      %slice3A_165 = vector.extract_strided_slice %mul3A_45 {offsets = [2, 289], sizes = [1, 1024], strides = [1, 1]} : vector<3x2048xf32> to vector<1x1024xf32>
      %slice3A_166 = vector.extract_strided_slice %mul3A_45 {offsets = [2, 290], sizes = [1, 1024], strides = [1, 1]} : vector<3x2048xf32> to vector<1x1024xf32>
      %slice3A_167 = vector.extract_strided_slice %mul3A_45 {offsets = [2, 291], sizes = [1, 1024], strides = [1, 1]} : vector<3x2048xf32> to vector<1x1024xf32>
      %slice3A_168 = vector.extract_strided_slice %mul3A_45 {offsets = [2, 292], sizes = [1, 1024], strides = [1, 1]} : vector<3x2048xf32> to vector<1x1024xf32>
      %slice3A_169 = vector.extract_strided_slice %mul3A_45 {offsets = [2, 293], sizes = [1, 1024], strides = [1, 1]} : vector<3x2048xf32> to vector<1x1024xf32>
      %slice3A_170 = vector.extract_strided_slice %mul3A_45 {offsets = [2, 294], sizes = [1, 1024], strides = [1, 1]} : vector<3x2048xf32> to vector<1x1024xf32>
      %slice3A_171 = vector.extract_strided_slice %mul3A_45 {offsets = [2, 384], sizes = [1, 1024], strides = [1, 1]} : vector<3x2048xf32> to vector<1x1024xf32>
      %slice3A_172 = vector.extract_strided_slice %mul3A_45 {offsets = [2, 385], sizes = [1, 1024], strides = [1, 1]} : vector<3x2048xf32> to vector<1x1024xf32>
      %slice3A_173 = vector.extract_strided_slice %mul3A_45 {offsets = [2, 386], sizes = [1, 1024], strides = [1, 1]} : vector<3x2048xf32> to vector<1x1024xf32>
      %slice3A_174 = vector.extract_strided_slice %mul3A_45 {offsets = [2, 387], sizes = [1, 1024], strides = [1, 1]} : vector<3x2048xf32> to vector<1x1024xf32>
      %slice3A_175 = vector.extract_strided_slice %mul3A_45 {offsets = [2, 388], sizes = [1, 1024], strides = [1, 1]} : vector<3x2048xf32> to vector<1x1024xf32>
      %slice3A_176 = vector.extract_strided_slice %mul3A_45 {offsets = [2, 389], sizes = [1, 1024], strides = [1, 1]} : vector<3x2048xf32> to vector<1x1024xf32>
      %slice3A_177 = vector.extract_strided_slice %mul3A_45 {offsets = [2, 390], sizes = [1, 1024], strides = [1, 1]} : vector<3x2048xf32> to vector<1x1024xf32>
      %slice3A_178 = vector.extract_strided_slice %mul3A_45 {offsets = [2, 480], sizes = [1, 1024], strides = [1, 1]} : vector<3x2048xf32> to vector<1x1024xf32>
      %slice3A_179 = vector.extract_strided_slice %mul3A_45 {offsets = [2, 481], sizes = [1, 1024], strides = [1, 1]} : vector<3x2048xf32> to vector<1x1024xf32>
      %slice3A_180 = vector.extract_strided_slice %mul3A_45 {offsets = [2, 482], sizes = [1, 1024], strides = [1, 1]} : vector<3x2048xf32> to vector<1x1024xf32>
      %slice3A_181 = vector.extract_strided_slice %mul3A_45 {offsets = [2, 483], sizes = [1, 1024], strides = [1, 1]} : vector<3x2048xf32> to vector<1x1024xf32>
      %slice3A_182 = vector.extract_strided_slice %mul3A_45 {offsets = [2, 484], sizes = [1, 1024], strides = [1, 1]} : vector<3x2048xf32> to vector<1x1024xf32>
      %slice3A_183 = vector.extract_strided_slice %mul3A_45 {offsets = [2, 485], sizes = [1, 1024], strides = [1, 1]} : vector<3x2048xf32> to vector<1x1024xf32>
      %slice3A_184 = vector.extract_strided_slice %mul3A_45 {offsets = [2, 486], sizes = [1, 1024], strides = [1, 1]} : vector<3x2048xf32> to vector<1x1024xf32>
      %slice3A_185 = vector.extract_strided_slice %mul3A_45 {offsets = [2, 576], sizes = [1, 1024], strides = [1, 1]} : vector<3x2048xf32> to vector<1x1024xf32>
      %slice3A_186 = vector.extract_strided_slice %mul3A_45 {offsets = [2, 577], sizes = [1, 1024], strides = [1, 1]} : vector<3x2048xf32> to vector<1x1024xf32>
      %slice3A_187 = vector.extract_strided_slice %mul3A_45 {offsets = [2, 578], sizes = [1, 1024], strides = [1, 1]} : vector<3x2048xf32> to vector<1x1024xf32>
      %slice3A_188 = vector.extract_strided_slice %mul3A_45 {offsets = [2, 579], sizes = [1, 1024], strides = [1, 1]} : vector<3x2048xf32> to vector<1x1024xf32>
      %slice3A_189 = vector.extract_strided_slice %mul3A_45 {offsets = [2, 580], sizes = [1, 1024], strides = [1, 1]} : vector<3x2048xf32> to vector<1x1024xf32>
      %slice3A_190 = vector.extract_strided_slice %mul3A_45 {offsets = [2, 581], sizes = [1, 1024], strides = [1, 1]} : vector<3x2048xf32> to vector<1x1024xf32>
      %slice3A_191 = vector.extract_strided_slice %mul3A_45 {offsets = [2, 582], sizes = [1, 1024], strides = [1, 1]} : vector<3x2048xf32> to vector<1x1024xf32>
      %concatenate3A_192 = tpu.concatenate %slice3A, %slice3A_46, %slice3A_47, %slice3A_48, %slice3A_49, %slice3A_50, %slice3A_51, %slice3A_52, %slice3A_53, %slice3A_54, %slice3A_55, %slice3A_56, %slice3A_57, %slice3A_58, %slice3A_59, %slice3A_60, %slice3A_61, %slice3A_62, %slice3A_63, %slice3A_64, %slice3A_65, %slice3A_66, %slice3A_67, %slice3A_68, %slice3A_69, %slice3A_70, %slice3A_71, %slice3A_72, %slice3A_73, %slice3A_74, %slice3A_75, %slice3A_76, %slice3A_77, %slice3A_78, %slice3A_79, %slice3A_80, %slice3A_81, %slice3A_82, %slice3A_83, %slice3A_84, %slice3A_85, %slice3A_86, %slice3A_87, %slice3A_88, %slice3A_89, %slice3A_90, %slice3A_91, %slice3A_92, %slice3A_93, %slice3A_94, %slice3A_95, %slice3A_96, %slice3A_97, %slice3A_98, %slice3A_99, %slice3A_100, %slice3A_101, %slice3A_102, %slice3A_103, %slice3A_104, %slice3A_105, %slice3A_106, %slice3A_107, %slice3A_108, %slice3A_109, %slice3A_110, %slice3A_111, %slice3A_112, %slice3A_113, %slice3A_114, %slice3A_115, %slice3A_116, %slice3A_117, %slice3A_118, %slice3A_119, %slice3A_120, %slice3A_121, %slice3A_122, %slice3A_123, %slice3A_124, %slice3A_125, %slice3A_126, %slice3A_127, %slice3A_128, %slice3A_129, %slice3A_130, %slice3A_131, %slice3A_132, %slice3A_133, %slice3A_134, %slice3A_135, %slice3A_136, %slice3A_137, %slice3A_138, %slice3A_139, %slice3A_140, %slice3A_141, %slice3A_142, %slice3A_143, %slice3A_144, %slice3A_145, %slice3A_146, %slice3A_147, %slice3A_148, %slice3A_149, %slice3A_150, %slice3A_151, %slice3A_152, %slice3A_153, %slice3A_154, %slice3A_155, %slice3A_156, %slice3A_157, %slice3A_158, %slice3A_159, %slice3A_160, %slice3A_161, %slice3A_162, %slice3A_163, %slice3A_164, %slice3A_165, %slice3A_166, %slice3A_167, %slice3A_168, %slice3A_169, %slice3A_170, %slice3A_171, %slice3A_172, %slice3A_173, %slice3A_174, %slice3A_175, %slice3A_176, %slice3A_177, %slice3A_178, %slice3A_179, %slice3A_180, %slice3A_181, %slice3A_182, %slice3A_183, %slice3A_184, %slice3A_185, %slice3A_186, %slice3A_187, %slice3A_188, %slice3A_189, %slice3A_190, %slice3A_191 in 0 : vector<1x1024xf32>, vector<1x1024xf32>, vector<1x1024xf32>, vector<1x1024xf32>, vector<1x1024xf32>, vector<1x1024xf32>, vector<1x1024xf32>, vector<1x1024xf32>, vector<1x1024xf32>, vector<1x1024xf32>, vector<1x1024xf32>, vector<1x1024xf32>, vector<1x1024xf32>, vector<1x1024xf32>, vector<1x1024xf32>, vector<1x1024xf32>, vector<1x1024xf32>, vector<1x1024xf32>, vector<1x1024xf32>, vector<1x1024xf32>, vector<1x1024xf32>, vector<1x1024xf32>, vector<1x1024xf32>, vector<1x1024xf32>, vector<1x1024xf32>, vector<1x1024xf32>, vector<1x1024xf32>, vector<1x1024xf32>, vector<1x1024xf32>, vector<1x1024xf32>, vector<1x1024xf32>, vector<1x1024xf32>, vector<1x1024xf32>, vector<1x1024xf32>, vector<1x1024xf32>, vector<1x1024xf32>, vector<1x1024xf32>, vector<1x1024xf32>, vector<1x1024xf32>, vector<1x1024xf32>, vector<1x1024xf32>, vector<1x1024xf32>, vector<1x1024xf32>, vector<1x1024xf32>, vector<1x1024xf32>, vector<1x1024xf32>, vector<1x1024xf32>, vector<1x1024xf32>, vector<1x1024xf32>, vector<1x1024xf32>, vector<1x1024xf32>, vector<1x1024xf32>, vector<1x1024xf32>, vector<1x1024xf32>, vector<1x1024xf32>, vector<1x1024xf32>, vector<1x1024xf32>, vector<1x1024xf32>, vector<1x1024xf32>, vector<1x1024xf32>, vector<1x1024xf32>, vector<1x1024xf32>, vector<1x1024xf32>, vector<1x1024xf32>, vector<1x1024xf32>, vector<1x1024xf32>, vector<1x1024xf32>, vector<1x1024xf32>, vector<1x1024xf32>, vector<1x1024xf32>, vector<1x1024xf32>, vector<1x1024xf32>, vector<1x1024xf32>, vector<1x1024xf32>, vector<1x1024xf32>, vector<1x1024xf32>, vector<1x1024xf32>, vector<1x1024xf32>, vector<1x1024xf32>, vector<1x1024xf32>, vector<1x1024xf32>, vector<1x1024xf32>, vector<1x1024xf32>, vector<1x1024xf32>, vector<1x1024xf32>, vector<1x1024xf32>, vector<1x1024xf32>, vector<1x1024xf32>, vector<1x1024xf32>, vector<1x1024xf32>, vector<1x1024xf32>, vector<1x1024xf32>, vector<1x1024xf32>, vector<1x1024xf32>, vector<1x1024xf32>, vector<1x1024xf32>, vector<1x1024xf32>, vector<1x1024xf32>, vector<1x1024xf32>, vector<1x1024xf32>, vector<1x1024xf32>, vector<1x1024xf32>, vector<1x1024xf32>, vector<1x1024xf32>, vector<1x1024xf32>, vector<1x1024xf32>, vector<1x1024xf32>, vector<1x1024xf32>, vector<1x1024xf32>, vector<1x1024xf32>, vector<1x1024xf32>, vector<1x1024xf32>, vector<1x1024xf32>, vector<1x1024xf32>, vector<1x1024xf32>, vector<1x1024xf32>, vector<1x1024xf32>, vector<1x1024xf32>, vector<1x1024xf32>, vector<1x1024xf32>, vector<1x1024xf32>, vector<1x1024xf32>, vector<1x1024xf32>, vector<1x1024xf32>, vector<1x1024xf32>, vector<1x1024xf32>, vector<1x1024xf32>, vector<1x1024xf32>, vector<1x1024xf32>, vector<1x1024xf32>, vector<1x1024xf32>, vector<1x1024xf32>, vector<1x1024xf32>, vector<1x1024xf32>, vector<1x1024xf32>, vector<1x1024xf32>, vector<1x1024xf32>, vector<1x1024xf32>, vector<1x1024xf32>, vector<1x1024xf32>, vector<1x1024xf32>, vector<1x1024xf32>, vector<1x1024xf32>, vector<1x1024xf32>, vector<1x1024xf32>, vector<1x1024xf32>, vector<1x1024xf32> -> vector<147x1024xf32>
      %swap3A = arith.constant 0 : index
      %swap3A_193 = arith.constant 0 : index
      %swap3A_194 = vector.load %arg7[%swap3A, %swap3A_193] : memref<147x1024xf32, #tpu.memory_space<vmem>>, vector<147x1024xf32>
      tpu.vector_store %arg7[%swap3A, %swap3A_193], %concatenate3A_192 {strides = array<i32>} : memref<147x1024xf32, #tpu.memory_space<vmem>>, vector<147x1024xf32>,
    } else {
    }
    %get3A = arith.constant 0 : index
    %get3A_2 = arith.constant 0 : index
    %get3A_3 = vector.load %arg4[%get3A, %get3A_2] : memref<2048x147xf32, #tpu.memory_space<vmem>>, vector<2048x147xf32>
    %mul3A = arith.mulf %get3A_3, %get3A_3 : vector<2048x147xf32>
    %reduce_sum3A = arith.constant dense<0.000000e+00> : vector<2048xf32>
    %reduce_sum3A_4 = vector.multi_reduction <add>, %mul3A, %reduce_sum3A [1] : vector<2048x147xf32> to vector<2048xf32>
    %get3A_5 = arith.constant 0 : index
    %get3A_6 = arith.constant 0 : index
    %get3A_7 = vector.load %arg7[%get3A_5, %get3A_6] : memref<147x1024xf32, #tpu.memory_space<vmem>>, vector<147x1024xf32>
    %dot_general3A = arith.constant dense<0.000000e+00> : vector<2048x1024xf32>
    %dot_general3A_8 = tpu.matmul %get3A_3, %get3A_7, %dot_general3A {dimension_numbers = #tpu.dot_dimension_numbers<[1], [0], [0], [1], [0, 0, 1, 1], [], []>, transpose_lhs_hint = false} : vector<2048x147xf32>, vector<147x1024xf32>, vector<2048x1024xf32> -> vector<2048x1024xf32>
    %broadcast_in_dim3A = vector.shape_cast %reduce_sum3A_4 : vector<2048xf32> to vector<2048x1xf32>
    %add3A = vector.broadcast %broadcast_in_dim3A : vector<2048x1xf32> to vector<2048x1024xf32>
    %add3A_9 = arith.addf %dot_general3A_8, %add3A : vector<2048x1024xf32>
    %reduce_min3A = arith.constant dense<0x7F800000> : vector<1024xf32>
    %reduce_min3A_10 = vector.multi_reduction <minimumf>, %add3A_9, %reduce_min3A [0] : vector<2048x1024xf32> to vector<1024xf32>
    %iota3A = tpu.iota {dimensions = array<i32: 0>} : vector<2048x1024xi32>
    %add3A_11 = arith.constant 1065353216 : i32
    %add3A_12 = vector.broadcast %add3A_11 : i32 to vector<2048x1024xi32>
    %add3A_13 = arith.addi %iota3A, %add3A_12 : vector<2048x1024xi32>
    %broadcast_in_dim3A_14 = vector.shape_cast %reduce_min3A_10 : vector<1024xf32> to vector<1x1024xf32>
    %eq3A_15 = vector.broadcast %broadcast_in_dim3A_14 : vector<1x1024xf32> to vector<2048x1024xf32>
    %eq3A_16 = arith.cmpf oeq, %add3A_9, %eq3A_15 : vector<2048x1024xf32>
    %jit3A = arith.constant 1073741824 : i32
    %broadcast_in_dim3A_17 = vector.broadcast %jit3A : i32 to vector<2048x1024xi32>
    %select_n3A = arith.select %eq3A_16, %add3A_13, %broadcast_in_dim3A_17 : vector<2048x1024xi1>, vector<2048x1024xi32>
    %bitcast_convert_type3A = tpu.bitcast %select_n3A : vector<2048x1024xi32> -> vector<2048x1024xf32>
    %reduce_min3A_18 = arith.constant dense<0x7F800000> : vector<1024xf32>
    %reduce_min3A_19 = vector.multi_reduction <minimumf>, %bitcast_convert_type3A, %reduce_min3A_18 [0] : vector<2048x1024xf32> to vector<1024xf32>
    %bitcast_convert_type3A_20 = tpu.bitcast %reduce_min3A_19 : vector<1024xf32> -> vector<1024xi32>
    %sub3A = arith.constant 1065353216 : i32
    %sub3A_21 = vector.broadcast %sub3A : i32 to vector<1024xi32>
    %sub3A_22 = arith.subi %bitcast_convert_type3A_20, %sub3A_21 : vector<1024xi32>
    %mul3A_23 = arith.constant 2048 : i32
    %mul3A_24 = arith.muli %arg1, %mul3A_23 : i32
    %add3A_25 = vector.broadcast %mul3A_24 : i32 to vector<1024xi32>
    %add3A_26 = arith.addi %sub3A_22, %add3A_25 : vector<1024xi32>
    %reshape3A = vector.shape_cast %reduce_min3A_10 : vector<1024xf32> to vector<8x128xf32>
    %reshape3A_27 = vector.shape_cast %add3A_26 : vector<1024xi32> to vector<8x128xi32>
    %eq3A_28 = arith.constant 0 : i32
    %eq3A_29 = arith.cmpi eq, %arg1, %eq3A_28 : i32
    %convert_element_type3A_30 = arith.extui %eq3A_29 : i1 to i32
    %cond3A_31 = arith.constant 0 : i32
    %cond3A_32 = arith.cmpi ne, %convert_element_type3A_30, %cond3A_31 : i32
    scf.if %cond3A_32 {
      %swap3A = arith.constant 0 : index
      %swap3A_37 = arith.constant 0 : index
      %swap3A_38 = vector.load %arg5[%swap3A, %swap3A_37] : memref<8x128xf32, #tpu.memory_space<vmem>>, vector<8x128xf32>
      tpu.vector_store %arg5[%swap3A, %swap3A_37], %reshape3A {strides = array<i32>} : memref<8x128xf32, #tpu.memory_space<vmem>>, vector<8x128xf32>,
      %swap3A_39 = arith.constant 0 : index
      %swap3A_40 = arith.constant 0 : index
      %swap3A_41 = vector.load %arg6[%swap3A_39, %swap3A_40] : memref<8x128xi32, #tpu.memory_space<vmem>>, vector<8x128xi32>
      tpu.vector_store %arg6[%swap3A_39, %swap3A_40], %reshape3A_27 {strides = array<i32>} : memref<8x128xi32, #tpu.memory_space<vmem>>, vector<8x128xi32>,
    } else {
    }
    %gt3A = arith.constant 0 : i32
    %gt3A_33 = arith.cmpi sgt, %arg1, %gt3A : i32
    %convert_element_type3A_34 = arith.extui %gt3A_33 : i1 to i32
    %cond3A_35 = arith.constant 0 : i32
    %cond3A_36 = arith.cmpi ne, %convert_element_type3A_34, %cond3A_35 : i32
    scf.if %cond3A_36 {
      %get3A_37 = arith.constant 0 : index
      %get3A_38 = arith.constant 0 : index
      %get3A_39 = vector.load %arg5[%get3A_37, %get3A_38] : memref<8x128xf32, #tpu.memory_space<vmem>>, vector<8x128xf32>
      %lt3A = arith.cmpf olt, %reshape3A, %get3A_39 : vector<8x128xf32>
      %select_n3A_40 = arith.select %lt3A, %reshape3A, %get3A_39 : vector<8x128xi1>, vector<8x128xf32>
      %swap3A = arith.constant 0 : index
      %swap3A_41 = arith.constant 0 : index
      %swap3A_42 = vector.load %arg5[%swap3A, %swap3A_41] : memref<8x128xf32, #tpu.memory_space<vmem>>, vector<8x128xf32>
      tpu.vector_store %arg5[%swap3A, %swap3A_41], %select_n3A_40 {strides = array<i32>} : memref<8x128xf32, #tpu.memory_space<vmem>>, vector<8x128xf32>,
      %get3A_43 = arith.constant 0 : index
      %get3A_44 = arith.constant 0 : index
      %get3A_45 = vector.load %arg6[%get3A_43, %get3A_44] : memref<8x128xi32, #tpu.memory_space<vmem>>, vector<8x128xi32>
      %select_n3A_46 = arith.select %lt3A, %reshape3A_27, %get3A_45 : vector<8x128xi1>, vector<8x128xi32>
      %swap3A_47 = arith.constant 0 : index
      %swap3A_48 = arith.constant 0 : index
      %swap3A_49 = vector.load %arg6[%swap3A_47, %swap3A_48] : memref<8x128xi32, #tpu.memory_space<vmem>>, vector<8x128xi32>
      tpu.vector_store %arg6[%swap3A_47, %swap3A_48], %select_n3A_46 {strides = array<i32>} : memref<8x128xi32, #tpu.memory_space<vmem>>, vector<8x128xi32>,
    } else {
    }
    return
  }
  func.func @transform_0(%arg0: i32, %arg1: i32) -> (i32, i32) {
    %c0_i32 = arith.constant 0 : i32
    %c0_i32_0 = arith.constant 0 : i32
    return %c0_i32, %arg0 : i32, i32
  }
  func.func @transform_1(%arg0: i32, %arg1: i32) -> (i32, i32) {
    %add3A = arith.constant 1 : i32
    %add3A_0 = arith.addi %arg0, %add3A : i32
    %c0_i32 = arith.constant 0 : i32
    %c0_i32_1 = arith.constant 0 : i32
    return %c0_i32, %add3A_0 : i32, i32
  }
  func.func @transform_2(%arg0: i32, %arg1: i32) -> (i32, i32) {
    %c0_i32 = arith.constant 0 : i32
    %c0_i32_0 = arith.constant 0 : i32
    return %arg1, %c0_i32 : i32, i32
  }
  func.func @transform_3(%arg0: i32, %arg1: i32) -> (i32, i32) {
    %c0_i32 = arith.constant 0 : i32
    %c0_i32_0 = arith.constant 0 : i32
    return %arg0, %c0_i32 : i32, i32
  }
  func.func @transform_4(%arg0: i32, %arg1: i32) -> (i32, i32) {
    %c0_i32 = arith.constant 0 : i32
    %c0_i32_0 = arith.constant 0 : i32
    return %arg0, %c0_i32 : i32, i32
  }
}

module attributes {stable_mosaic.version = 14 : i64} {
  func.func @_fold_body(%arg0: memref<147x96x96xf32, #tpu.memory_space<vmem>>, %arg1: memref<96x96xf32, #tpu.memory_space<vmem>>, %arg2: memref<3x96x96xf32, #tpu.memory_space<vmem>>) attributes {dimension_semantics = [], scalar_prefetch = 0 : i64, scratch_operands = 0 : i64, tpu.core_type = #tpu.core_type<tc>} {
    %broadcast_in_dim3A = arith.constant 0.000000e+00 : f32
    %broadcast_in_dim3A_0 = vector.broadcast %broadcast_in_dim3A : f32 to vector<96x96xf32>
    %get3A = arith.constant 0 : index
    %get3A_1 = arith.constant 0 : index
    %get3A_2 = arith.constant 0 : index
    %get3A_3 = vector.load %arg0[%get3A, %get3A_1, %get3A_2] : memref<147x96x96xf32, #tpu.memory_space<vmem>>, vector<1x90x90xf32>
    %get3A_4 = vector.shape_cast %get3A_3 : vector<1x90x90xf32> to vector<90x90xf32>
    %jit3A = arith.constant 0 : i32
    %convert_element_type3A = arith.sitofp %jit3A : i32 to f32
    %pad3A = vector.broadcast %convert_element_type3A : f32 to vector<6x90xf32>
    %pad3A_5 = tpu.concatenate %get3A_4, %pad3A in 0 : vector<90x90xf32>, vector<6x90xf32> -> vector<96x90xf32>
    %pad3A_6 = vector.broadcast %convert_element_type3A : f32 to vector<96x6xf32>
    %pad3A_7 = tpu.concatenate %pad3A_5, %pad3A_6 in 1 : vector<96x90xf32>, vector<96x6xf32> -> vector<96x96xf32>
    %add3A = arith.addf %broadcast_in_dim3A_0, %pad3A_7 : vector<96x96xf32>
    %get3A_8 = arith.constant 1 : index
    %get3A_9 = arith.constant 0 : index
    %get3A_10 = arith.constant 0 : index
    %get3A_11 = vector.load %arg0[%get3A_8, %get3A_9, %get3A_10] : memref<147x96x96xf32, #tpu.memory_space<vmem>>, vector<1x90x90xf32>
    %get3A_12 = vector.shape_cast %get3A_11 : vector<1x90x90xf32> to vector<90x90xf32>
    %jit3A_13 = arith.constant 0 : i32
    %convert_element_type3A_14 = arith.sitofp %jit3A_13 : i32 to f32
    %pad3A_15 = vector.broadcast %convert_element_type3A_14 : f32 to vector<6x90xf32>
    %pad3A_16 = tpu.concatenate %get3A_12, %pad3A_15 in 0 : vector<90x90xf32>, vector<6x90xf32> -> vector<96x90xf32>
    %pad3A_17 = vector.broadcast %convert_element_type3A_14 : f32 to vector<96x1xf32>
    %pad3A_18 = tpu.concatenate %pad3A_17, %pad3A_16 in 1 : vector<96x1xf32>, vector<96x90xf32> -> vector<96x91xf32>
    %pad3A_19 = vector.broadcast %convert_element_type3A_14 : f32 to vector<96x5xf32>
    %pad3A_20 = tpu.concatenate %pad3A_18, %pad3A_19 in 1 : vector<96x91xf32>, vector<96x5xf32> -> vector<96x96xf32>
    %add3A_21 = arith.addf %add3A, %pad3A_20 : vector<96x96xf32>
    %get3A_22 = arith.constant 2 : index
    %get3A_23 = arith.constant 0 : index
    %get3A_24 = arith.constant 0 : index
    %get3A_25 = vector.load %arg0[%get3A_22, %get3A_23, %get3A_24] : memref<147x96x96xf32, #tpu.memory_space<vmem>>, vector<1x90x90xf32>
    %get3A_26 = vector.shape_cast %get3A_25 : vector<1x90x90xf32> to vector<90x90xf32>
    %jit3A_27 = arith.constant 0 : i32
    %convert_element_type3A_28 = arith.sitofp %jit3A_27 : i32 to f32
    %pad3A_29 = vector.broadcast %convert_element_type3A_28 : f32 to vector<6x90xf32>
    %pad3A_30 = tpu.concatenate %get3A_26, %pad3A_29 in 0 : vector<90x90xf32>, vector<6x90xf32> -> vector<96x90xf32>
    %pad3A_31 = vector.broadcast %convert_element_type3A_28 : f32 to vector<96x2xf32>
    %pad3A_32 = tpu.concatenate %pad3A_31, %pad3A_30 in 1 : vector<96x2xf32>, vector<96x90xf32> -> vector<96x92xf32>
    %pad3A_33 = vector.broadcast %convert_element_type3A_28 : f32 to vector<96x4xf32>
    %pad3A_34 = tpu.concatenate %pad3A_32, %pad3A_33 in 1 : vector<96x92xf32>, vector<96x4xf32> -> vector<96x96xf32>
    %add3A_35 = arith.addf %add3A_21, %pad3A_34 : vector<96x96xf32>
    %get3A_36 = arith.constant 3 : index
    %get3A_37 = arith.constant 0 : index
    %get3A_38 = arith.constant 0 : index
    %get3A_39 = vector.load %arg0[%get3A_36, %get3A_37, %get3A_38] : memref<147x96x96xf32, #tpu.memory_space<vmem>>, vector<1x90x90xf32>
    %get3A_40 = vector.shape_cast %get3A_39 : vector<1x90x90xf32> to vector<90x90xf32>
    %jit3A_41 = arith.constant 0 : i32
    %convert_element_type3A_42 = arith.sitofp %jit3A_41 : i32 to f32
    %pad3A_43 = vector.broadcast %convert_element_type3A_42 : f32 to vector<6x90xf32>
    %pad3A_44 = tpu.concatenate %get3A_40, %pad3A_43 in 0 : vector<90x90xf32>, vector<6x90xf32> -> vector<96x90xf32>
    %pad3A_45 = vector.broadcast %convert_element_type3A_42 : f32 to vector<96x3xf32>
    %pad3A_46 = tpu.concatenate %pad3A_45, %pad3A_44 in 1 : vector<96x3xf32>, vector<96x90xf32> -> vector<96x93xf32>
    %pad3A_47 = vector.broadcast %convert_element_type3A_42 : f32 to vector<96x3xf32>
    %pad3A_48 = tpu.concatenate %pad3A_46, %pad3A_47 in 1 : vector<96x93xf32>, vector<96x3xf32> -> vector<96x96xf32>
    %add3A_49 = arith.addf %add3A_35, %pad3A_48 : vector<96x96xf32>
    %get3A_50 = arith.constant 4 : index
    %get3A_51 = arith.constant 0 : index
    %get3A_52 = arith.constant 0 : index
    %get3A_53 = vector.load %arg0[%get3A_50, %get3A_51, %get3A_52] : memref<147x96x96xf32, #tpu.memory_space<vmem>>, vector<1x90x90xf32>
    %get3A_54 = vector.shape_cast %get3A_53 : vector<1x90x90xf32> to vector<90x90xf32>
    %jit3A_55 = arith.constant 0 : i32
    %convert_element_type3A_56 = arith.sitofp %jit3A_55 : i32 to f32
    %pad3A_57 = vector.broadcast %convert_element_type3A_56 : f32 to vector<6x90xf32>
    %pad3A_58 = tpu.concatenate %get3A_54, %pad3A_57 in 0 : vector<90x90xf32>, vector<6x90xf32> -> vector<96x90xf32>
    %pad3A_59 = vector.broadcast %convert_element_type3A_56 : f32 to vector<96x4xf32>
    %pad3A_60 = tpu.concatenate %pad3A_59, %pad3A_58 in 1 : vector<96x4xf32>, vector<96x90xf32> -> vector<96x94xf32>
    %pad3A_61 = vector.broadcast %convert_element_type3A_56 : f32 to vector<96x2xf32>
    %pad3A_62 = tpu.concatenate %pad3A_60, %pad3A_61 in 1 : vector<96x94xf32>, vector<96x2xf32> -> vector<96x96xf32>
    %add3A_63 = arith.addf %add3A_49, %pad3A_62 : vector<96x96xf32>
    %get3A_64 = arith.constant 5 : index
    %get3A_65 = arith.constant 0 : index
    %get3A_66 = arith.constant 0 : index
    %get3A_67 = vector.load %arg0[%get3A_64, %get3A_65, %get3A_66] : memref<147x96x96xf32, #tpu.memory_space<vmem>>, vector<1x90x90xf32>
    %get3A_68 = vector.shape_cast %get3A_67 : vector<1x90x90xf32> to vector<90x90xf32>
    %jit3A_69 = arith.constant 0 : i32
    %convert_element_type3A_70 = arith.sitofp %jit3A_69 : i32 to f32
    %pad3A_71 = vector.broadcast %convert_element_type3A_70 : f32 to vector<6x90xf32>
    %pad3A_72 = tpu.concatenate %get3A_68, %pad3A_71 in 0 : vector<90x90xf32>, vector<6x90xf32> -> vector<96x90xf32>
    %pad3A_73 = vector.broadcast %convert_element_type3A_70 : f32 to vector<96x5xf32>
    %pad3A_74 = tpu.concatenate %pad3A_73, %pad3A_72 in 1 : vector<96x5xf32>, vector<96x90xf32> -> vector<96x95xf32>
    %pad3A_75 = vector.broadcast %convert_element_type3A_70 : f32 to vector<96x1xf32>
    %pad3A_76 = tpu.concatenate %pad3A_74, %pad3A_75 in 1 : vector<96x95xf32>, vector<96x1xf32> -> vector<96x96xf32>
    %add3A_77 = arith.addf %add3A_63, %pad3A_76 : vector<96x96xf32>
    %get3A_78 = arith.constant 6 : index
    %get3A_79 = arith.constant 0 : index
    %get3A_80 = arith.constant 0 : index
    %get3A_81 = vector.load %arg0[%get3A_78, %get3A_79, %get3A_80] : memref<147x96x96xf32, #tpu.memory_space<vmem>>, vector<1x90x90xf32>
    %get3A_82 = vector.shape_cast %get3A_81 : vector<1x90x90xf32> to vector<90x90xf32>
    %jit3A_83 = arith.constant 0 : i32
    %convert_element_type3A_84 = arith.sitofp %jit3A_83 : i32 to f32
    %pad3A_85 = vector.broadcast %convert_element_type3A_84 : f32 to vector<6x90xf32>
    %pad3A_86 = tpu.concatenate %get3A_82, %pad3A_85 in 0 : vector<90x90xf32>, vector<6x90xf32> -> vector<96x90xf32>
    %pad3A_87 = vector.broadcast %convert_element_type3A_84 : f32 to vector<96x6xf32>
    %pad3A_88 = tpu.concatenate %pad3A_87, %pad3A_86 in 1 : vector<96x6xf32>, vector<96x90xf32> -> vector<96x96xf32>
    %add3A_89 = arith.addf %add3A_77, %pad3A_88 : vector<96x96xf32>
    %get3A_90 = arith.constant 7 : index
    %get3A_91 = arith.constant 0 : index
    %get3A_92 = arith.constant 0 : index
    %get3A_93 = vector.load %arg0[%get3A_90, %get3A_91, %get3A_92] : memref<147x96x96xf32, #tpu.memory_space<vmem>>, vector<1x90x90xf32>
    %get3A_94 = vector.shape_cast %get3A_93 : vector<1x90x90xf32> to vector<90x90xf32>
    %jit3A_95 = arith.constant 0 : i32
    %convert_element_type3A_96 = arith.sitofp %jit3A_95 : i32 to f32
    %pad3A_97 = vector.broadcast %convert_element_type3A_96 : f32 to vector<1x90xf32>
    %pad3A_98 = tpu.concatenate %pad3A_97, %get3A_94 in 0 : vector<1x90xf32>, vector<90x90xf32> -> vector<91x90xf32>
    %pad3A_99 = vector.broadcast %convert_element_type3A_96 : f32 to vector<5x90xf32>
    %pad3A_100 = tpu.concatenate %pad3A_98, %pad3A_99 in 0 : vector<91x90xf32>, vector<5x90xf32> -> vector<96x90xf32>
    %pad3A_101 = vector.broadcast %convert_element_type3A_96 : f32 to vector<96x6xf32>
    %pad3A_102 = tpu.concatenate %pad3A_100, %pad3A_101 in 1 : vector<96x90xf32>, vector<96x6xf32> -> vector<96x96xf32>
    %add3A_103 = arith.addf %add3A_89, %pad3A_102 : vector<96x96xf32>
    %get3A_104 = arith.constant 8 : index
    %get3A_105 = arith.constant 0 : index
    %get3A_106 = arith.constant 0 : index
    %get3A_107 = vector.load %arg0[%get3A_104, %get3A_105, %get3A_106] : memref<147x96x96xf32, #tpu.memory_space<vmem>>, vector<1x90x90xf32>
    %get3A_108 = vector.shape_cast %get3A_107 : vector<1x90x90xf32> to vector<90x90xf32>
    %jit3A_109 = arith.constant 0 : i32
    %convert_element_type3A_110 = arith.sitofp %jit3A_109 : i32 to f32
    %pad3A_111 = vector.broadcast %convert_element_type3A_110 : f32 to vector<1x90xf32>
    %pad3A_112 = tpu.concatenate %pad3A_111, %get3A_108 in 0 : vector<1x90xf32>, vector<90x90xf32> -> vector<91x90xf32>
    %pad3A_113 = vector.broadcast %convert_element_type3A_110 : f32 to vector<5x90xf32>
    %pad3A_114 = tpu.concatenate %pad3A_112, %pad3A_113 in 0 : vector<91x90xf32>, vector<5x90xf32> -> vector<96x90xf32>
    %pad3A_115 = vector.broadcast %convert_element_type3A_110 : f32 to vector<96x1xf32>
    %pad3A_116 = tpu.concatenate %pad3A_115, %pad3A_114 in 1 : vector<96x1xf32>, vector<96x90xf32> -> vector<96x91xf32>
    %pad3A_117 = vector.broadcast %convert_element_type3A_110 : f32 to vector<96x5xf32>
    %pad3A_118 = tpu.concatenate %pad3A_116, %pad3A_117 in 1 : vector<96x91xf32>, vector<96x5xf32> -> vector<96x96xf32>
    %add3A_119 = arith.addf %add3A_103, %pad3A_118 : vector<96x96xf32>
    %get3A_120 = arith.constant 9 : index
    %get3A_121 = arith.constant 0 : index
    %get3A_122 = arith.constant 0 : index
    %get3A_123 = vector.load %arg0[%get3A_120, %get3A_121, %get3A_122] : memref<147x96x96xf32, #tpu.memory_space<vmem>>, vector<1x90x90xf32>
    %get3A_124 = vector.shape_cast %get3A_123 : vector<1x90x90xf32> to vector<90x90xf32>
    %jit3A_125 = arith.constant 0 : i32
    %convert_element_type3A_126 = arith.sitofp %jit3A_125 : i32 to f32
    %pad3A_127 = vector.broadcast %convert_element_type3A_126 : f32 to vector<1x90xf32>
    %pad3A_128 = tpu.concatenate %pad3A_127, %get3A_124 in 0 : vector<1x90xf32>, vector<90x90xf32> -> vector<91x90xf32>
    %pad3A_129 = vector.broadcast %convert_element_type3A_126 : f32 to vector<5x90xf32>
    %pad3A_130 = tpu.concatenate %pad3A_128, %pad3A_129 in 0 : vector<91x90xf32>, vector<5x90xf32> -> vector<96x90xf32>
    %pad3A_131 = vector.broadcast %convert_element_type3A_126 : f32 to vector<96x2xf32>
    %pad3A_132 = tpu.concatenate %pad3A_131, %pad3A_130 in 1 : vector<96x2xf32>, vector<96x90xf32> -> vector<96x92xf32>
    %pad3A_133 = vector.broadcast %convert_element_type3A_126 : f32 to vector<96x4xf32>
    %pad3A_134 = tpu.concatenate %pad3A_132, %pad3A_133 in 1 : vector<96x92xf32>, vector<96x4xf32> -> vector<96x96xf32>
    %add3A_135 = arith.addf %add3A_119, %pad3A_134 : vector<96x96xf32>
    %get3A_136 = arith.constant 10 : index
    %get3A_137 = arith.constant 0 : index
    %get3A_138 = arith.constant 0 : index
    %get3A_139 = vector.load %arg0[%get3A_136, %get3A_137, %get3A_138] : memref<147x96x96xf32, #tpu.memory_space<vmem>>, vector<1x90x90xf32>
    %get3A_140 = vector.shape_cast %get3A_139 : vector<1x90x90xf32> to vector<90x90xf32>
    %jit3A_141 = arith.constant 0 : i32
    %convert_element_type3A_142 = arith.sitofp %jit3A_141 : i32 to f32
    %pad3A_143 = vector.broadcast %convert_element_type3A_142 : f32 to vector<1x90xf32>
    %pad3A_144 = tpu.concatenate %pad3A_143, %get3A_140 in 0 : vector<1x90xf32>, vector<90x90xf32> -> vector<91x90xf32>
    %pad3A_145 = vector.broadcast %convert_element_type3A_142 : f32 to vector<5x90xf32>
    %pad3A_146 = tpu.concatenate %pad3A_144, %pad3A_145 in 0 : vector<91x90xf32>, vector<5x90xf32> -> vector<96x90xf32>
    %pad3A_147 = vector.broadcast %convert_element_type3A_142 : f32 to vector<96x3xf32>
    %pad3A_148 = tpu.concatenate %pad3A_147, %pad3A_146 in 1 : vector<96x3xf32>, vector<96x90xf32> -> vector<96x93xf32>
    %pad3A_149 = vector.broadcast %convert_element_type3A_142 : f32 to vector<96x3xf32>
    %pad3A_150 = tpu.concatenate %pad3A_148, %pad3A_149 in 1 : vector<96x93xf32>, vector<96x3xf32> -> vector<96x96xf32>
    %add3A_151 = arith.addf %add3A_135, %pad3A_150 : vector<96x96xf32>
    %get3A_152 = arith.constant 11 : index
    %get3A_153 = arith.constant 0 : index
    %get3A_154 = arith.constant 0 : index
    %get3A_155 = vector.load %arg0[%get3A_152, %get3A_153, %get3A_154] : memref<147x96x96xf32, #tpu.memory_space<vmem>>, vector<1x90x90xf32>
    %get3A_156 = vector.shape_cast %get3A_155 : vector<1x90x90xf32> to vector<90x90xf32>
    %jit3A_157 = arith.constant 0 : i32
    %convert_element_type3A_158 = arith.sitofp %jit3A_157 : i32 to f32
    %pad3A_159 = vector.broadcast %convert_element_type3A_158 : f32 to vector<1x90xf32>
    %pad3A_160 = tpu.concatenate %pad3A_159, %get3A_156 in 0 : vector<1x90xf32>, vector<90x90xf32> -> vector<91x90xf32>
    %pad3A_161 = vector.broadcast %convert_element_type3A_158 : f32 to vector<5x90xf32>
    %pad3A_162 = tpu.concatenate %pad3A_160, %pad3A_161 in 0 : vector<91x90xf32>, vector<5x90xf32> -> vector<96x90xf32>
    %pad3A_163 = vector.broadcast %convert_element_type3A_158 : f32 to vector<96x4xf32>
    %pad3A_164 = tpu.concatenate %pad3A_163, %pad3A_162 in 1 : vector<96x4xf32>, vector<96x90xf32> -> vector<96x94xf32>
    %pad3A_165 = vector.broadcast %convert_element_type3A_158 : f32 to vector<96x2xf32>
    %pad3A_166 = tpu.concatenate %pad3A_164, %pad3A_165 in 1 : vector<96x94xf32>, vector<96x2xf32> -> vector<96x96xf32>
    %add3A_167 = arith.addf %add3A_151, %pad3A_166 : vector<96x96xf32>
    %get3A_168 = arith.constant 12 : index
    %get3A_169 = arith.constant 0 : index
    %get3A_170 = arith.constant 0 : index
    %get3A_171 = vector.load %arg0[%get3A_168, %get3A_169, %get3A_170] : memref<147x96x96xf32, #tpu.memory_space<vmem>>, vector<1x90x90xf32>
    %get3A_172 = vector.shape_cast %get3A_171 : vector<1x90x90xf32> to vector<90x90xf32>
    %jit3A_173 = arith.constant 0 : i32
    %convert_element_type3A_174 = arith.sitofp %jit3A_173 : i32 to f32
    %pad3A_175 = vector.broadcast %convert_element_type3A_174 : f32 to vector<1x90xf32>
    %pad3A_176 = tpu.concatenate %pad3A_175, %get3A_172 in 0 : vector<1x90xf32>, vector<90x90xf32> -> vector<91x90xf32>
    %pad3A_177 = vector.broadcast %convert_element_type3A_174 : f32 to vector<5x90xf32>
    %pad3A_178 = tpu.concatenate %pad3A_176, %pad3A_177 in 0 : vector<91x90xf32>, vector<5x90xf32> -> vector<96x90xf32>
    %pad3A_179 = vector.broadcast %convert_element_type3A_174 : f32 to vector<96x5xf32>
    %pad3A_180 = tpu.concatenate %pad3A_179, %pad3A_178 in 1 : vector<96x5xf32>, vector<96x90xf32> -> vector<96x95xf32>
    %pad3A_181 = vector.broadcast %convert_element_type3A_174 : f32 to vector<96x1xf32>
    %pad3A_182 = tpu.concatenate %pad3A_180, %pad3A_181 in 1 : vector<96x95xf32>, vector<96x1xf32> -> vector<96x96xf32>
    %add3A_183 = arith.addf %add3A_167, %pad3A_182 : vector<96x96xf32>
    %get3A_184 = arith.constant 13 : index
    %get3A_185 = arith.constant 0 : index
    %get3A_186 = arith.constant 0 : index
    %get3A_187 = vector.load %arg0[%get3A_184, %get3A_185, %get3A_186] : memref<147x96x96xf32, #tpu.memory_space<vmem>>, vector<1x90x90xf32>
    %get3A_188 = vector.shape_cast %get3A_187 : vector<1x90x90xf32> to vector<90x90xf32>
    %jit3A_189 = arith.constant 0 : i32
    %convert_element_type3A_190 = arith.sitofp %jit3A_189 : i32 to f32
    %pad3A_191 = vector.broadcast %convert_element_type3A_190 : f32 to vector<1x90xf32>
    %pad3A_192 = tpu.concatenate %pad3A_191, %get3A_188 in 0 : vector<1x90xf32>, vector<90x90xf32> -> vector<91x90xf32>
    %pad3A_193 = vector.broadcast %convert_element_type3A_190 : f32 to vector<5x90xf32>
    %pad3A_194 = tpu.concatenate %pad3A_192, %pad3A_193 in 0 : vector<91x90xf32>, vector<5x90xf32> -> vector<96x90xf32>
    %pad3A_195 = vector.broadcast %convert_element_type3A_190 : f32 to vector<96x6xf32>
    %pad3A_196 = tpu.concatenate %pad3A_195, %pad3A_194 in 1 : vector<96x6xf32>, vector<96x90xf32> -> vector<96x96xf32>
    %add3A_197 = arith.addf %add3A_183, %pad3A_196 : vector<96x96xf32>
    %get3A_198 = arith.constant 14 : index
    %get3A_199 = arith.constant 0 : index
    %get3A_200 = arith.constant 0 : index
    %get3A_201 = vector.load %arg0[%get3A_198, %get3A_199, %get3A_200] : memref<147x96x96xf32, #tpu.memory_space<vmem>>, vector<1x90x90xf32>
    %get3A_202 = vector.shape_cast %get3A_201 : vector<1x90x90xf32> to vector<90x90xf32>
    %jit3A_203 = arith.constant 0 : i32
    %convert_element_type3A_204 = arith.sitofp %jit3A_203 : i32 to f32
    %pad3A_205 = vector.broadcast %convert_element_type3A_204 : f32 to vector<2x90xf32>
    %pad3A_206 = tpu.concatenate %pad3A_205, %get3A_202 in 0 : vector<2x90xf32>, vector<90x90xf32> -> vector<92x90xf32>
    %pad3A_207 = vector.broadcast %convert_element_type3A_204 : f32 to vector<4x90xf32>
    %pad3A_208 = tpu.concatenate %pad3A_206, %pad3A_207 in 0 : vector<92x90xf32>, vector<4x90xf32> -> vector<96x90xf32>
    %pad3A_209 = vector.broadcast %convert_element_type3A_204 : f32 to vector<96x6xf32>
    %pad3A_210 = tpu.concatenate %pad3A_208, %pad3A_209 in 1 : vector<96x90xf32>, vector<96x6xf32> -> vector<96x96xf32>
    %add3A_211 = arith.addf %add3A_197, %pad3A_210 : vector<96x96xf32>
    %get3A_212 = arith.constant 15 : index
    %get3A_213 = arith.constant 0 : index
    %get3A_214 = arith.constant 0 : index
    %get3A_215 = vector.load %arg0[%get3A_212, %get3A_213, %get3A_214] : memref<147x96x96xf32, #tpu.memory_space<vmem>>, vector<1x90x90xf32>
    %get3A_216 = vector.shape_cast %get3A_215 : vector<1x90x90xf32> to vector<90x90xf32>
    %jit3A_217 = arith.constant 0 : i32
    %convert_element_type3A_218 = arith.sitofp %jit3A_217 : i32 to f32
    %pad3A_219 = vector.broadcast %convert_element_type3A_218 : f32 to vector<2x90xf32>
    %pad3A_220 = tpu.concatenate %pad3A_219, %get3A_216 in 0 : vector<2x90xf32>, vector<90x90xf32> -> vector<92x90xf32>
    %pad3A_221 = vector.broadcast %convert_element_type3A_218 : f32 to vector<4x90xf32>
    %pad3A_222 = tpu.concatenate %pad3A_220, %pad3A_221 in 0 : vector<92x90xf32>, vector<4x90xf32> -> vector<96x90xf32>
    %pad3A_223 = vector.broadcast %convert_element_type3A_218 : f32 to vector<96x1xf32>
    %pad3A_224 = tpu.concatenate %pad3A_223, %pad3A_222 in 1 : vector<96x1xf32>, vector<96x90xf32> -> vector<96x91xf32>
    %pad3A_225 = vector.broadcast %convert_element_type3A_218 : f32 to vector<96x5xf32>
    %pad3A_226 = tpu.concatenate %pad3A_224, %pad3A_225 in 1 : vector<96x91xf32>, vector<96x5xf32> -> vector<96x96xf32>
    %add3A_227 = arith.addf %add3A_211, %pad3A_226 : vector<96x96xf32>
    %get3A_228 = arith.constant 16 : index
    %get3A_229 = arith.constant 0 : index
    %get3A_230 = arith.constant 0 : index
    %get3A_231 = vector.load %arg0[%get3A_228, %get3A_229, %get3A_230] : memref<147x96x96xf32, #tpu.memory_space<vmem>>, vector<1x90x90xf32>
    %get3A_232 = vector.shape_cast %get3A_231 : vector<1x90x90xf32> to vector<90x90xf32>
    %jit3A_233 = arith.constant 0 : i32
    %convert_element_type3A_234 = arith.sitofp %jit3A_233 : i32 to f32
    %pad3A_235 = vector.broadcast %convert_element_type3A_234 : f32 to vector<2x90xf32>
    %pad3A_236 = tpu.concatenate %pad3A_235, %get3A_232 in 0 : vector<2x90xf32>, vector<90x90xf32> -> vector<92x90xf32>
    %pad3A_237 = vector.broadcast %convert_element_type3A_234 : f32 to vector<4x90xf32>
    %pad3A_238 = tpu.concatenate %pad3A_236, %pad3A_237 in 0 : vector<92x90xf32>, vector<4x90xf32> -> vector<96x90xf32>
    %pad3A_239 = vector.broadcast %convert_element_type3A_234 : f32 to vector<96x2xf32>
    %pad3A_240 = tpu.concatenate %pad3A_239, %pad3A_238 in 1 : vector<96x2xf32>, vector<96x90xf32> -> vector<96x92xf32>
    %pad3A_241 = vector.broadcast %convert_element_type3A_234 : f32 to vector<96x4xf32>
    %pad3A_242 = tpu.concatenate %pad3A_240, %pad3A_241 in 1 : vector<96x92xf32>, vector<96x4xf32> -> vector<96x96xf32>
    %add3A_243 = arith.addf %add3A_227, %pad3A_242 : vector<96x96xf32>
    %get3A_244 = arith.constant 17 : index
    %get3A_245 = arith.constant 0 : index
    %get3A_246 = arith.constant 0 : index
    %get3A_247 = vector.load %arg0[%get3A_244, %get3A_245, %get3A_246] : memref<147x96x96xf32, #tpu.memory_space<vmem>>, vector<1x90x90xf32>
    %get3A_248 = vector.shape_cast %get3A_247 : vector<1x90x90xf32> to vector<90x90xf32>
    %jit3A_249 = arith.constant 0 : i32
    %convert_element_type3A_250 = arith.sitofp %jit3A_249 : i32 to f32
    %pad3A_251 = vector.broadcast %convert_element_type3A_250 : f32 to vector<2x90xf32>
    %pad3A_252 = tpu.concatenate %pad3A_251, %get3A_248 in 0 : vector<2x90xf32>, vector<90x90xf32> -> vector<92x90xf32>
    %pad3A_253 = vector.broadcast %convert_element_type3A_250 : f32 to vector<4x90xf32>
    %pad3A_254 = tpu.concatenate %pad3A_252, %pad3A_253 in 0 : vector<92x90xf32>, vector<4x90xf32> -> vector<96x90xf32>
    %pad3A_255 = vector.broadcast %convert_element_type3A_250 : f32 to vector<96x3xf32>
    %pad3A_256 = tpu.concatenate %pad3A_255, %pad3A_254 in 1 : vector<96x3xf32>, vector<96x90xf32> -> vector<96x93xf32>
    %pad3A_257 = vector.broadcast %convert_element_type3A_250 : f32 to vector<96x3xf32>
    %pad3A_258 = tpu.concatenate %pad3A_256, %pad3A_257 in 1 : vector<96x93xf32>, vector<96x3xf32> -> vector<96x96xf32>
    %add3A_259 = arith.addf %add3A_243, %pad3A_258 : vector<96x96xf32>
    %get3A_260 = arith.constant 18 : index
    %get3A_261 = arith.constant 0 : index
    %get3A_262 = arith.constant 0 : index
    %get3A_263 = vector.load %arg0[%get3A_260, %get3A_261, %get3A_262] : memref<147x96x96xf32, #tpu.memory_space<vmem>>, vector<1x90x90xf32>
    %get3A_264 = vector.shape_cast %get3A_263 : vector<1x90x90xf32> to vector<90x90xf32>
    %jit3A_265 = arith.constant 0 : i32
    %convert_element_type3A_266 = arith.sitofp %jit3A_265 : i32 to f32
    %pad3A_267 = vector.broadcast %convert_element_type3A_266 : f32 to vector<2x90xf32>
    %pad3A_268 = tpu.concatenate %pad3A_267, %get3A_264 in 0 : vector<2x90xf32>, vector<90x90xf32> -> vector<92x90xf32>
    %pad3A_269 = vector.broadcast %convert_element_type3A_266 : f32 to vector<4x90xf32>
    %pad3A_270 = tpu.concatenate %pad3A_268, %pad3A_269 in 0 : vector<92x90xf32>, vector<4x90xf32> -> vector<96x90xf32>
    %pad3A_271 = vector.broadcast %convert_element_type3A_266 : f32 to vector<96x4xf32>
    %pad3A_272 = tpu.concatenate %pad3A_271, %pad3A_270 in 1 : vector<96x4xf32>, vector<96x90xf32> -> vector<96x94xf32>
    %pad3A_273 = vector.broadcast %convert_element_type3A_266 : f32 to vector<96x2xf32>
    %pad3A_274 = tpu.concatenate %pad3A_272, %pad3A_273 in 1 : vector<96x94xf32>, vector<96x2xf32> -> vector<96x96xf32>
    %add3A_275 = arith.addf %add3A_259, %pad3A_274 : vector<96x96xf32>
    %get3A_276 = arith.constant 19 : index
    %get3A_277 = arith.constant 0 : index
    %get3A_278 = arith.constant 0 : index
    %get3A_279 = vector.load %arg0[%get3A_276, %get3A_277, %get3A_278] : memref<147x96x96xf32, #tpu.memory_space<vmem>>, vector<1x90x90xf32>
    %get3A_280 = vector.shape_cast %get3A_279 : vector<1x90x90xf32> to vector<90x90xf32>
    %jit3A_281 = arith.constant 0 : i32
    %convert_element_type3A_282 = arith.sitofp %jit3A_281 : i32 to f32
    %pad3A_283 = vector.broadcast %convert_element_type3A_282 : f32 to vector<2x90xf32>
    %pad3A_284 = tpu.concatenate %pad3A_283, %get3A_280 in 0 : vector<2x90xf32>, vector<90x90xf32> -> vector<92x90xf32>
    %pad3A_285 = vector.broadcast %convert_element_type3A_282 : f32 to vector<4x90xf32>
    %pad3A_286 = tpu.concatenate %pad3A_284, %pad3A_285 in 0 : vector<92x90xf32>, vector<4x90xf32> -> vector<96x90xf32>
    %pad3A_287 = vector.broadcast %convert_element_type3A_282 : f32 to vector<96x5xf32>
    %pad3A_288 = tpu.concatenate %pad3A_287, %pad3A_286 in 1 : vector<96x5xf32>, vector<96x90xf32> -> vector<96x95xf32>
    %pad3A_289 = vector.broadcast %convert_element_type3A_282 : f32 to vector<96x1xf32>
    %pad3A_290 = tpu.concatenate %pad3A_288, %pad3A_289 in 1 : vector<96x95xf32>, vector<96x1xf32> -> vector<96x96xf32>
    %add3A_291 = arith.addf %add3A_275, %pad3A_290 : vector<96x96xf32>
    %get3A_292 = arith.constant 20 : index
    %get3A_293 = arith.constant 0 : index
    %get3A_294 = arith.constant 0 : index
    %get3A_295 = vector.load %arg0[%get3A_292, %get3A_293, %get3A_294] : memref<147x96x96xf32, #tpu.memory_space<vmem>>, vector<1x90x90xf32>
    %get3A_296 = vector.shape_cast %get3A_295 : vector<1x90x90xf32> to vector<90x90xf32>
    %jit3A_297 = arith.constant 0 : i32
    %convert_element_type3A_298 = arith.sitofp %jit3A_297 : i32 to f32
    %pad3A_299 = vector.broadcast %convert_element_type3A_298 : f32 to vector<2x90xf32>
    %pad3A_300 = tpu.concatenate %pad3A_299, %get3A_296 in 0 : vector<2x90xf32>, vector<90x90xf32> -> vector<92x90xf32>
    %pad3A_301 = vector.broadcast %convert_element_type3A_298 : f32 to vector<4x90xf32>
    %pad3A_302 = tpu.concatenate %pad3A_300, %pad3A_301 in 0 : vector<92x90xf32>, vector<4x90xf32> -> vector<96x90xf32>
    %pad3A_303 = vector.broadcast %convert_element_type3A_298 : f32 to vector<96x6xf32>
    %pad3A_304 = tpu.concatenate %pad3A_303, %pad3A_302 in 1 : vector<96x6xf32>, vector<96x90xf32> -> vector<96x96xf32>
    %add3A_305 = arith.addf %add3A_291, %pad3A_304 : vector<96x96xf32>
    %get3A_306 = arith.constant 21 : index
    %get3A_307 = arith.constant 0 : index
    %get3A_308 = arith.constant 0 : index
    %get3A_309 = vector.load %arg0[%get3A_306, %get3A_307, %get3A_308] : memref<147x96x96xf32, #tpu.memory_space<vmem>>, vector<1x90x90xf32>
    %get3A_310 = vector.shape_cast %get3A_309 : vector<1x90x90xf32> to vector<90x90xf32>
    %jit3A_311 = arith.constant 0 : i32
    %convert_element_type3A_312 = arith.sitofp %jit3A_311 : i32 to f32
    %pad3A_313 = vector.broadcast %convert_element_type3A_312 : f32 to vector<3x90xf32>
    %pad3A_314 = tpu.concatenate %pad3A_313, %get3A_310 in 0 : vector<3x90xf32>, vector<90x90xf32> -> vector<93x90xf32>
    %pad3A_315 = vector.broadcast %convert_element_type3A_312 : f32 to vector<3x90xf32>
    %pad3A_316 = tpu.concatenate %pad3A_314, %pad3A_315 in 0 : vector<93x90xf32>, vector<3x90xf32> -> vector<96x90xf32>
    %pad3A_317 = vector.broadcast %convert_element_type3A_312 : f32 to vector<96x6xf32>
    %pad3A_318 = tpu.concatenate %pad3A_316, %pad3A_317 in 1 : vector<96x90xf32>, vector<96x6xf32> -> vector<96x96xf32>
    %add3A_319 = arith.addf %add3A_305, %pad3A_318 : vector<96x96xf32>
    %get3A_320 = arith.constant 22 : index
    %get3A_321 = arith.constant 0 : index
    %get3A_322 = arith.constant 0 : index
    %get3A_323 = vector.load %arg0[%get3A_320, %get3A_321, %get3A_322] : memref<147x96x96xf32, #tpu.memory_space<vmem>>, vector<1x90x90xf32>
    %get3A_324 = vector.shape_cast %get3A_323 : vector<1x90x90xf32> to vector<90x90xf32>
    %jit3A_325 = arith.constant 0 : i32
    %convert_element_type3A_326 = arith.sitofp %jit3A_325 : i32 to f32
    %pad3A_327 = vector.broadcast %convert_element_type3A_326 : f32 to vector<3x90xf32>
    %pad3A_328 = tpu.concatenate %pad3A_327, %get3A_324 in 0 : vector<3x90xf32>, vector<90x90xf32> -> vector<93x90xf32>
    %pad3A_329 = vector.broadcast %convert_element_type3A_326 : f32 to vector<3x90xf32>
    %pad3A_330 = tpu.concatenate %pad3A_328, %pad3A_329 in 0 : vector<93x90xf32>, vector<3x90xf32> -> vector<96x90xf32>
    %pad3A_331 = vector.broadcast %convert_element_type3A_326 : f32 to vector<96x1xf32>
    %pad3A_332 = tpu.concatenate %pad3A_331, %pad3A_330 in 1 : vector<96x1xf32>, vector<96x90xf32> -> vector<96x91xf32>
    %pad3A_333 = vector.broadcast %convert_element_type3A_326 : f32 to vector<96x5xf32>
    %pad3A_334 = tpu.concatenate %pad3A_332, %pad3A_333 in 1 : vector<96x91xf32>, vector<96x5xf32> -> vector<96x96xf32>
    %add3A_335 = arith.addf %add3A_319, %pad3A_334 : vector<96x96xf32>
    %get3A_336 = arith.constant 23 : index
    %get3A_337 = arith.constant 0 : index
    %get3A_338 = arith.constant 0 : index
    %get3A_339 = vector.load %arg0[%get3A_336, %get3A_337, %get3A_338] : memref<147x96x96xf32, #tpu.memory_space<vmem>>, vector<1x90x90xf32>
    %get3A_340 = vector.shape_cast %get3A_339 : vector<1x90x90xf32> to vector<90x90xf32>
    %jit3A_341 = arith.constant 0 : i32
    %convert_element_type3A_342 = arith.sitofp %jit3A_341 : i32 to f32
    %pad3A_343 = vector.broadcast %convert_element_type3A_342 : f32 to vector<3x90xf32>
    %pad3A_344 = tpu.concatenate %pad3A_343, %get3A_340 in 0 : vector<3x90xf32>, vector<90x90xf32> -> vector<93x90xf32>
    %pad3A_345 = vector.broadcast %convert_element_type3A_342 : f32 to vector<3x90xf32>
    %pad3A_346 = tpu.concatenate %pad3A_344, %pad3A_345 in 0 : vector<93x90xf32>, vector<3x90xf32> -> vector<96x90xf32>
    %pad3A_347 = vector.broadcast %convert_element_type3A_342 : f32 to vector<96x2xf32>
    %pad3A_348 = tpu.concatenate %pad3A_347, %pad3A_346 in 1 : vector<96x2xf32>, vector<96x90xf32> -> vector<96x92xf32>
    %pad3A_349 = vector.broadcast %convert_element_type3A_342 : f32 to vector<96x4xf32>
    %pad3A_350 = tpu.concatenate %pad3A_348, %pad3A_349 in 1 : vector<96x92xf32>, vector<96x4xf32> -> vector<96x96xf32>
    %add3A_351 = arith.addf %add3A_335, %pad3A_350 : vector<96x96xf32>
    %get3A_352 = arith.constant 24 : index
    %get3A_353 = arith.constant 0 : index
    %get3A_354 = arith.constant 0 : index
    %get3A_355 = vector.load %arg0[%get3A_352, %get3A_353, %get3A_354] : memref<147x96x96xf32, #tpu.memory_space<vmem>>, vector<1x90x90xf32>
    %get3A_356 = vector.shape_cast %get3A_355 : vector<1x90x90xf32> to vector<90x90xf32>
    %jit3A_357 = arith.constant 0 : i32
    %convert_element_type3A_358 = arith.sitofp %jit3A_357 : i32 to f32
    %pad3A_359 = vector.broadcast %convert_element_type3A_358 : f32 to vector<3x90xf32>
    %pad3A_360 = tpu.concatenate %pad3A_359, %get3A_356 in 0 : vector<3x90xf32>, vector<90x90xf32> -> vector<93x90xf32>
    %pad3A_361 = vector.broadcast %convert_element_type3A_358 : f32 to vector<3x90xf32>
    %pad3A_362 = tpu.concatenate %pad3A_360, %pad3A_361 in 0 : vector<93x90xf32>, vector<3x90xf32> -> vector<96x90xf32>
    %pad3A_363 = vector.broadcast %convert_element_type3A_358 : f32 to vector<96x3xf32>
    %pad3A_364 = tpu.concatenate %pad3A_363, %pad3A_362 in 1 : vector<96x3xf32>, vector<96x90xf32> -> vector<96x93xf32>
    %pad3A_365 = vector.broadcast %convert_element_type3A_358 : f32 to vector<96x3xf32>
    %pad3A_366 = tpu.concatenate %pad3A_364, %pad3A_365 in 1 : vector<96x93xf32>, vector<96x3xf32> -> vector<96x96xf32>
    %add3A_367 = arith.addf %add3A_351, %pad3A_366 : vector<96x96xf32>
    %get3A_368 = arith.constant 25 : index
    %get3A_369 = arith.constant 0 : index
    %get3A_370 = arith.constant 0 : index
    %get3A_371 = vector.load %arg0[%get3A_368, %get3A_369, %get3A_370] : memref<147x96x96xf32, #tpu.memory_space<vmem>>, vector<1x90x90xf32>
    %get3A_372 = vector.shape_cast %get3A_371 : vector<1x90x90xf32> to vector<90x90xf32>
    %jit3A_373 = arith.constant 0 : i32
    %convert_element_type3A_374 = arith.sitofp %jit3A_373 : i32 to f32
    %pad3A_375 = vector.broadcast %convert_element_type3A_374 : f32 to vector<3x90xf32>
    %pad3A_376 = tpu.concatenate %pad3A_375, %get3A_372 in 0 : vector<3x90xf32>, vector<90x90xf32> -> vector<93x90xf32>
    %pad3A_377 = vector.broadcast %convert_element_type3A_374 : f32 to vector<3x90xf32>
    %pad3A_378 = tpu.concatenate %pad3A_376, %pad3A_377 in 0 : vector<93x90xf32>, vector<3x90xf32> -> vector<96x90xf32>
    %pad3A_379 = vector.broadcast %convert_element_type3A_374 : f32 to vector<96x4xf32>
    %pad3A_380 = tpu.concatenate %pad3A_379, %pad3A_378 in 1 : vector<96x4xf32>, vector<96x90xf32> -> vector<96x94xf32>
    %pad3A_381 = vector.broadcast %convert_element_type3A_374 : f32 to vector<96x2xf32>
    %pad3A_382 = tpu.concatenate %pad3A_380, %pad3A_381 in 1 : vector<96x94xf32>, vector<96x2xf32> -> vector<96x96xf32>
    %add3A_383 = arith.addf %add3A_367, %pad3A_382 : vector<96x96xf32>
    %get3A_384 = arith.constant 26 : index
    %get3A_385 = arith.constant 0 : index
    %get3A_386 = arith.constant 0 : index
    %get3A_387 = vector.load %arg0[%get3A_384, %get3A_385, %get3A_386] : memref<147x96x96xf32, #tpu.memory_space<vmem>>, vector<1x90x90xf32>
    %get3A_388 = vector.shape_cast %get3A_387 : vector<1x90x90xf32> to vector<90x90xf32>
    %jit3A_389 = arith.constant 0 : i32
    %convert_element_type3A_390 = arith.sitofp %jit3A_389 : i32 to f32
    %pad3A_391 = vector.broadcast %convert_element_type3A_390 : f32 to vector<3x90xf32>
    %pad3A_392 = tpu.concatenate %pad3A_391, %get3A_388 in 0 : vector<3x90xf32>, vector<90x90xf32> -> vector<93x90xf32>
    %pad3A_393 = vector.broadcast %convert_element_type3A_390 : f32 to vector<3x90xf32>
    %pad3A_394 = tpu.concatenate %pad3A_392, %pad3A_393 in 0 : vector<93x90xf32>, vector<3x90xf32> -> vector<96x90xf32>
    %pad3A_395 = vector.broadcast %convert_element_type3A_390 : f32 to vector<96x5xf32>
    %pad3A_396 = tpu.concatenate %pad3A_395, %pad3A_394 in 1 : vector<96x5xf32>, vector<96x90xf32> -> vector<96x95xf32>
    %pad3A_397 = vector.broadcast %convert_element_type3A_390 : f32 to vector<96x1xf32>
    %pad3A_398 = tpu.concatenate %pad3A_396, %pad3A_397 in 1 : vector<96x95xf32>, vector<96x1xf32> -> vector<96x96xf32>
    %add3A_399 = arith.addf %add3A_383, %pad3A_398 : vector<96x96xf32>
    %get3A_400 = arith.constant 27 : index
    %get3A_401 = arith.constant 0 : index
    %get3A_402 = arith.constant 0 : index
    %get3A_403 = vector.load %arg0[%get3A_400, %get3A_401, %get3A_402] : memref<147x96x96xf32, #tpu.memory_space<vmem>>, vector<1x90x90xf32>
    %get3A_404 = vector.shape_cast %get3A_403 : vector<1x90x90xf32> to vector<90x90xf32>
    %jit3A_405 = arith.constant 0 : i32
    %convert_element_type3A_406 = arith.sitofp %jit3A_405 : i32 to f32
    %pad3A_407 = vector.broadcast %convert_element_type3A_406 : f32 to vector<3x90xf32>
    %pad3A_408 = tpu.concatenate %pad3A_407, %get3A_404 in 0 : vector<3x90xf32>, vector<90x90xf32> -> vector<93x90xf32>
    %pad3A_409 = vector.broadcast %convert_element_type3A_406 : f32 to vector<3x90xf32>
    %pad3A_410 = tpu.concatenate %pad3A_408, %pad3A_409 in 0 : vector<93x90xf32>, vector<3x90xf32> -> vector<96x90xf32>
    %pad3A_411 = vector.broadcast %convert_element_type3A_406 : f32 to vector<96x6xf32>
    %pad3A_412 = tpu.concatenate %pad3A_411, %pad3A_410 in 1 : vector<96x6xf32>, vector<96x90xf32> -> vector<96x96xf32>
    %add3A_413 = arith.addf %add3A_399, %pad3A_412 : vector<96x96xf32>
    %get3A_414 = arith.constant 28 : index
    %get3A_415 = arith.constant 0 : index
    %get3A_416 = arith.constant 0 : index
    %get3A_417 = vector.load %arg0[%get3A_414, %get3A_415, %get3A_416] : memref<147x96x96xf32, #tpu.memory_space<vmem>>, vector<1x90x90xf32>
    %get3A_418 = vector.shape_cast %get3A_417 : vector<1x90x90xf32> to vector<90x90xf32>
    %jit3A_419 = arith.constant 0 : i32
    %convert_element_type3A_420 = arith.sitofp %jit3A_419 : i32 to f32
    %pad3A_421 = vector.broadcast %convert_element_type3A_420 : f32 to vector<4x90xf32>
    %pad3A_422 = tpu.concatenate %pad3A_421, %get3A_418 in 0 : vector<4x90xf32>, vector<90x90xf32> -> vector<94x90xf32>
    %pad3A_423 = vector.broadcast %convert_element_type3A_420 : f32 to vector<2x90xf32>
    %pad3A_424 = tpu.concatenate %pad3A_422, %pad3A_423 in 0 : vector<94x90xf32>, vector<2x90xf32> -> vector<96x90xf32>
    %pad3A_425 = vector.broadcast %convert_element_type3A_420 : f32 to vector<96x6xf32>
    %pad3A_426 = tpu.concatenate %pad3A_424, %pad3A_425 in 1 : vector<96x90xf32>, vector<96x6xf32> -> vector<96x96xf32>
    %add3A_427 = arith.addf %add3A_413, %pad3A_426 : vector<96x96xf32>
    %get3A_428 = arith.constant 29 : index
    %get3A_429 = arith.constant 0 : index
    %get3A_430 = arith.constant 0 : index
    %get3A_431 = vector.load %arg0[%get3A_428, %get3A_429, %get3A_430] : memref<147x96x96xf32, #tpu.memory_space<vmem>>, vector<1x90x90xf32>
    %get3A_432 = vector.shape_cast %get3A_431 : vector<1x90x90xf32> to vector<90x90xf32>
    %jit3A_433 = arith.constant 0 : i32
    %convert_element_type3A_434 = arith.sitofp %jit3A_433 : i32 to f32
    %pad3A_435 = vector.broadcast %convert_element_type3A_434 : f32 to vector<4x90xf32>
    %pad3A_436 = tpu.concatenate %pad3A_435, %get3A_432 in 0 : vector<4x90xf32>, vector<90x90xf32> -> vector<94x90xf32>
    %pad3A_437 = vector.broadcast %convert_element_type3A_434 : f32 to vector<2x90xf32>
    %pad3A_438 = tpu.concatenate %pad3A_436, %pad3A_437 in 0 : vector<94x90xf32>, vector<2x90xf32> -> vector<96x90xf32>
    %pad3A_439 = vector.broadcast %convert_element_type3A_434 : f32 to vector<96x1xf32>
    %pad3A_440 = tpu.concatenate %pad3A_439, %pad3A_438 in 1 : vector<96x1xf32>, vector<96x90xf32> -> vector<96x91xf32>
    %pad3A_441 = vector.broadcast %convert_element_type3A_434 : f32 to vector<96x5xf32>
    %pad3A_442 = tpu.concatenate %pad3A_440, %pad3A_441 in 1 : vector<96x91xf32>, vector<96x5xf32> -> vector<96x96xf32>
    %add3A_443 = arith.addf %add3A_427, %pad3A_442 : vector<96x96xf32>
    %get3A_444 = arith.constant 30 : index
    %get3A_445 = arith.constant 0 : index
    %get3A_446 = arith.constant 0 : index
    %get3A_447 = vector.load %arg0[%get3A_444, %get3A_445, %get3A_446] : memref<147x96x96xf32, #tpu.memory_space<vmem>>, vector<1x90x90xf32>
    %get3A_448 = vector.shape_cast %get3A_447 : vector<1x90x90xf32> to vector<90x90xf32>
    %jit3A_449 = arith.constant 0 : i32
    %convert_element_type3A_450 = arith.sitofp %jit3A_449 : i32 to f32
    %pad3A_451 = vector.broadcast %convert_element_type3A_450 : f32 to vector<4x90xf32>
    %pad3A_452 = tpu.concatenate %pad3A_451, %get3A_448 in 0 : vector<4x90xf32>, vector<90x90xf32> -> vector<94x90xf32>
    %pad3A_453 = vector.broadcast %convert_element_type3A_450 : f32 to vector<2x90xf32>
    %pad3A_454 = tpu.concatenate %pad3A_452, %pad3A_453 in 0 : vector<94x90xf32>, vector<2x90xf32> -> vector<96x90xf32>
    %pad3A_455 = vector.broadcast %convert_element_type3A_450 : f32 to vector<96x2xf32>
    %pad3A_456 = tpu.concatenate %pad3A_455, %pad3A_454 in 1 : vector<96x2xf32>, vector<96x90xf32> -> vector<96x92xf32>
    %pad3A_457 = vector.broadcast %convert_element_type3A_450 : f32 to vector<96x4xf32>
    %pad3A_458 = tpu.concatenate %pad3A_456, %pad3A_457 in 1 : vector<96x92xf32>, vector<96x4xf32> -> vector<96x96xf32>
    %add3A_459 = arith.addf %add3A_443, %pad3A_458 : vector<96x96xf32>
    %get3A_460 = arith.constant 31 : index
    %get3A_461 = arith.constant 0 : index
    %get3A_462 = arith.constant 0 : index
    %get3A_463 = vector.load %arg0[%get3A_460, %get3A_461, %get3A_462] : memref<147x96x96xf32, #tpu.memory_space<vmem>>, vector<1x90x90xf32>
    %get3A_464 = vector.shape_cast %get3A_463 : vector<1x90x90xf32> to vector<90x90xf32>
    %jit3A_465 = arith.constant 0 : i32
    %convert_element_type3A_466 = arith.sitofp %jit3A_465 : i32 to f32
    %pad3A_467 = vector.broadcast %convert_element_type3A_466 : f32 to vector<4x90xf32>
    %pad3A_468 = tpu.concatenate %pad3A_467, %get3A_464 in 0 : vector<4x90xf32>, vector<90x90xf32> -> vector<94x90xf32>
    %pad3A_469 = vector.broadcast %convert_element_type3A_466 : f32 to vector<2x90xf32>
    %pad3A_470 = tpu.concatenate %pad3A_468, %pad3A_469 in 0 : vector<94x90xf32>, vector<2x90xf32> -> vector<96x90xf32>
    %pad3A_471 = vector.broadcast %convert_element_type3A_466 : f32 to vector<96x3xf32>
    %pad3A_472 = tpu.concatenate %pad3A_471, %pad3A_470 in 1 : vector<96x3xf32>, vector<96x90xf32> -> vector<96x93xf32>
    %pad3A_473 = vector.broadcast %convert_element_type3A_466 : f32 to vector<96x3xf32>
    %pad3A_474 = tpu.concatenate %pad3A_472, %pad3A_473 in 1 : vector<96x93xf32>, vector<96x3xf32> -> vector<96x96xf32>
    %add3A_475 = arith.addf %add3A_459, %pad3A_474 : vector<96x96xf32>
    %get3A_476 = arith.constant 32 : index
    %get3A_477 = arith.constant 0 : index
    %get3A_478 = arith.constant 0 : index
    %get3A_479 = vector.load %arg0[%get3A_476, %get3A_477, %get3A_478] : memref<147x96x96xf32, #tpu.memory_space<vmem>>, vector<1x90x90xf32>
    %get3A_480 = vector.shape_cast %get3A_479 : vector<1x90x90xf32> to vector<90x90xf32>
    %jit3A_481 = arith.constant 0 : i32
    %convert_element_type3A_482 = arith.sitofp %jit3A_481 : i32 to f32
    %pad3A_483 = vector.broadcast %convert_element_type3A_482 : f32 to vector<4x90xf32>
    %pad3A_484 = tpu.concatenate %pad3A_483, %get3A_480 in 0 : vector<4x90xf32>, vector<90x90xf32> -> vector<94x90xf32>
    %pad3A_485 = vector.broadcast %convert_element_type3A_482 : f32 to vector<2x90xf32>
    %pad3A_486 = tpu.concatenate %pad3A_484, %pad3A_485 in 0 : vector<94x90xf32>, vector<2x90xf32> -> vector<96x90xf32>
    %pad3A_487 = vector.broadcast %convert_element_type3A_482 : f32 to vector<96x4xf32>
    %pad3A_488 = tpu.concatenate %pad3A_487, %pad3A_486 in 1 : vector<96x4xf32>, vector<96x90xf32> -> vector<96x94xf32>
    %pad3A_489 = vector.broadcast %convert_element_type3A_482 : f32 to vector<96x2xf32>
    %pad3A_490 = tpu.concatenate %pad3A_488, %pad3A_489 in 1 : vector<96x94xf32>, vector<96x2xf32> -> vector<96x96xf32>
    %add3A_491 = arith.addf %add3A_475, %pad3A_490 : vector<96x96xf32>
    %get3A_492 = arith.constant 33 : index
    %get3A_493 = arith.constant 0 : index
    %get3A_494 = arith.constant 0 : index
    %get3A_495 = vector.load %arg0[%get3A_492, %get3A_493, %get3A_494] : memref<147x96x96xf32, #tpu.memory_space<vmem>>, vector<1x90x90xf32>
    %get3A_496 = vector.shape_cast %get3A_495 : vector<1x90x90xf32> to vector<90x90xf32>
    %jit3A_497 = arith.constant 0 : i32
    %convert_element_type3A_498 = arith.sitofp %jit3A_497 : i32 to f32
    %pad3A_499 = vector.broadcast %convert_element_type3A_498 : f32 to vector<4x90xf32>
    %pad3A_500 = tpu.concatenate %pad3A_499, %get3A_496 in 0 : vector<4x90xf32>, vector<90x90xf32> -> vector<94x90xf32>
    %pad3A_501 = vector.broadcast %convert_element_type3A_498 : f32 to vector<2x90xf32>
    %pad3A_502 = tpu.concatenate %pad3A_500, %pad3A_501 in 0 : vector<94x90xf32>, vector<2x90xf32> -> vector<96x90xf32>
    %pad3A_503 = vector.broadcast %convert_element_type3A_498 : f32 to vector<96x5xf32>
    %pad3A_504 = tpu.concatenate %pad3A_503, %pad3A_502 in 1 : vector<96x5xf32>, vector<96x90xf32> -> vector<96x95xf32>
    %pad3A_505 = vector.broadcast %convert_element_type3A_498 : f32 to vector<96x1xf32>
    %pad3A_506 = tpu.concatenate %pad3A_504, %pad3A_505 in 1 : vector<96x95xf32>, vector<96x1xf32> -> vector<96x96xf32>
    %add3A_507 = arith.addf %add3A_491, %pad3A_506 : vector<96x96xf32>
    %get3A_508 = arith.constant 34 : index
    %get3A_509 = arith.constant 0 : index
    %get3A_510 = arith.constant 0 : index
    %get3A_511 = vector.load %arg0[%get3A_508, %get3A_509, %get3A_510] : memref<147x96x96xf32, #tpu.memory_space<vmem>>, vector<1x90x90xf32>
    %get3A_512 = vector.shape_cast %get3A_511 : vector<1x90x90xf32> to vector<90x90xf32>
    %jit3A_513 = arith.constant 0 : i32
    %convert_element_type3A_514 = arith.sitofp %jit3A_513 : i32 to f32
    %pad3A_515 = vector.broadcast %convert_element_type3A_514 : f32 to vector<4x90xf32>
    %pad3A_516 = tpu.concatenate %pad3A_515, %get3A_512 in 0 : vector<4x90xf32>, vector<90x90xf32> -> vector<94x90xf32>
    %pad3A_517 = vector.broadcast %convert_element_type3A_514 : f32 to vector<2x90xf32>
    %pad3A_518 = tpu.concatenate %pad3A_516, %pad3A_517 in 0 : vector<94x90xf32>, vector<2x90xf32> -> vector<96x90xf32>
    %pad3A_519 = vector.broadcast %convert_element_type3A_514 : f32 to vector<96x6xf32>
    %pad3A_520 = tpu.concatenate %pad3A_519, %pad3A_518 in 1 : vector<96x6xf32>, vector<96x90xf32> -> vector<96x96xf32>
    %add3A_521 = arith.addf %add3A_507, %pad3A_520 : vector<96x96xf32>
    %get3A_522 = arith.constant 35 : index
    %get3A_523 = arith.constant 0 : index
    %get3A_524 = arith.constant 0 : index
    %get3A_525 = vector.load %arg0[%get3A_522, %get3A_523, %get3A_524] : memref<147x96x96xf32, #tpu.memory_space<vmem>>, vector<1x90x90xf32>
    %get3A_526 = vector.shape_cast %get3A_525 : vector<1x90x90xf32> to vector<90x90xf32>
    %jit3A_527 = arith.constant 0 : i32
    %convert_element_type3A_528 = arith.sitofp %jit3A_527 : i32 to f32
    %pad3A_529 = vector.broadcast %convert_element_type3A_528 : f32 to vector<5x90xf32>
    %pad3A_530 = tpu.concatenate %pad3A_529, %get3A_526 in 0 : vector<5x90xf32>, vector<90x90xf32> -> vector<95x90xf32>
    %pad3A_531 = vector.broadcast %convert_element_type3A_528 : f32 to vector<1x90xf32>
    %pad3A_532 = tpu.concatenate %pad3A_530, %pad3A_531 in 0 : vector<95x90xf32>, vector<1x90xf32> -> vector<96x90xf32>
    %pad3A_533 = vector.broadcast %convert_element_type3A_528 : f32 to vector<96x6xf32>
    %pad3A_534 = tpu.concatenate %pad3A_532, %pad3A_533 in 1 : vector<96x90xf32>, vector<96x6xf32> -> vector<96x96xf32>
    %add3A_535 = arith.addf %add3A_521, %pad3A_534 : vector<96x96xf32>
    %get3A_536 = arith.constant 36 : index
    %get3A_537 = arith.constant 0 : index
    %get3A_538 = arith.constant 0 : index
    %get3A_539 = vector.load %arg0[%get3A_536, %get3A_537, %get3A_538] : memref<147x96x96xf32, #tpu.memory_space<vmem>>, vector<1x90x90xf32>
    %get3A_540 = vector.shape_cast %get3A_539 : vector<1x90x90xf32> to vector<90x90xf32>
    %jit3A_541 = arith.constant 0 : i32
    %convert_element_type3A_542 = arith.sitofp %jit3A_541 : i32 to f32
    %pad3A_543 = vector.broadcast %convert_element_type3A_542 : f32 to vector<5x90xf32>
    %pad3A_544 = tpu.concatenate %pad3A_543, %get3A_540 in 0 : vector<5x90xf32>, vector<90x90xf32> -> vector<95x90xf32>
    %pad3A_545 = vector.broadcast %convert_element_type3A_542 : f32 to vector<1x90xf32>
    %pad3A_546 = tpu.concatenate %pad3A_544, %pad3A_545 in 0 : vector<95x90xf32>, vector<1x90xf32> -> vector<96x90xf32>
    %pad3A_547 = vector.broadcast %convert_element_type3A_542 : f32 to vector<96x1xf32>
    %pad3A_548 = tpu.concatenate %pad3A_547, %pad3A_546 in 1 : vector<96x1xf32>, vector<96x90xf32> -> vector<96x91xf32>
    %pad3A_549 = vector.broadcast %convert_element_type3A_542 : f32 to vector<96x5xf32>
    %pad3A_550 = tpu.concatenate %pad3A_548, %pad3A_549 in 1 : vector<96x91xf32>, vector<96x5xf32> -> vector<96x96xf32>
    %add3A_551 = arith.addf %add3A_535, %pad3A_550 : vector<96x96xf32>
    %get3A_552 = arith.constant 37 : index
    %get3A_553 = arith.constant 0 : index
    %get3A_554 = arith.constant 0 : index
    %get3A_555 = vector.load %arg0[%get3A_552, %get3A_553, %get3A_554] : memref<147x96x96xf32, #tpu.memory_space<vmem>>, vector<1x90x90xf32>
    %get3A_556 = vector.shape_cast %get3A_555 : vector<1x90x90xf32> to vector<90x90xf32>
    %jit3A_557 = arith.constant 0 : i32
    %convert_element_type3A_558 = arith.sitofp %jit3A_557 : i32 to f32
    %pad3A_559 = vector.broadcast %convert_element_type3A_558 : f32 to vector<5x90xf32>
    %pad3A_560 = tpu.concatenate %pad3A_559, %get3A_556 in 0 : vector<5x90xf32>, vector<90x90xf32> -> vector<95x90xf32>
    %pad3A_561 = vector.broadcast %convert_element_type3A_558 : f32 to vector<1x90xf32>
    %pad3A_562 = tpu.concatenate %pad3A_560, %pad3A_561 in 0 : vector<95x90xf32>, vector<1x90xf32> -> vector<96x90xf32>
    %pad3A_563 = vector.broadcast %convert_element_type3A_558 : f32 to vector<96x2xf32>
    %pad3A_564 = tpu.concatenate %pad3A_563, %pad3A_562 in 1 : vector<96x2xf32>, vector<96x90xf32> -> vector<96x92xf32>
    %pad3A_565 = vector.broadcast %convert_element_type3A_558 : f32 to vector<96x4xf32>
    %pad3A_566 = tpu.concatenate %pad3A_564, %pad3A_565 in 1 : vector<96x92xf32>, vector<96x4xf32> -> vector<96x96xf32>
    %add3A_567 = arith.addf %add3A_551, %pad3A_566 : vector<96x96xf32>
    %get3A_568 = arith.constant 38 : index
    %get3A_569 = arith.constant 0 : index
    %get3A_570 = arith.constant 0 : index
    %get3A_571 = vector.load %arg0[%get3A_568, %get3A_569, %get3A_570] : memref<147x96x96xf32, #tpu.memory_space<vmem>>, vector<1x90x90xf32>
    %get3A_572 = vector.shape_cast %get3A_571 : vector<1x90x90xf32> to vector<90x90xf32>
    %jit3A_573 = arith.constant 0 : i32
    %convert_element_type3A_574 = arith.sitofp %jit3A_573 : i32 to f32
    %pad3A_575 = vector.broadcast %convert_element_type3A_574 : f32 to vector<5x90xf32>
    %pad3A_576 = tpu.concatenate %pad3A_575, %get3A_572 in 0 : vector<5x90xf32>, vector<90x90xf32> -> vector<95x90xf32>
    %pad3A_577 = vector.broadcast %convert_element_type3A_574 : f32 to vector<1x90xf32>
    %pad3A_578 = tpu.concatenate %pad3A_576, %pad3A_577 in 0 : vector<95x90xf32>, vector<1x90xf32> -> vector<96x90xf32>
    %pad3A_579 = vector.broadcast %convert_element_type3A_574 : f32 to vector<96x3xf32>
    %pad3A_580 = tpu.concatenate %pad3A_579, %pad3A_578 in 1 : vector<96x3xf32>, vector<96x90xf32> -> vector<96x93xf32>
    %pad3A_581 = vector.broadcast %convert_element_type3A_574 : f32 to vector<96x3xf32>
    %pad3A_582 = tpu.concatenate %pad3A_580, %pad3A_581 in 1 : vector<96x93xf32>, vector<96x3xf32> -> vector<96x96xf32>
    %add3A_583 = arith.addf %add3A_567, %pad3A_582 : vector<96x96xf32>
    %get3A_584 = arith.constant 39 : index
    %get3A_585 = arith.constant 0 : index
    %get3A_586 = arith.constant 0 : index
    %get3A_587 = vector.load %arg0[%get3A_584, %get3A_585, %get3A_586] : memref<147x96x96xf32, #tpu.memory_space<vmem>>, vector<1x90x90xf32>
    %get3A_588 = vector.shape_cast %get3A_587 : vector<1x90x90xf32> to vector<90x90xf32>
    %jit3A_589 = arith.constant 0 : i32
    %convert_element_type3A_590 = arith.sitofp %jit3A_589 : i32 to f32
    %pad3A_591 = vector.broadcast %convert_element_type3A_590 : f32 to vector<5x90xf32>
    %pad3A_592 = tpu.concatenate %pad3A_591, %get3A_588 in 0 : vector<5x90xf32>, vector<90x90xf32> -> vector<95x90xf32>
    %pad3A_593 = vector.broadcast %convert_element_type3A_590 : f32 to vector<1x90xf32>
    %pad3A_594 = tpu.concatenate %pad3A_592, %pad3A_593 in 0 : vector<95x90xf32>, vector<1x90xf32> -> vector<96x90xf32>
    %pad3A_595 = vector.broadcast %convert_element_type3A_590 : f32 to vector<96x4xf32>
    %pad3A_596 = tpu.concatenate %pad3A_595, %pad3A_594 in 1 : vector<96x4xf32>, vector<96x90xf32> -> vector<96x94xf32>
    %pad3A_597 = vector.broadcast %convert_element_type3A_590 : f32 to vector<96x2xf32>
    %pad3A_598 = tpu.concatenate %pad3A_596, %pad3A_597 in 1 : vector<96x94xf32>, vector<96x2xf32> -> vector<96x96xf32>
    %add3A_599 = arith.addf %add3A_583, %pad3A_598 : vector<96x96xf32>
    %get3A_600 = arith.constant 40 : index
    %get3A_601 = arith.constant 0 : index
    %get3A_602 = arith.constant 0 : index
    %get3A_603 = vector.load %arg0[%get3A_600, %get3A_601, %get3A_602] : memref<147x96x96xf32, #tpu.memory_space<vmem>>, vector<1x90x90xf32>
    %get3A_604 = vector.shape_cast %get3A_603 : vector<1x90x90xf32> to vector<90x90xf32>
    %jit3A_605 = arith.constant 0 : i32
    %convert_element_type3A_606 = arith.sitofp %jit3A_605 : i32 to f32
    %pad3A_607 = vector.broadcast %convert_element_type3A_606 : f32 to vector<5x90xf32>
    %pad3A_608 = tpu.concatenate %pad3A_607, %get3A_604 in 0 : vector<5x90xf32>, vector<90x90xf32> -> vector<95x90xf32>
    %pad3A_609 = vector.broadcast %convert_element_type3A_606 : f32 to vector<1x90xf32>
    %pad3A_610 = tpu.concatenate %pad3A_608, %pad3A_609 in 0 : vector<95x90xf32>, vector<1x90xf32> -> vector<96x90xf32>
    %pad3A_611 = vector.broadcast %convert_element_type3A_606 : f32 to vector<96x5xf32>
    %pad3A_612 = tpu.concatenate %pad3A_611, %pad3A_610 in 1 : vector<96x5xf32>, vector<96x90xf32> -> vector<96x95xf32>
    %pad3A_613 = vector.broadcast %convert_element_type3A_606 : f32 to vector<96x1xf32>
    %pad3A_614 = tpu.concatenate %pad3A_612, %pad3A_613 in 1 : vector<96x95xf32>, vector<96x1xf32> -> vector<96x96xf32>
    %add3A_615 = arith.addf %add3A_599, %pad3A_614 : vector<96x96xf32>
    %get3A_616 = arith.constant 41 : index
    %get3A_617 = arith.constant 0 : index
    %get3A_618 = arith.constant 0 : index
    %get3A_619 = vector.load %arg0[%get3A_616, %get3A_617, %get3A_618] : memref<147x96x96xf32, #tpu.memory_space<vmem>>, vector<1x90x90xf32>
    %get3A_620 = vector.shape_cast %get3A_619 : vector<1x90x90xf32> to vector<90x90xf32>
    %jit3A_621 = arith.constant 0 : i32
    %convert_element_type3A_622 = arith.sitofp %jit3A_621 : i32 to f32
    %pad3A_623 = vector.broadcast %convert_element_type3A_622 : f32 to vector<5x90xf32>
    %pad3A_624 = tpu.concatenate %pad3A_623, %get3A_620 in 0 : vector<5x90xf32>, vector<90x90xf32> -> vector<95x90xf32>
    %pad3A_625 = vector.broadcast %convert_element_type3A_622 : f32 to vector<1x90xf32>
    %pad3A_626 = tpu.concatenate %pad3A_624, %pad3A_625 in 0 : vector<95x90xf32>, vector<1x90xf32> -> vector<96x90xf32>
    %pad3A_627 = vector.broadcast %convert_element_type3A_622 : f32 to vector<96x6xf32>
    %pad3A_628 = tpu.concatenate %pad3A_627, %pad3A_626 in 1 : vector<96x6xf32>, vector<96x90xf32> -> vector<96x96xf32>
    %add3A_629 = arith.addf %add3A_615, %pad3A_628 : vector<96x96xf32>
    %get3A_630 = arith.constant 42 : index
    %get3A_631 = arith.constant 0 : index
    %get3A_632 = arith.constant 0 : index
    %get3A_633 = vector.load %arg0[%get3A_630, %get3A_631, %get3A_632] : memref<147x96x96xf32, #tpu.memory_space<vmem>>, vector<1x90x90xf32>
    %get3A_634 = vector.shape_cast %get3A_633 : vector<1x90x90xf32> to vector<90x90xf32>
    %jit3A_635 = arith.constant 0 : i32
    %convert_element_type3A_636 = arith.sitofp %jit3A_635 : i32 to f32
    %pad3A_637 = vector.broadcast %convert_element_type3A_636 : f32 to vector<6x90xf32>
    %pad3A_638 = tpu.concatenate %pad3A_637, %get3A_634 in 0 : vector<6x90xf32>, vector<90x90xf32> -> vector<96x90xf32>
    %pad3A_639 = vector.broadcast %convert_element_type3A_636 : f32 to vector<96x6xf32>
    %pad3A_640 = tpu.concatenate %pad3A_638, %pad3A_639 in 1 : vector<96x90xf32>, vector<96x6xf32> -> vector<96x96xf32>
    %add3A_641 = arith.addf %add3A_629, %pad3A_640 : vector<96x96xf32>
    %get3A_642 = arith.constant 43 : index
    %get3A_643 = arith.constant 0 : index
    %get3A_644 = arith.constant 0 : index
    %get3A_645 = vector.load %arg0[%get3A_642, %get3A_643, %get3A_644] : memref<147x96x96xf32, #tpu.memory_space<vmem>>, vector<1x90x90xf32>
    %get3A_646 = vector.shape_cast %get3A_645 : vector<1x90x90xf32> to vector<90x90xf32>
    %jit3A_647 = arith.constant 0 : i32
    %convert_element_type3A_648 = arith.sitofp %jit3A_647 : i32 to f32
    %pad3A_649 = vector.broadcast %convert_element_type3A_648 : f32 to vector<6x90xf32>
    %pad3A_650 = tpu.concatenate %pad3A_649, %get3A_646 in 0 : vector<6x90xf32>, vector<90x90xf32> -> vector<96x90xf32>
    %pad3A_651 = vector.broadcast %convert_element_type3A_648 : f32 to vector<96x1xf32>
    %pad3A_652 = tpu.concatenate %pad3A_651, %pad3A_650 in 1 : vector<96x1xf32>, vector<96x90xf32> -> vector<96x91xf32>
    %pad3A_653 = vector.broadcast %convert_element_type3A_648 : f32 to vector<96x5xf32>
    %pad3A_654 = tpu.concatenate %pad3A_652, %pad3A_653 in 1 : vector<96x91xf32>, vector<96x5xf32> -> vector<96x96xf32>
    %add3A_655 = arith.addf %add3A_641, %pad3A_654 : vector<96x96xf32>
    %get3A_656 = arith.constant 44 : index
    %get3A_657 = arith.constant 0 : index
    %get3A_658 = arith.constant 0 : index
    %get3A_659 = vector.load %arg0[%get3A_656, %get3A_657, %get3A_658] : memref<147x96x96xf32, #tpu.memory_space<vmem>>, vector<1x90x90xf32>
    %get3A_660 = vector.shape_cast %get3A_659 : vector<1x90x90xf32> to vector<90x90xf32>
    %jit3A_661 = arith.constant 0 : i32
    %convert_element_type3A_662 = arith.sitofp %jit3A_661 : i32 to f32
    %pad3A_663 = vector.broadcast %convert_element_type3A_662 : f32 to vector<6x90xf32>
    %pad3A_664 = tpu.concatenate %pad3A_663, %get3A_660 in 0 : vector<6x90xf32>, vector<90x90xf32> -> vector<96x90xf32>
    %pad3A_665 = vector.broadcast %convert_element_type3A_662 : f32 to vector<96x2xf32>
    %pad3A_666 = tpu.concatenate %pad3A_665, %pad3A_664 in 1 : vector<96x2xf32>, vector<96x90xf32> -> vector<96x92xf32>
    %pad3A_667 = vector.broadcast %convert_element_type3A_662 : f32 to vector<96x4xf32>
    %pad3A_668 = tpu.concatenate %pad3A_666, %pad3A_667 in 1 : vector<96x92xf32>, vector<96x4xf32> -> vector<96x96xf32>
    %add3A_669 = arith.addf %add3A_655, %pad3A_668 : vector<96x96xf32>
    %get3A_670 = arith.constant 45 : index
    %get3A_671 = arith.constant 0 : index
    %get3A_672 = arith.constant 0 : index
    %get3A_673 = vector.load %arg0[%get3A_670, %get3A_671, %get3A_672] : memref<147x96x96xf32, #tpu.memory_space<vmem>>, vector<1x90x90xf32>
    %get3A_674 = vector.shape_cast %get3A_673 : vector<1x90x90xf32> to vector<90x90xf32>
    %jit3A_675 = arith.constant 0 : i32
    %convert_element_type3A_676 = arith.sitofp %jit3A_675 : i32 to f32
    %pad3A_677 = vector.broadcast %convert_element_type3A_676 : f32 to vector<6x90xf32>
    %pad3A_678 = tpu.concatenate %pad3A_677, %get3A_674 in 0 : vector<6x90xf32>, vector<90x90xf32> -> vector<96x90xf32>
    %pad3A_679 = vector.broadcast %convert_element_type3A_676 : f32 to vector<96x3xf32>
    %pad3A_680 = tpu.concatenate %pad3A_679, %pad3A_678 in 1 : vector<96x3xf32>, vector<96x90xf32> -> vector<96x93xf32>
    %pad3A_681 = vector.broadcast %convert_element_type3A_676 : f32 to vector<96x3xf32>
    %pad3A_682 = tpu.concatenate %pad3A_680, %pad3A_681 in 1 : vector<96x93xf32>, vector<96x3xf32> -> vector<96x96xf32>
    %add3A_683 = arith.addf %add3A_669, %pad3A_682 : vector<96x96xf32>
    %get3A_684 = arith.constant 46 : index
    %get3A_685 = arith.constant 0 : index
    %get3A_686 = arith.constant 0 : index
    %get3A_687 = vector.load %arg0[%get3A_684, %get3A_685, %get3A_686] : memref<147x96x96xf32, #tpu.memory_space<vmem>>, vector<1x90x90xf32>
    %get3A_688 = vector.shape_cast %get3A_687 : vector<1x90x90xf32> to vector<90x90xf32>
    %jit3A_689 = arith.constant 0 : i32
    %convert_element_type3A_690 = arith.sitofp %jit3A_689 : i32 to f32
    %pad3A_691 = vector.broadcast %convert_element_type3A_690 : f32 to vector<6x90xf32>
    %pad3A_692 = tpu.concatenate %pad3A_691, %get3A_688 in 0 : vector<6x90xf32>, vector<90x90xf32> -> vector<96x90xf32>
    %pad3A_693 = vector.broadcast %convert_element_type3A_690 : f32 to vector<96x4xf32>
    %pad3A_694 = tpu.concatenate %pad3A_693, %pad3A_692 in 1 : vector<96x4xf32>, vector<96x90xf32> -> vector<96x94xf32>
    %pad3A_695 = vector.broadcast %convert_element_type3A_690 : f32 to vector<96x2xf32>
    %pad3A_696 = tpu.concatenate %pad3A_694, %pad3A_695 in 1 : vector<96x94xf32>, vector<96x2xf32> -> vector<96x96xf32>
    %add3A_697 = arith.addf %add3A_683, %pad3A_696 : vector<96x96xf32>
    %get3A_698 = arith.constant 47 : index
    %get3A_699 = arith.constant 0 : index
    %get3A_700 = arith.constant 0 : index
    %get3A_701 = vector.load %arg0[%get3A_698, %get3A_699, %get3A_700] : memref<147x96x96xf32, #tpu.memory_space<vmem>>, vector<1x90x90xf32>
    %get3A_702 = vector.shape_cast %get3A_701 : vector<1x90x90xf32> to vector<90x90xf32>
    %jit3A_703 = arith.constant 0 : i32
    %convert_element_type3A_704 = arith.sitofp %jit3A_703 : i32 to f32
    %pad3A_705 = vector.broadcast %convert_element_type3A_704 : f32 to vector<6x90xf32>
    %pad3A_706 = tpu.concatenate %pad3A_705, %get3A_702 in 0 : vector<6x90xf32>, vector<90x90xf32> -> vector<96x90xf32>
    %pad3A_707 = vector.broadcast %convert_element_type3A_704 : f32 to vector<96x5xf32>
    %pad3A_708 = tpu.concatenate %pad3A_707, %pad3A_706 in 1 : vector<96x5xf32>, vector<96x90xf32> -> vector<96x95xf32>
    %pad3A_709 = vector.broadcast %convert_element_type3A_704 : f32 to vector<96x1xf32>
    %pad3A_710 = tpu.concatenate %pad3A_708, %pad3A_709 in 1 : vector<96x95xf32>, vector<96x1xf32> -> vector<96x96xf32>
    %add3A_711 = arith.addf %add3A_697, %pad3A_710 : vector<96x96xf32>
    %get3A_712 = arith.constant 48 : index
    %get3A_713 = arith.constant 0 : index
    %get3A_714 = arith.constant 0 : index
    %get3A_715 = vector.load %arg0[%get3A_712, %get3A_713, %get3A_714] : memref<147x96x96xf32, #tpu.memory_space<vmem>>, vector<1x90x90xf32>
    %get3A_716 = vector.shape_cast %get3A_715 : vector<1x90x90xf32> to vector<90x90xf32>
    %jit3A_717 = arith.constant 0 : i32
    %convert_element_type3A_718 = arith.sitofp %jit3A_717 : i32 to f32
    %pad3A_719 = vector.broadcast %convert_element_type3A_718 : f32 to vector<6x90xf32>
    %pad3A_720 = tpu.concatenate %pad3A_719, %get3A_716 in 0 : vector<6x90xf32>, vector<90x90xf32> -> vector<96x90xf32>
    %pad3A_721 = vector.broadcast %convert_element_type3A_718 : f32 to vector<96x6xf32>
    %pad3A_722 = tpu.concatenate %pad3A_721, %pad3A_720 in 1 : vector<96x6xf32>, vector<96x90xf32> -> vector<96x96xf32>
    %add3A_723 = arith.addf %add3A_711, %pad3A_722 : vector<96x96xf32>
    %broadcast_in_dim3A_724 = vector.shape_cast %add3A_723 : vector<96x96xf32> to vector<1x96x96xf32>
    %broadcast_in_dim3A_725 = arith.constant 0.000000e+00 : f32
    %broadcast_in_dim3A_726 = vector.broadcast %broadcast_in_dim3A_725 : f32 to vector<96x96xf32>
    %get3A_727 = arith.constant 49 : index
    %get3A_728 = arith.constant 0 : index
    %get3A_729 = arith.constant 0 : index
    %get3A_730 = vector.load %arg0[%get3A_727, %get3A_728, %get3A_729] : memref<147x96x96xf32, #tpu.memory_space<vmem>>, vector<1x90x90xf32>
    %get3A_731 = vector.shape_cast %get3A_730 : vector<1x90x90xf32> to vector<90x90xf32>
    %jit3A_732 = arith.constant 0 : i32
    %convert_element_type3A_733 = arith.sitofp %jit3A_732 : i32 to f32
    %pad3A_734 = vector.broadcast %convert_element_type3A_733 : f32 to vector<6x90xf32>
    %pad3A_735 = tpu.concatenate %get3A_731, %pad3A_734 in 0 : vector<90x90xf32>, vector<6x90xf32> -> vector<96x90xf32>
    %pad3A_736 = vector.broadcast %convert_element_type3A_733 : f32 to vector<96x6xf32>
    %pad3A_737 = tpu.concatenate %pad3A_735, %pad3A_736 in 1 : vector<96x90xf32>, vector<96x6xf32> -> vector<96x96xf32>
    %add3A_738 = arith.addf %broadcast_in_dim3A_726, %pad3A_737 : vector<96x96xf32>
    %get3A_739 = arith.constant 50 : index
    %get3A_740 = arith.constant 0 : index
    %get3A_741 = arith.constant 0 : index
    %get3A_742 = vector.load %arg0[%get3A_739, %get3A_740, %get3A_741] : memref<147x96x96xf32, #tpu.memory_space<vmem>>, vector<1x90x90xf32>
    %get3A_743 = vector.shape_cast %get3A_742 : vector<1x90x90xf32> to vector<90x90xf32>
    %jit3A_744 = arith.constant 0 : i32
    %convert_element_type3A_745 = arith.sitofp %jit3A_744 : i32 to f32
    %pad3A_746 = vector.broadcast %convert_element_type3A_745 : f32 to vector<6x90xf32>
    %pad3A_747 = tpu.concatenate %get3A_743, %pad3A_746 in 0 : vector<90x90xf32>, vector<6x90xf32> -> vector<96x90xf32>
    %pad3A_748 = vector.broadcast %convert_element_type3A_745 : f32 to vector<96x1xf32>
    %pad3A_749 = tpu.concatenate %pad3A_748, %pad3A_747 in 1 : vector<96x1xf32>, vector<96x90xf32> -> vector<96x91xf32>
    %pad3A_750 = vector.broadcast %convert_element_type3A_745 : f32 to vector<96x5xf32>
    %pad3A_751 = tpu.concatenate %pad3A_749, %pad3A_750 in 1 : vector<96x91xf32>, vector<96x5xf32> -> vector<96x96xf32>
    %add3A_752 = arith.addf %add3A_738, %pad3A_751 : vector<96x96xf32>
    %get3A_753 = arith.constant 51 : index
    %get3A_754 = arith.constant 0 : index
    %get3A_755 = arith.constant 0 : index
    %get3A_756 = vector.load %arg0[%get3A_753, %get3A_754, %get3A_755] : memref<147x96x96xf32, #tpu.memory_space<vmem>>, vector<1x90x90xf32>
    %get3A_757 = vector.shape_cast %get3A_756 : vector<1x90x90xf32> to vector<90x90xf32>
    %jit3A_758 = arith.constant 0 : i32
    %convert_element_type3A_759 = arith.sitofp %jit3A_758 : i32 to f32
    %pad3A_760 = vector.broadcast %convert_element_type3A_759 : f32 to vector<6x90xf32>
    %pad3A_761 = tpu.concatenate %get3A_757, %pad3A_760 in 0 : vector<90x90xf32>, vector<6x90xf32> -> vector<96x90xf32>
    %pad3A_762 = vector.broadcast %convert_element_type3A_759 : f32 to vector<96x2xf32>
    %pad3A_763 = tpu.concatenate %pad3A_762, %pad3A_761 in 1 : vector<96x2xf32>, vector<96x90xf32> -> vector<96x92xf32>
    %pad3A_764 = vector.broadcast %convert_element_type3A_759 : f32 to vector<96x4xf32>
    %pad3A_765 = tpu.concatenate %pad3A_763, %pad3A_764 in 1 : vector<96x92xf32>, vector<96x4xf32> -> vector<96x96xf32>
    %add3A_766 = arith.addf %add3A_752, %pad3A_765 : vector<96x96xf32>
    %get3A_767 = arith.constant 52 : index
    %get3A_768 = arith.constant 0 : index
    %get3A_769 = arith.constant 0 : index
    %get3A_770 = vector.load %arg0[%get3A_767, %get3A_768, %get3A_769] : memref<147x96x96xf32, #tpu.memory_space<vmem>>, vector<1x90x90xf32>
    %get3A_771 = vector.shape_cast %get3A_770 : vector<1x90x90xf32> to vector<90x90xf32>
    %jit3A_772 = arith.constant 0 : i32
    %convert_element_type3A_773 = arith.sitofp %jit3A_772 : i32 to f32
    %pad3A_774 = vector.broadcast %convert_element_type3A_773 : f32 to vector<6x90xf32>
    %pad3A_775 = tpu.concatenate %get3A_771, %pad3A_774 in 0 : vector<90x90xf32>, vector<6x90xf32> -> vector<96x90xf32>
    %pad3A_776 = vector.broadcast %convert_element_type3A_773 : f32 to vector<96x3xf32>
    %pad3A_777 = tpu.concatenate %pad3A_776, %pad3A_775 in 1 : vector<96x3xf32>, vector<96x90xf32> -> vector<96x93xf32>
    %pad3A_778 = vector.broadcast %convert_element_type3A_773 : f32 to vector<96x3xf32>
    %pad3A_779 = tpu.concatenate %pad3A_777, %pad3A_778 in 1 : vector<96x93xf32>, vector<96x3xf32> -> vector<96x96xf32>
    %add3A_780 = arith.addf %add3A_766, %pad3A_779 : vector<96x96xf32>
    %get3A_781 = arith.constant 53 : index
    %get3A_782 = arith.constant 0 : index
    %get3A_783 = arith.constant 0 : index
    %get3A_784 = vector.load %arg0[%get3A_781, %get3A_782, %get3A_783] : memref<147x96x96xf32, #tpu.memory_space<vmem>>, vector<1x90x90xf32>
    %get3A_785 = vector.shape_cast %get3A_784 : vector<1x90x90xf32> to vector<90x90xf32>
    %jit3A_786 = arith.constant 0 : i32
    %convert_element_type3A_787 = arith.sitofp %jit3A_786 : i32 to f32
    %pad3A_788 = vector.broadcast %convert_element_type3A_787 : f32 to vector<6x90xf32>
    %pad3A_789 = tpu.concatenate %get3A_785, %pad3A_788 in 0 : vector<90x90xf32>, vector<6x90xf32> -> vector<96x90xf32>
    %pad3A_790 = vector.broadcast %convert_element_type3A_787 : f32 to vector<96x4xf32>
    %pad3A_791 = tpu.concatenate %pad3A_790, %pad3A_789 in 1 : vector<96x4xf32>, vector<96x90xf32> -> vector<96x94xf32>
    %pad3A_792 = vector.broadcast %convert_element_type3A_787 : f32 to vector<96x2xf32>
    %pad3A_793 = tpu.concatenate %pad3A_791, %pad3A_792 in 1 : vector<96x94xf32>, vector<96x2xf32> -> vector<96x96xf32>
    %add3A_794 = arith.addf %add3A_780, %pad3A_793 : vector<96x96xf32>
    %get3A_795 = arith.constant 54 : index
    %get3A_796 = arith.constant 0 : index
    %get3A_797 = arith.constant 0 : index
    %get3A_798 = vector.load %arg0[%get3A_795, %get3A_796, %get3A_797] : memref<147x96x96xf32, #tpu.memory_space<vmem>>, vector<1x90x90xf32>
    %get3A_799 = vector.shape_cast %get3A_798 : vector<1x90x90xf32> to vector<90x90xf32>
    %jit3A_800 = arith.constant 0 : i32
    %convert_element_type3A_801 = arith.sitofp %jit3A_800 : i32 to f32
    %pad3A_802 = vector.broadcast %convert_element_type3A_801 : f32 to vector<6x90xf32>
    %pad3A_803 = tpu.concatenate %get3A_799, %pad3A_802 in 0 : vector<90x90xf32>, vector<6x90xf32> -> vector<96x90xf32>
    %pad3A_804 = vector.broadcast %convert_element_type3A_801 : f32 to vector<96x5xf32>
    %pad3A_805 = tpu.concatenate %pad3A_804, %pad3A_803 in 1 : vector<96x5xf32>, vector<96x90xf32> -> vector<96x95xf32>
    %pad3A_806 = vector.broadcast %convert_element_type3A_801 : f32 to vector<96x1xf32>
    %pad3A_807 = tpu.concatenate %pad3A_805, %pad3A_806 in 1 : vector<96x95xf32>, vector<96x1xf32> -> vector<96x96xf32>
    %add3A_808 = arith.addf %add3A_794, %pad3A_807 : vector<96x96xf32>
    %get3A_809 = arith.constant 55 : index
    %get3A_810 = arith.constant 0 : index
    %get3A_811 = arith.constant 0 : index
    %get3A_812 = vector.load %arg0[%get3A_809, %get3A_810, %get3A_811] : memref<147x96x96xf32, #tpu.memory_space<vmem>>, vector<1x90x90xf32>
    %get3A_813 = vector.shape_cast %get3A_812 : vector<1x90x90xf32> to vector<90x90xf32>
    %jit3A_814 = arith.constant 0 : i32
    %convert_element_type3A_815 = arith.sitofp %jit3A_814 : i32 to f32
    %pad3A_816 = vector.broadcast %convert_element_type3A_815 : f32 to vector<6x90xf32>
    %pad3A_817 = tpu.concatenate %get3A_813, %pad3A_816 in 0 : vector<90x90xf32>, vector<6x90xf32> -> vector<96x90xf32>
    %pad3A_818 = vector.broadcast %convert_element_type3A_815 : f32 to vector<96x6xf32>
    %pad3A_819 = tpu.concatenate %pad3A_818, %pad3A_817 in 1 : vector<96x6xf32>, vector<96x90xf32> -> vector<96x96xf32>
    %add3A_820 = arith.addf %add3A_808, %pad3A_819 : vector<96x96xf32>
    %get3A_821 = arith.constant 56 : index
    %get3A_822 = arith.constant 0 : index
    %get3A_823 = arith.constant 0 : index
    %get3A_824 = vector.load %arg0[%get3A_821, %get3A_822, %get3A_823] : memref<147x96x96xf32, #tpu.memory_space<vmem>>, vector<1x90x90xf32>
    %get3A_825 = vector.shape_cast %get3A_824 : vector<1x90x90xf32> to vector<90x90xf32>
    %jit3A_826 = arith.constant 0 : i32
    %convert_element_type3A_827 = arith.sitofp %jit3A_826 : i32 to f32
    %pad3A_828 = vector.broadcast %convert_element_type3A_827 : f32 to vector<1x90xf32>
    %pad3A_829 = tpu.concatenate %pad3A_828, %get3A_825 in 0 : vector<1x90xf32>, vector<90x90xf32> -> vector<91x90xf32>
    %pad3A_830 = vector.broadcast %convert_element_type3A_827 : f32 to vector<5x90xf32>
    %pad3A_831 = tpu.concatenate %pad3A_829, %pad3A_830 in 0 : vector<91x90xf32>, vector<5x90xf32> -> vector<96x90xf32>
    %pad3A_832 = vector.broadcast %convert_element_type3A_827 : f32 to vector<96x6xf32>
    %pad3A_833 = tpu.concatenate %pad3A_831, %pad3A_832 in 1 : vector<96x90xf32>, vector<96x6xf32> -> vector<96x96xf32>
    %add3A_834 = arith.addf %add3A_820, %pad3A_833 : vector<96x96xf32>
    %get3A_835 = arith.constant 57 : index
    %get3A_836 = arith.constant 0 : index
    %get3A_837 = arith.constant 0 : index
    %get3A_838 = vector.load %arg0[%get3A_835, %get3A_836, %get3A_837] : memref<147x96x96xf32, #tpu.memory_space<vmem>>, vector<1x90x90xf32>
    %get3A_839 = vector.shape_cast %get3A_838 : vector<1x90x90xf32> to vector<90x90xf32>
    %jit3A_840 = arith.constant 0 : i32
    %convert_element_type3A_841 = arith.sitofp %jit3A_840 : i32 to f32
    %pad3A_842 = vector.broadcast %convert_element_type3A_841 : f32 to vector<1x90xf32>
    %pad3A_843 = tpu.concatenate %pad3A_842, %get3A_839 in 0 : vector<1x90xf32>, vector<90x90xf32> -> vector<91x90xf32>
    %pad3A_844 = vector.broadcast %convert_element_type3A_841 : f32 to vector<5x90xf32>
    %pad3A_845 = tpu.concatenate %pad3A_843, %pad3A_844 in 0 : vector<91x90xf32>, vector<5x90xf32> -> vector<96x90xf32>
    %pad3A_846 = vector.broadcast %convert_element_type3A_841 : f32 to vector<96x1xf32>
    %pad3A_847 = tpu.concatenate %pad3A_846, %pad3A_845 in 1 : vector<96x1xf32>, vector<96x90xf32> -> vector<96x91xf32>
    %pad3A_848 = vector.broadcast %convert_element_type3A_841 : f32 to vector<96x5xf32>
    %pad3A_849 = tpu.concatenate %pad3A_847, %pad3A_848 in 1 : vector<96x91xf32>, vector<96x5xf32> -> vector<96x96xf32>
    %add3A_850 = arith.addf %add3A_834, %pad3A_849 : vector<96x96xf32>
    %get3A_851 = arith.constant 58 : index
    %get3A_852 = arith.constant 0 : index
    %get3A_853 = arith.constant 0 : index
    %get3A_854 = vector.load %arg0[%get3A_851, %get3A_852, %get3A_853] : memref<147x96x96xf32, #tpu.memory_space<vmem>>, vector<1x90x90xf32>
    %get3A_855 = vector.shape_cast %get3A_854 : vector<1x90x90xf32> to vector<90x90xf32>
    %jit3A_856 = arith.constant 0 : i32
    %convert_element_type3A_857 = arith.sitofp %jit3A_856 : i32 to f32
    %pad3A_858 = vector.broadcast %convert_element_type3A_857 : f32 to vector<1x90xf32>
    %pad3A_859 = tpu.concatenate %pad3A_858, %get3A_855 in 0 : vector<1x90xf32>, vector<90x90xf32> -> vector<91x90xf32>
    %pad3A_860 = vector.broadcast %convert_element_type3A_857 : f32 to vector<5x90xf32>
    %pad3A_861 = tpu.concatenate %pad3A_859, %pad3A_860 in 0 : vector<91x90xf32>, vector<5x90xf32> -> vector<96x90xf32>
    %pad3A_862 = vector.broadcast %convert_element_type3A_857 : f32 to vector<96x2xf32>
    %pad3A_863 = tpu.concatenate %pad3A_862, %pad3A_861 in 1 : vector<96x2xf32>, vector<96x90xf32> -> vector<96x92xf32>
    %pad3A_864 = vector.broadcast %convert_element_type3A_857 : f32 to vector<96x4xf32>
    %pad3A_865 = tpu.concatenate %pad3A_863, %pad3A_864 in 1 : vector<96x92xf32>, vector<96x4xf32> -> vector<96x96xf32>
    %add3A_866 = arith.addf %add3A_850, %pad3A_865 : vector<96x96xf32>
    %get3A_867 = arith.constant 59 : index
    %get3A_868 = arith.constant 0 : index
    %get3A_869 = arith.constant 0 : index
    %get3A_870 = vector.load %arg0[%get3A_867, %get3A_868, %get3A_869] : memref<147x96x96xf32, #tpu.memory_space<vmem>>, vector<1x90x90xf32>
    %get3A_871 = vector.shape_cast %get3A_870 : vector<1x90x90xf32> to vector<90x90xf32>
    %jit3A_872 = arith.constant 0 : i32
    %convert_element_type3A_873 = arith.sitofp %jit3A_872 : i32 to f32
    %pad3A_874 = vector.broadcast %convert_element_type3A_873 : f32 to vector<1x90xf32>
    %pad3A_875 = tpu.concatenate %pad3A_874, %get3A_871 in 0 : vector<1x90xf32>, vector<90x90xf32> -> vector<91x90xf32>
    %pad3A_876 = vector.broadcast %convert_element_type3A_873 : f32 to vector<5x90xf32>
    %pad3A_877 = tpu.concatenate %pad3A_875, %pad3A_876 in 0 : vector<91x90xf32>, vector<5x90xf32> -> vector<96x90xf32>
    %pad3A_878 = vector.broadcast %convert_element_type3A_873 : f32 to vector<96x3xf32>
    %pad3A_879 = tpu.concatenate %pad3A_878, %pad3A_877 in 1 : vector<96x3xf32>, vector<96x90xf32> -> vector<96x93xf32>
    %pad3A_880 = vector.broadcast %convert_element_type3A_873 : f32 to vector<96x3xf32>
    %pad3A_881 = tpu.concatenate %pad3A_879, %pad3A_880 in 1 : vector<96x93xf32>, vector<96x3xf32> -> vector<96x96xf32>
    %add3A_882 = arith.addf %add3A_866, %pad3A_881 : vector<96x96xf32>
    %get3A_883 = arith.constant 60 : index
    %get3A_884 = arith.constant 0 : index
    %get3A_885 = arith.constant 0 : index
    %get3A_886 = vector.load %arg0[%get3A_883, %get3A_884, %get3A_885] : memref<147x96x96xf32, #tpu.memory_space<vmem>>, vector<1x90x90xf32>
    %get3A_887 = vector.shape_cast %get3A_886 : vector<1x90x90xf32> to vector<90x90xf32>
    %jit3A_888 = arith.constant 0 : i32
    %convert_element_type3A_889 = arith.sitofp %jit3A_888 : i32 to f32
    %pad3A_890 = vector.broadcast %convert_element_type3A_889 : f32 to vector<1x90xf32>
    %pad3A_891 = tpu.concatenate %pad3A_890, %get3A_887 in 0 : vector<1x90xf32>, vector<90x90xf32> -> vector<91x90xf32>
    %pad3A_892 = vector.broadcast %convert_element_type3A_889 : f32 to vector<5x90xf32>
    %pad3A_893 = tpu.concatenate %pad3A_891, %pad3A_892 in 0 : vector<91x90xf32>, vector<5x90xf32> -> vector<96x90xf32>
    %pad3A_894 = vector.broadcast %convert_element_type3A_889 : f32 to vector<96x4xf32>
    %pad3A_895 = tpu.concatenate %pad3A_894, %pad3A_893 in 1 : vector<96x4xf32>, vector<96x90xf32> -> vector<96x94xf32>
    %pad3A_896 = vector.broadcast %convert_element_type3A_889 : f32 to vector<96x2xf32>
    %pad3A_897 = tpu.concatenate %pad3A_895, %pad3A_896 in 1 : vector<96x94xf32>, vector<96x2xf32> -> vector<96x96xf32>
    %add3A_898 = arith.addf %add3A_882, %pad3A_897 : vector<96x96xf32>
    %get3A_899 = arith.constant 61 : index
    %get3A_900 = arith.constant 0 : index
    %get3A_901 = arith.constant 0 : index
    %get3A_902 = vector.load %arg0[%get3A_899, %get3A_900, %get3A_901] : memref<147x96x96xf32, #tpu.memory_space<vmem>>, vector<1x90x90xf32>
    %get3A_903 = vector.shape_cast %get3A_902 : vector<1x90x90xf32> to vector<90x90xf32>
    %jit3A_904 = arith.constant 0 : i32
    %convert_element_type3A_905 = arith.sitofp %jit3A_904 : i32 to f32
    %pad3A_906 = vector.broadcast %convert_element_type3A_905 : f32 to vector<1x90xf32>
    %pad3A_907 = tpu.concatenate %pad3A_906, %get3A_903 in 0 : vector<1x90xf32>, vector<90x90xf32> -> vector<91x90xf32>
    %pad3A_908 = vector.broadcast %convert_element_type3A_905 : f32 to vector<5x90xf32>
    %pad3A_909 = tpu.concatenate %pad3A_907, %pad3A_908 in 0 : vector<91x90xf32>, vector<5x90xf32> -> vector<96x90xf32>
    %pad3A_910 = vector.broadcast %convert_element_type3A_905 : f32 to vector<96x5xf32>
    %pad3A_911 = tpu.concatenate %pad3A_910, %pad3A_909 in 1 : vector<96x5xf32>, vector<96x90xf32> -> vector<96x95xf32>
    %pad3A_912 = vector.broadcast %convert_element_type3A_905 : f32 to vector<96x1xf32>
    %pad3A_913 = tpu.concatenate %pad3A_911, %pad3A_912 in 1 : vector<96x95xf32>, vector<96x1xf32> -> vector<96x96xf32>
    %add3A_914 = arith.addf %add3A_898, %pad3A_913 : vector<96x96xf32>
    %get3A_915 = arith.constant 62 : index
    %get3A_916 = arith.constant 0 : index
    %get3A_917 = arith.constant 0 : index
    %get3A_918 = vector.load %arg0[%get3A_915, %get3A_916, %get3A_917] : memref<147x96x96xf32, #tpu.memory_space<vmem>>, vector<1x90x90xf32>
    %get3A_919 = vector.shape_cast %get3A_918 : vector<1x90x90xf32> to vector<90x90xf32>
    %jit3A_920 = arith.constant 0 : i32
    %convert_element_type3A_921 = arith.sitofp %jit3A_920 : i32 to f32
    %pad3A_922 = vector.broadcast %convert_element_type3A_921 : f32 to vector<1x90xf32>
    %pad3A_923 = tpu.concatenate %pad3A_922, %get3A_919 in 0 : vector<1x90xf32>, vector<90x90xf32> -> vector<91x90xf32>
    %pad3A_924 = vector.broadcast %convert_element_type3A_921 : f32 to vector<5x90xf32>
    %pad3A_925 = tpu.concatenate %pad3A_923, %pad3A_924 in 0 : vector<91x90xf32>, vector<5x90xf32> -> vector<96x90xf32>
    %pad3A_926 = vector.broadcast %convert_element_type3A_921 : f32 to vector<96x6xf32>
    %pad3A_927 = tpu.concatenate %pad3A_926, %pad3A_925 in 1 : vector<96x6xf32>, vector<96x90xf32> -> vector<96x96xf32>
    %add3A_928 = arith.addf %add3A_914, %pad3A_927 : vector<96x96xf32>
    %get3A_929 = arith.constant 63 : index
    %get3A_930 = arith.constant 0 : index
    %get3A_931 = arith.constant 0 : index
    %get3A_932 = vector.load %arg0[%get3A_929, %get3A_930, %get3A_931] : memref<147x96x96xf32, #tpu.memory_space<vmem>>, vector<1x90x90xf32>
    %get3A_933 = vector.shape_cast %get3A_932 : vector<1x90x90xf32> to vector<90x90xf32>
    %jit3A_934 = arith.constant 0 : i32
    %convert_element_type3A_935 = arith.sitofp %jit3A_934 : i32 to f32
    %pad3A_936 = vector.broadcast %convert_element_type3A_935 : f32 to vector<2x90xf32>
    %pad3A_937 = tpu.concatenate %pad3A_936, %get3A_933 in 0 : vector<2x90xf32>, vector<90x90xf32> -> vector<92x90xf32>
    %pad3A_938 = vector.broadcast %convert_element_type3A_935 : f32 to vector<4x90xf32>
    %pad3A_939 = tpu.concatenate %pad3A_937, %pad3A_938 in 0 : vector<92x90xf32>, vector<4x90xf32> -> vector<96x90xf32>
    %pad3A_940 = vector.broadcast %convert_element_type3A_935 : f32 to vector<96x6xf32>
    %pad3A_941 = tpu.concatenate %pad3A_939, %pad3A_940 in 1 : vector<96x90xf32>, vector<96x6xf32> -> vector<96x96xf32>
    %add3A_942 = arith.addf %add3A_928, %pad3A_941 : vector<96x96xf32>
    %get3A_943 = arith.constant 64 : index
    %get3A_944 = arith.constant 0 : index
    %get3A_945 = arith.constant 0 : index
    %get3A_946 = vector.load %arg0[%get3A_943, %get3A_944, %get3A_945] : memref<147x96x96xf32, #tpu.memory_space<vmem>>, vector<1x90x90xf32>
    %get3A_947 = vector.shape_cast %get3A_946 : vector<1x90x90xf32> to vector<90x90xf32>
    %jit3A_948 = arith.constant 0 : i32
    %convert_element_type3A_949 = arith.sitofp %jit3A_948 : i32 to f32
    %pad3A_950 = vector.broadcast %convert_element_type3A_949 : f32 to vector<2x90xf32>
    %pad3A_951 = tpu.concatenate %pad3A_950, %get3A_947 in 0 : vector<2x90xf32>, vector<90x90xf32> -> vector<92x90xf32>
    %pad3A_952 = vector.broadcast %convert_element_type3A_949 : f32 to vector<4x90xf32>
    %pad3A_953 = tpu.concatenate %pad3A_951, %pad3A_952 in 0 : vector<92x90xf32>, vector<4x90xf32> -> vector<96x90xf32>
    %pad3A_954 = vector.broadcast %convert_element_type3A_949 : f32 to vector<96x1xf32>
    %pad3A_955 = tpu.concatenate %pad3A_954, %pad3A_953 in 1 : vector<96x1xf32>, vector<96x90xf32> -> vector<96x91xf32>
    %pad3A_956 = vector.broadcast %convert_element_type3A_949 : f32 to vector<96x5xf32>
    %pad3A_957 = tpu.concatenate %pad3A_955, %pad3A_956 in 1 : vector<96x91xf32>, vector<96x5xf32> -> vector<96x96xf32>
    %add3A_958 = arith.addf %add3A_942, %pad3A_957 : vector<96x96xf32>
    %get3A_959 = arith.constant 65 : index
    %get3A_960 = arith.constant 0 : index
    %get3A_961 = arith.constant 0 : index
    %get3A_962 = vector.load %arg0[%get3A_959, %get3A_960, %get3A_961] : memref<147x96x96xf32, #tpu.memory_space<vmem>>, vector<1x90x90xf32>
    %get3A_963 = vector.shape_cast %get3A_962 : vector<1x90x90xf32> to vector<90x90xf32>
    %jit3A_964 = arith.constant 0 : i32
    %convert_element_type3A_965 = arith.sitofp %jit3A_964 : i32 to f32
    %pad3A_966 = vector.broadcast %convert_element_type3A_965 : f32 to vector<2x90xf32>
    %pad3A_967 = tpu.concatenate %pad3A_966, %get3A_963 in 0 : vector<2x90xf32>, vector<90x90xf32> -> vector<92x90xf32>
    %pad3A_968 = vector.broadcast %convert_element_type3A_965 : f32 to vector<4x90xf32>
    %pad3A_969 = tpu.concatenate %pad3A_967, %pad3A_968 in 0 : vector<92x90xf32>, vector<4x90xf32> -> vector<96x90xf32>
    %pad3A_970 = vector.broadcast %convert_element_type3A_965 : f32 to vector<96x2xf32>
    %pad3A_971 = tpu.concatenate %pad3A_970, %pad3A_969 in 1 : vector<96x2xf32>, vector<96x90xf32> -> vector<96x92xf32>
    %pad3A_972 = vector.broadcast %convert_element_type3A_965 : f32 to vector<96x4xf32>
    %pad3A_973 = tpu.concatenate %pad3A_971, %pad3A_972 in 1 : vector<96x92xf32>, vector<96x4xf32> -> vector<96x96xf32>
    %add3A_974 = arith.addf %add3A_958, %pad3A_973 : vector<96x96xf32>
    %get3A_975 = arith.constant 66 : index
    %get3A_976 = arith.constant 0 : index
    %get3A_977 = arith.constant 0 : index
    %get3A_978 = vector.load %arg0[%get3A_975, %get3A_976, %get3A_977] : memref<147x96x96xf32, #tpu.memory_space<vmem>>, vector<1x90x90xf32>
    %get3A_979 = vector.shape_cast %get3A_978 : vector<1x90x90xf32> to vector<90x90xf32>
    %jit3A_980 = arith.constant 0 : i32
    %convert_element_type3A_981 = arith.sitofp %jit3A_980 : i32 to f32
    %pad3A_982 = vector.broadcast %convert_element_type3A_981 : f32 to vector<2x90xf32>
    %pad3A_983 = tpu.concatenate %pad3A_982, %get3A_979 in 0 : vector<2x90xf32>, vector<90x90xf32> -> vector<92x90xf32>
    %pad3A_984 = vector.broadcast %convert_element_type3A_981 : f32 to vector<4x90xf32>
    %pad3A_985 = tpu.concatenate %pad3A_983, %pad3A_984 in 0 : vector<92x90xf32>, vector<4x90xf32> -> vector<96x90xf32>
    %pad3A_986 = vector.broadcast %convert_element_type3A_981 : f32 to vector<96x3xf32>
    %pad3A_987 = tpu.concatenate %pad3A_986, %pad3A_985 in 1 : vector<96x3xf32>, vector<96x90xf32> -> vector<96x93xf32>
    %pad3A_988 = vector.broadcast %convert_element_type3A_981 : f32 to vector<96x3xf32>
    %pad3A_989 = tpu.concatenate %pad3A_987, %pad3A_988 in 1 : vector<96x93xf32>, vector<96x3xf32> -> vector<96x96xf32>
    %add3A_990 = arith.addf %add3A_974, %pad3A_989 : vector<96x96xf32>
    %get3A_991 = arith.constant 67 : index
    %get3A_992 = arith.constant 0 : index
    %get3A_993 = arith.constant 0 : index
    %get3A_994 = vector.load %arg0[%get3A_991, %get3A_992, %get3A_993] : memref<147x96x96xf32, #tpu.memory_space<vmem>>, vector<1x90x90xf32>
    %get3A_995 = vector.shape_cast %get3A_994 : vector<1x90x90xf32> to vector<90x90xf32>
    %jit3A_996 = arith.constant 0 : i32
    %convert_element_type3A_997 = arith.sitofp %jit3A_996 : i32 to f32
    %pad3A_998 = vector.broadcast %convert_element_type3A_997 : f32 to vector<2x90xf32>
    %pad3A_999 = tpu.concatenate %pad3A_998, %get3A_995 in 0 : vector<2x90xf32>, vector<90x90xf32> -> vector<92x90xf32>
    %pad3A_1000 = vector.broadcast %convert_element_type3A_997 : f32 to vector<4x90xf32>
    %pad3A_1001 = tpu.concatenate %pad3A_999, %pad3A_1000 in 0 : vector<92x90xf32>, vector<4x90xf32> -> vector<96x90xf32>
    %pad3A_1002 = vector.broadcast %convert_element_type3A_997 : f32 to vector<96x4xf32>
    %pad3A_1003 = tpu.concatenate %pad3A_1002, %pad3A_1001 in 1 : vector<96x4xf32>, vector<96x90xf32> -> vector<96x94xf32>
    %pad3A_1004 = vector.broadcast %convert_element_type3A_997 : f32 to vector<96x2xf32>
    %pad3A_1005 = tpu.concatenate %pad3A_1003, %pad3A_1004 in 1 : vector<96x94xf32>, vector<96x2xf32> -> vector<96x96xf32>
    %add3A_1006 = arith.addf %add3A_990, %pad3A_1005 : vector<96x96xf32>
    %get3A_1007 = arith.constant 68 : index
    %get3A_1008 = arith.constant 0 : index
    %get3A_1009 = arith.constant 0 : index
    %get3A_1010 = vector.load %arg0[%get3A_1007, %get3A_1008, %get3A_1009] : memref<147x96x96xf32, #tpu.memory_space<vmem>>, vector<1x90x90xf32>
    %get3A_1011 = vector.shape_cast %get3A_1010 : vector<1x90x90xf32> to vector<90x90xf32>
    %jit3A_1012 = arith.constant 0 : i32
    %convert_element_type3A_1013 = arith.sitofp %jit3A_1012 : i32 to f32
    %pad3A_1014 = vector.broadcast %convert_element_type3A_1013 : f32 to vector<2x90xf32>
    %pad3A_1015 = tpu.concatenate %pad3A_1014, %get3A_1011 in 0 : vector<2x90xf32>, vector<90x90xf32> -> vector<92x90xf32>
    %pad3A_1016 = vector.broadcast %convert_element_type3A_1013 : f32 to vector<4x90xf32>
    %pad3A_1017 = tpu.concatenate %pad3A_1015, %pad3A_1016 in 0 : vector<92x90xf32>, vector<4x90xf32> -> vector<96x90xf32>
    %pad3A_1018 = vector.broadcast %convert_element_type3A_1013 : f32 to vector<96x5xf32>
    %pad3A_1019 = tpu.concatenate %pad3A_1018, %pad3A_1017 in 1 : vector<96x5xf32>, vector<96x90xf32> -> vector<96x95xf32>
    %pad3A_1020 = vector.broadcast %convert_element_type3A_1013 : f32 to vector<96x1xf32>
    %pad3A_1021 = tpu.concatenate %pad3A_1019, %pad3A_1020 in 1 : vector<96x95xf32>, vector<96x1xf32> -> vector<96x96xf32>
    %add3A_1022 = arith.addf %add3A_1006, %pad3A_1021 : vector<96x96xf32>
    %get3A_1023 = arith.constant 69 : index
    %get3A_1024 = arith.constant 0 : index
    %get3A_1025 = arith.constant 0 : index
    %get3A_1026 = vector.load %arg0[%get3A_1023, %get3A_1024, %get3A_1025] : memref<147x96x96xf32, #tpu.memory_space<vmem>>, vector<1x90x90xf32>
    %get3A_1027 = vector.shape_cast %get3A_1026 : vector<1x90x90xf32> to vector<90x90xf32>
    %jit3A_1028 = arith.constant 0 : i32
    %convert_element_type3A_1029 = arith.sitofp %jit3A_1028 : i32 to f32
    %pad3A_1030 = vector.broadcast %convert_element_type3A_1029 : f32 to vector<2x90xf32>
    %pad3A_1031 = tpu.concatenate %pad3A_1030, %get3A_1027 in 0 : vector<2x90xf32>, vector<90x90xf32> -> vector<92x90xf32>
    %pad3A_1032 = vector.broadcast %convert_element_type3A_1029 : f32 to vector<4x90xf32>
    %pad3A_1033 = tpu.concatenate %pad3A_1031, %pad3A_1032 in 0 : vector<92x90xf32>, vector<4x90xf32> -> vector<96x90xf32>
    %pad3A_1034 = vector.broadcast %convert_element_type3A_1029 : f32 to vector<96x6xf32>
    %pad3A_1035 = tpu.concatenate %pad3A_1034, %pad3A_1033 in 1 : vector<96x6xf32>, vector<96x90xf32> -> vector<96x96xf32>
    %add3A_1036 = arith.addf %add3A_1022, %pad3A_1035 : vector<96x96xf32>
    %get3A_1037 = arith.constant 70 : index
    %get3A_1038 = arith.constant 0 : index
    %get3A_1039 = arith.constant 0 : index
    %get3A_1040 = vector.load %arg0[%get3A_1037, %get3A_1038, %get3A_1039] : memref<147x96x96xf32, #tpu.memory_space<vmem>>, vector<1x90x90xf32>
    %get3A_1041 = vector.shape_cast %get3A_1040 : vector<1x90x90xf32> to vector<90x90xf32>
    %jit3A_1042 = arith.constant 0 : i32
    %convert_element_type3A_1043 = arith.sitofp %jit3A_1042 : i32 to f32
    %pad3A_1044 = vector.broadcast %convert_element_type3A_1043 : f32 to vector<3x90xf32>
    %pad3A_1045 = tpu.concatenate %pad3A_1044, %get3A_1041 in 0 : vector<3x90xf32>, vector<90x90xf32> -> vector<93x90xf32>
    %pad3A_1046 = vector.broadcast %convert_element_type3A_1043 : f32 to vector<3x90xf32>
    %pad3A_1047 = tpu.concatenate %pad3A_1045, %pad3A_1046 in 0 : vector<93x90xf32>, vector<3x90xf32> -> vector<96x90xf32>
    %pad3A_1048 = vector.broadcast %convert_element_type3A_1043 : f32 to vector<96x6xf32>
    %pad3A_1049 = tpu.concatenate %pad3A_1047, %pad3A_1048 in 1 : vector<96x90xf32>, vector<96x6xf32> -> vector<96x96xf32>
    %add3A_1050 = arith.addf %add3A_1036, %pad3A_1049 : vector<96x96xf32>
    %get3A_1051 = arith.constant 71 : index
    %get3A_1052 = arith.constant 0 : index
    %get3A_1053 = arith.constant 0 : index
    %get3A_1054 = vector.load %arg0[%get3A_1051, %get3A_1052, %get3A_1053] : memref<147x96x96xf32, #tpu.memory_space<vmem>>, vector<1x90x90xf32>
    %get3A_1055 = vector.shape_cast %get3A_1054 : vector<1x90x90xf32> to vector<90x90xf32>
    %jit3A_1056 = arith.constant 0 : i32
    %convert_element_type3A_1057 = arith.sitofp %jit3A_1056 : i32 to f32
    %pad3A_1058 = vector.broadcast %convert_element_type3A_1057 : f32 to vector<3x90xf32>
    %pad3A_1059 = tpu.concatenate %pad3A_1058, %get3A_1055 in 0 : vector<3x90xf32>, vector<90x90xf32> -> vector<93x90xf32>
    %pad3A_1060 = vector.broadcast %convert_element_type3A_1057 : f32 to vector<3x90xf32>
    %pad3A_1061 = tpu.concatenate %pad3A_1059, %pad3A_1060 in 0 : vector<93x90xf32>, vector<3x90xf32> -> vector<96x90xf32>
    %pad3A_1062 = vector.broadcast %convert_element_type3A_1057 : f32 to vector<96x1xf32>
    %pad3A_1063 = tpu.concatenate %pad3A_1062, %pad3A_1061 in 1 : vector<96x1xf32>, vector<96x90xf32> -> vector<96x91xf32>
    %pad3A_1064 = vector.broadcast %convert_element_type3A_1057 : f32 to vector<96x5xf32>
    %pad3A_1065 = tpu.concatenate %pad3A_1063, %pad3A_1064 in 1 : vector<96x91xf32>, vector<96x5xf32> -> vector<96x96xf32>
    %add3A_1066 = arith.addf %add3A_1050, %pad3A_1065 : vector<96x96xf32>
    %get3A_1067 = arith.constant 72 : index
    %get3A_1068 = arith.constant 0 : index
    %get3A_1069 = arith.constant 0 : index
    %get3A_1070 = vector.load %arg0[%get3A_1067, %get3A_1068, %get3A_1069] : memref<147x96x96xf32, #tpu.memory_space<vmem>>, vector<1x90x90xf32>
    %get3A_1071 = vector.shape_cast %get3A_1070 : vector<1x90x90xf32> to vector<90x90xf32>
    %jit3A_1072 = arith.constant 0 : i32
    %convert_element_type3A_1073 = arith.sitofp %jit3A_1072 : i32 to f32
    %pad3A_1074 = vector.broadcast %convert_element_type3A_1073 : f32 to vector<3x90xf32>
    %pad3A_1075 = tpu.concatenate %pad3A_1074, %get3A_1071 in 0 : vector<3x90xf32>, vector<90x90xf32> -> vector<93x90xf32>
    %pad3A_1076 = vector.broadcast %convert_element_type3A_1073 : f32 to vector<3x90xf32>
    %pad3A_1077 = tpu.concatenate %pad3A_1075, %pad3A_1076 in 0 : vector<93x90xf32>, vector<3x90xf32> -> vector<96x90xf32>
    %pad3A_1078 = vector.broadcast %convert_element_type3A_1073 : f32 to vector<96x2xf32>
    %pad3A_1079 = tpu.concatenate %pad3A_1078, %pad3A_1077 in 1 : vector<96x2xf32>, vector<96x90xf32> -> vector<96x92xf32>
    %pad3A_1080 = vector.broadcast %convert_element_type3A_1073 : f32 to vector<96x4xf32>
    %pad3A_1081 = tpu.concatenate %pad3A_1079, %pad3A_1080 in 1 : vector<96x92xf32>, vector<96x4xf32> -> vector<96x96xf32>
    %add3A_1082 = arith.addf %add3A_1066, %pad3A_1081 : vector<96x96xf32>
    %get3A_1083 = arith.constant 73 : index
    %get3A_1084 = arith.constant 0 : index
    %get3A_1085 = arith.constant 0 : index
    %get3A_1086 = vector.load %arg0[%get3A_1083, %get3A_1084, %get3A_1085] : memref<147x96x96xf32, #tpu.memory_space<vmem>>, vector<1x90x90xf32>
    %get3A_1087 = vector.shape_cast %get3A_1086 : vector<1x90x90xf32> to vector<90x90xf32>
    %jit3A_1088 = arith.constant 0 : i32
    %convert_element_type3A_1089 = arith.sitofp %jit3A_1088 : i32 to f32
    %pad3A_1090 = vector.broadcast %convert_element_type3A_1089 : f32 to vector<3x90xf32>
    %pad3A_1091 = tpu.concatenate %pad3A_1090, %get3A_1087 in 0 : vector<3x90xf32>, vector<90x90xf32> -> vector<93x90xf32>
    %pad3A_1092 = vector.broadcast %convert_element_type3A_1089 : f32 to vector<3x90xf32>
    %pad3A_1093 = tpu.concatenate %pad3A_1091, %pad3A_1092 in 0 : vector<93x90xf32>, vector<3x90xf32> -> vector<96x90xf32>
    %pad3A_1094 = vector.broadcast %convert_element_type3A_1089 : f32 to vector<96x3xf32>
    %pad3A_1095 = tpu.concatenate %pad3A_1094, %pad3A_1093 in 1 : vector<96x3xf32>, vector<96x90xf32> -> vector<96x93xf32>
    %pad3A_1096 = vector.broadcast %convert_element_type3A_1089 : f32 to vector<96x3xf32>
    %pad3A_1097 = tpu.concatenate %pad3A_1095, %pad3A_1096 in 1 : vector<96x93xf32>, vector<96x3xf32> -> vector<96x96xf32>
    %add3A_1098 = arith.addf %add3A_1082, %pad3A_1097 : vector<96x96xf32>
    %get3A_1099 = arith.constant 74 : index
    %get3A_1100 = arith.constant 0 : index
    %get3A_1101 = arith.constant 0 : index
    %get3A_1102 = vector.load %arg0[%get3A_1099, %get3A_1100, %get3A_1101] : memref<147x96x96xf32, #tpu.memory_space<vmem>>, vector<1x90x90xf32>
    %get3A_1103 = vector.shape_cast %get3A_1102 : vector<1x90x90xf32> to vector<90x90xf32>
    %jit3A_1104 = arith.constant 0 : i32
    %convert_element_type3A_1105 = arith.sitofp %jit3A_1104 : i32 to f32
    %pad3A_1106 = vector.broadcast %convert_element_type3A_1105 : f32 to vector<3x90xf32>
    %pad3A_1107 = tpu.concatenate %pad3A_1106, %get3A_1103 in 0 : vector<3x90xf32>, vector<90x90xf32> -> vector<93x90xf32>
    %pad3A_1108 = vector.broadcast %convert_element_type3A_1105 : f32 to vector<3x90xf32>
    %pad3A_1109 = tpu.concatenate %pad3A_1107, %pad3A_1108 in 0 : vector<93x90xf32>, vector<3x90xf32> -> vector<96x90xf32>
    %pad3A_1110 = vector.broadcast %convert_element_type3A_1105 : f32 to vector<96x4xf32>
    %pad3A_1111 = tpu.concatenate %pad3A_1110, %pad3A_1109 in 1 : vector<96x4xf32>, vector<96x90xf32> -> vector<96x94xf32>
    %pad3A_1112 = vector.broadcast %convert_element_type3A_1105 : f32 to vector<96x2xf32>
    %pad3A_1113 = tpu.concatenate %pad3A_1111, %pad3A_1112 in 1 : vector<96x94xf32>, vector<96x2xf32> -> vector<96x96xf32>
    %add3A_1114 = arith.addf %add3A_1098, %pad3A_1113 : vector<96x96xf32>
    %get3A_1115 = arith.constant 75 : index
    %get3A_1116 = arith.constant 0 : index
    %get3A_1117 = arith.constant 0 : index
    %get3A_1118 = vector.load %arg0[%get3A_1115, %get3A_1116, %get3A_1117] : memref<147x96x96xf32, #tpu.memory_space<vmem>>, vector<1x90x90xf32>
    %get3A_1119 = vector.shape_cast %get3A_1118 : vector<1x90x90xf32> to vector<90x90xf32>
    %jit3A_1120 = arith.constant 0 : i32
    %convert_element_type3A_1121 = arith.sitofp %jit3A_1120 : i32 to f32
    %pad3A_1122 = vector.broadcast %convert_element_type3A_1121 : f32 to vector<3x90xf32>
    %pad3A_1123 = tpu.concatenate %pad3A_1122, %get3A_1119 in 0 : vector<3x90xf32>, vector<90x90xf32> -> vector<93x90xf32>
    %pad3A_1124 = vector.broadcast %convert_element_type3A_1121 : f32 to vector<3x90xf32>
    %pad3A_1125 = tpu.concatenate %pad3A_1123, %pad3A_1124 in 0 : vector<93x90xf32>, vector<3x90xf32> -> vector<96x90xf32>
    %pad3A_1126 = vector.broadcast %convert_element_type3A_1121 : f32 to vector<96x5xf32>
    %pad3A_1127 = tpu.concatenate %pad3A_1126, %pad3A_1125 in 1 : vector<96x5xf32>, vector<96x90xf32> -> vector<96x95xf32>
    %pad3A_1128 = vector.broadcast %convert_element_type3A_1121 : f32 to vector<96x1xf32>
    %pad3A_1129 = tpu.concatenate %pad3A_1127, %pad3A_1128 in 1 : vector<96x95xf32>, vector<96x1xf32> -> vector<96x96xf32>
    %add3A_1130 = arith.addf %add3A_1114, %pad3A_1129 : vector<96x96xf32>
    %get3A_1131 = arith.constant 76 : index
    %get3A_1132 = arith.constant 0 : index
    %get3A_1133 = arith.constant 0 : index
    %get3A_1134 = vector.load %arg0[%get3A_1131, %get3A_1132, %get3A_1133] : memref<147x96x96xf32, #tpu.memory_space<vmem>>, vector<1x90x90xf32>
    %get3A_1135 = vector.shape_cast %get3A_1134 : vector<1x90x90xf32> to vector<90x90xf32>
    %jit3A_1136 = arith.constant 0 : i32
    %convert_element_type3A_1137 = arith.sitofp %jit3A_1136 : i32 to f32
    %pad3A_1138 = vector.broadcast %convert_element_type3A_1137 : f32 to vector<3x90xf32>
    %pad3A_1139 = tpu.concatenate %pad3A_1138, %get3A_1135 in 0 : vector<3x90xf32>, vector<90x90xf32> -> vector<93x90xf32>
    %pad3A_1140 = vector.broadcast %convert_element_type3A_1137 : f32 to vector<3x90xf32>
    %pad3A_1141 = tpu.concatenate %pad3A_1139, %pad3A_1140 in 0 : vector<93x90xf32>, vector<3x90xf32> -> vector<96x90xf32>
    %pad3A_1142 = vector.broadcast %convert_element_type3A_1137 : f32 to vector<96x6xf32>
    %pad3A_1143 = tpu.concatenate %pad3A_1142, %pad3A_1141 in 1 : vector<96x6xf32>, vector<96x90xf32> -> vector<96x96xf32>
    %add3A_1144 = arith.addf %add3A_1130, %pad3A_1143 : vector<96x96xf32>
    %get3A_1145 = arith.constant 77 : index
    %get3A_1146 = arith.constant 0 : index
    %get3A_1147 = arith.constant 0 : index
    %get3A_1148 = vector.load %arg0[%get3A_1145, %get3A_1146, %get3A_1147] : memref<147x96x96xf32, #tpu.memory_space<vmem>>, vector<1x90x90xf32>
    %get3A_1149 = vector.shape_cast %get3A_1148 : vector<1x90x90xf32> to vector<90x90xf32>
    %jit3A_1150 = arith.constant 0 : i32
    %convert_element_type3A_1151 = arith.sitofp %jit3A_1150 : i32 to f32
    %pad3A_1152 = vector.broadcast %convert_element_type3A_1151 : f32 to vector<4x90xf32>
    %pad3A_1153 = tpu.concatenate %pad3A_1152, %get3A_1149 in 0 : vector<4x90xf32>, vector<90x90xf32> -> vector<94x90xf32>
    %pad3A_1154 = vector.broadcast %convert_element_type3A_1151 : f32 to vector<2x90xf32>
    %pad3A_1155 = tpu.concatenate %pad3A_1153, %pad3A_1154 in 0 : vector<94x90xf32>, vector<2x90xf32> -> vector<96x90xf32>
    %pad3A_1156 = vector.broadcast %convert_element_type3A_1151 : f32 to vector<96x6xf32>
    %pad3A_1157 = tpu.concatenate %pad3A_1155, %pad3A_1156 in 1 : vector<96x90xf32>, vector<96x6xf32> -> vector<96x96xf32>
    %add3A_1158 = arith.addf %add3A_1144, %pad3A_1157 : vector<96x96xf32>
    %get3A_1159 = arith.constant 78 : index
    %get3A_1160 = arith.constant 0 : index
    %get3A_1161 = arith.constant 0 : index
    %get3A_1162 = vector.load %arg0[%get3A_1159, %get3A_1160, %get3A_1161] : memref<147x96x96xf32, #tpu.memory_space<vmem>>, vector<1x90x90xf32>
    %get3A_1163 = vector.shape_cast %get3A_1162 : vector<1x90x90xf32> to vector<90x90xf32>
    %jit3A_1164 = arith.constant 0 : i32
    %convert_element_type3A_1165 = arith.sitofp %jit3A_1164 : i32 to f32
    %pad3A_1166 = vector.broadcast %convert_element_type3A_1165 : f32 to vector<4x90xf32>
    %pad3A_1167 = tpu.concatenate %pad3A_1166, %get3A_1163 in 0 : vector<4x90xf32>, vector<90x90xf32> -> vector<94x90xf32>
    %pad3A_1168 = vector.broadcast %convert_element_type3A_1165 : f32 to vector<2x90xf32>
    %pad3A_1169 = tpu.concatenate %pad3A_1167, %pad3A_1168 in 0 : vector<94x90xf32>, vector<2x90xf32> -> vector<96x90xf32>
    %pad3A_1170 = vector.broadcast %convert_element_type3A_1165 : f32 to vector<96x1xf32>
    %pad3A_1171 = tpu.concatenate %pad3A_1170, %pad3A_1169 in 1 : vector<96x1xf32>, vector<96x90xf32> -> vector<96x91xf32>
    %pad3A_1172 = vector.broadcast %convert_element_type3A_1165 : f32 to vector<96x5xf32>
    %pad3A_1173 = tpu.concatenate %pad3A_1171, %pad3A_1172 in 1 : vector<96x91xf32>, vector<96x5xf32> -> vector<96x96xf32>
    %add3A_1174 = arith.addf %add3A_1158, %pad3A_1173 : vector<96x96xf32>
    %get3A_1175 = arith.constant 79 : index
    %get3A_1176 = arith.constant 0 : index
    %get3A_1177 = arith.constant 0 : index
    %get3A_1178 = vector.load %arg0[%get3A_1175, %get3A_1176, %get3A_1177] : memref<147x96x96xf32, #tpu.memory_space<vmem>>, vector<1x90x90xf32>
    %get3A_1179 = vector.shape_cast %get3A_1178 : vector<1x90x90xf32> to vector<90x90xf32>
    %jit3A_1180 = arith.constant 0 : i32
    %convert_element_type3A_1181 = arith.sitofp %jit3A_1180 : i32 to f32
    %pad3A_1182 = vector.broadcast %convert_element_type3A_1181 : f32 to vector<4x90xf32>
    %pad3A_1183 = tpu.concatenate %pad3A_1182, %get3A_1179 in 0 : vector<4x90xf32>, vector<90x90xf32> -> vector<94x90xf32>
    %pad3A_1184 = vector.broadcast %convert_element_type3A_1181 : f32 to vector<2x90xf32>
    %pad3A_1185 = tpu.concatenate %pad3A_1183, %pad3A_1184 in 0 : vector<94x90xf32>, vector<2x90xf32> -> vector<96x90xf32>
    %pad3A_1186 = vector.broadcast %convert_element_type3A_1181 : f32 to vector<96x2xf32>
    %pad3A_1187 = tpu.concatenate %pad3A_1186, %pad3A_1185 in 1 : vector<96x2xf32>, vector<96x90xf32> -> vector<96x92xf32>
    %pad3A_1188 = vector.broadcast %convert_element_type3A_1181 : f32 to vector<96x4xf32>
    %pad3A_1189 = tpu.concatenate %pad3A_1187, %pad3A_1188 in 1 : vector<96x92xf32>, vector<96x4xf32> -> vector<96x96xf32>
    %add3A_1190 = arith.addf %add3A_1174, %pad3A_1189 : vector<96x96xf32>
    %get3A_1191 = arith.constant 80 : index
    %get3A_1192 = arith.constant 0 : index
    %get3A_1193 = arith.constant 0 : index
    %get3A_1194 = vector.load %arg0[%get3A_1191, %get3A_1192, %get3A_1193] : memref<147x96x96xf32, #tpu.memory_space<vmem>>, vector<1x90x90xf32>
    %get3A_1195 = vector.shape_cast %get3A_1194 : vector<1x90x90xf32> to vector<90x90xf32>
    %jit3A_1196 = arith.constant 0 : i32
    %convert_element_type3A_1197 = arith.sitofp %jit3A_1196 : i32 to f32
    %pad3A_1198 = vector.broadcast %convert_element_type3A_1197 : f32 to vector<4x90xf32>
    %pad3A_1199 = tpu.concatenate %pad3A_1198, %get3A_1195 in 0 : vector<4x90xf32>, vector<90x90xf32> -> vector<94x90xf32>
    %pad3A_1200 = vector.broadcast %convert_element_type3A_1197 : f32 to vector<2x90xf32>
    %pad3A_1201 = tpu.concatenate %pad3A_1199, %pad3A_1200 in 0 : vector<94x90xf32>, vector<2x90xf32> -> vector<96x90xf32>
    %pad3A_1202 = vector.broadcast %convert_element_type3A_1197 : f32 to vector<96x3xf32>
    %pad3A_1203 = tpu.concatenate %pad3A_1202, %pad3A_1201 in 1 : vector<96x3xf32>, vector<96x90xf32> -> vector<96x93xf32>
    %pad3A_1204 = vector.broadcast %convert_element_type3A_1197 : f32 to vector<96x3xf32>
    %pad3A_1205 = tpu.concatenate %pad3A_1203, %pad3A_1204 in 1 : vector<96x93xf32>, vector<96x3xf32> -> vector<96x96xf32>
    %add3A_1206 = arith.addf %add3A_1190, %pad3A_1205 : vector<96x96xf32>
    %get3A_1207 = arith.constant 81 : index
    %get3A_1208 = arith.constant 0 : index
    %get3A_1209 = arith.constant 0 : index
    %get3A_1210 = vector.load %arg0[%get3A_1207, %get3A_1208, %get3A_1209] : memref<147x96x96xf32, #tpu.memory_space<vmem>>, vector<1x90x90xf32>
    %get3A_1211 = vector.shape_cast %get3A_1210 : vector<1x90x90xf32> to vector<90x90xf32>
    %jit3A_1212 = arith.constant 0 : i32
    %convert_element_type3A_1213 = arith.sitofp %jit3A_1212 : i32 to f32
    %pad3A_1214 = vector.broadcast %convert_element_type3A_1213 : f32 to vector<4x90xf32>
    %pad3A_1215 = tpu.concatenate %pad3A_1214, %get3A_1211 in 0 : vector<4x90xf32>, vector<90x90xf32> -> vector<94x90xf32>
    %pad3A_1216 = vector.broadcast %convert_element_type3A_1213 : f32 to vector<2x90xf32>
    %pad3A_1217 = tpu.concatenate %pad3A_1215, %pad3A_1216 in 0 : vector<94x90xf32>, vector<2x90xf32> -> vector<96x90xf32>
    %pad3A_1218 = vector.broadcast %convert_element_type3A_1213 : f32 to vector<96x4xf32>
    %pad3A_1219 = tpu.concatenate %pad3A_1218, %pad3A_1217 in 1 : vector<96x4xf32>, vector<96x90xf32> -> vector<96x94xf32>
    %pad3A_1220 = vector.broadcast %convert_element_type3A_1213 : f32 to vector<96x2xf32>
    %pad3A_1221 = tpu.concatenate %pad3A_1219, %pad3A_1220 in 1 : vector<96x94xf32>, vector<96x2xf32> -> vector<96x96xf32>
    %add3A_1222 = arith.addf %add3A_1206, %pad3A_1221 : vector<96x96xf32>
    %get3A_1223 = arith.constant 82 : index
    %get3A_1224 = arith.constant 0 : index
    %get3A_1225 = arith.constant 0 : index
    %get3A_1226 = vector.load %arg0[%get3A_1223, %get3A_1224, %get3A_1225] : memref<147x96x96xf32, #tpu.memory_space<vmem>>, vector<1x90x90xf32>
    %get3A_1227 = vector.shape_cast %get3A_1226 : vector<1x90x90xf32> to vector<90x90xf32>
    %jit3A_1228 = arith.constant 0 : i32
    %convert_element_type3A_1229 = arith.sitofp %jit3A_1228 : i32 to f32
    %pad3A_1230 = vector.broadcast %convert_element_type3A_1229 : f32 to vector<4x90xf32>
    %pad3A_1231 = tpu.concatenate %pad3A_1230, %get3A_1227 in 0 : vector<4x90xf32>, vector<90x90xf32> -> vector<94x90xf32>
    %pad3A_1232 = vector.broadcast %convert_element_type3A_1229 : f32 to vector<2x90xf32>
    %pad3A_1233 = tpu.concatenate %pad3A_1231, %pad3A_1232 in 0 : vector<94x90xf32>, vector<2x90xf32> -> vector<96x90xf32>
    %pad3A_1234 = vector.broadcast %convert_element_type3A_1229 : f32 to vector<96x5xf32>
    %pad3A_1235 = tpu.concatenate %pad3A_1234, %pad3A_1233 in 1 : vector<96x5xf32>, vector<96x90xf32> -> vector<96x95xf32>
    %pad3A_1236 = vector.broadcast %convert_element_type3A_1229 : f32 to vector<96x1xf32>
    %pad3A_1237 = tpu.concatenate %pad3A_1235, %pad3A_1236 in 1 : vector<96x95xf32>, vector<96x1xf32> -> vector<96x96xf32>
    %add3A_1238 = arith.addf %add3A_1222, %pad3A_1237 : vector<96x96xf32>
    %get3A_1239 = arith.constant 83 : index
    %get3A_1240 = arith.constant 0 : index
    %get3A_1241 = arith.constant 0 : index
    %get3A_1242 = vector.load %arg0[%get3A_1239, %get3A_1240, %get3A_1241] : memref<147x96x96xf32, #tpu.memory_space<vmem>>, vector<1x90x90xf32>
    %get3A_1243 = vector.shape_cast %get3A_1242 : vector<1x90x90xf32> to vector<90x90xf32>
    %jit3A_1244 = arith.constant 0 : i32
    %convert_element_type3A_1245 = arith.sitofp %jit3A_1244 : i32 to f32
    %pad3A_1246 = vector.broadcast %convert_element_type3A_1245 : f32 to vector<4x90xf32>
    %pad3A_1247 = tpu.concatenate %pad3A_1246, %get3A_1243 in 0 : vector<4x90xf32>, vector<90x90xf32> -> vector<94x90xf32>
    %pad3A_1248 = vector.broadcast %convert_element_type3A_1245 : f32 to vector<2x90xf32>
    %pad3A_1249 = tpu.concatenate %pad3A_1247, %pad3A_1248 in 0 : vector<94x90xf32>, vector<2x90xf32> -> vector<96x90xf32>
    %pad3A_1250 = vector.broadcast %convert_element_type3A_1245 : f32 to vector<96x6xf32>
    %pad3A_1251 = tpu.concatenate %pad3A_1250, %pad3A_1249 in 1 : vector<96x6xf32>, vector<96x90xf32> -> vector<96x96xf32>
    %add3A_1252 = arith.addf %add3A_1238, %pad3A_1251 : vector<96x96xf32>
    %get3A_1253 = arith.constant 84 : index
    %get3A_1254 = arith.constant 0 : index
    %get3A_1255 = arith.constant 0 : index
    %get3A_1256 = vector.load %arg0[%get3A_1253, %get3A_1254, %get3A_1255] : memref<147x96x96xf32, #tpu.memory_space<vmem>>, vector<1x90x90xf32>
    %get3A_1257 = vector.shape_cast %get3A_1256 : vector<1x90x90xf32> to vector<90x90xf32>
    %jit3A_1258 = arith.constant 0 : i32
    %convert_element_type3A_1259 = arith.sitofp %jit3A_1258 : i32 to f32
    %pad3A_1260 = vector.broadcast %convert_element_type3A_1259 : f32 to vector<5x90xf32>
    %pad3A_1261 = tpu.concatenate %pad3A_1260, %get3A_1257 in 0 : vector<5x90xf32>, vector<90x90xf32> -> vector<95x90xf32>
    %pad3A_1262 = vector.broadcast %convert_element_type3A_1259 : f32 to vector<1x90xf32>
    %pad3A_1263 = tpu.concatenate %pad3A_1261, %pad3A_1262 in 0 : vector<95x90xf32>, vector<1x90xf32> -> vector<96x90xf32>
    %pad3A_1264 = vector.broadcast %convert_element_type3A_1259 : f32 to vector<96x6xf32>
    %pad3A_1265 = tpu.concatenate %pad3A_1263, %pad3A_1264 in 1 : vector<96x90xf32>, vector<96x6xf32> -> vector<96x96xf32>
    %add3A_1266 = arith.addf %add3A_1252, %pad3A_1265 : vector<96x96xf32>
    %get3A_1267 = arith.constant 85 : index
    %get3A_1268 = arith.constant 0 : index
    %get3A_1269 = arith.constant 0 : index
    %get3A_1270 = vector.load %arg0[%get3A_1267, %get3A_1268, %get3A_1269] : memref<147x96x96xf32, #tpu.memory_space<vmem>>, vector<1x90x90xf32>
    %get3A_1271 = vector.shape_cast %get3A_1270 : vector<1x90x90xf32> to vector<90x90xf32>
    %jit3A_1272 = arith.constant 0 : i32
    %convert_element_type3A_1273 = arith.sitofp %jit3A_1272 : i32 to f32
    %pad3A_1274 = vector.broadcast %convert_element_type3A_1273 : f32 to vector<5x90xf32>
    %pad3A_1275 = tpu.concatenate %pad3A_1274, %get3A_1271 in 0 : vector<5x90xf32>, vector<90x90xf32> -> vector<95x90xf32>
    %pad3A_1276 = vector.broadcast %convert_element_type3A_1273 : f32 to vector<1x90xf32>
    %pad3A_1277 = tpu.concatenate %pad3A_1275, %pad3A_1276 in 0 : vector<95x90xf32>, vector<1x90xf32> -> vector<96x90xf32>
    %pad3A_1278 = vector.broadcast %convert_element_type3A_1273 : f32 to vector<96x1xf32>
    %pad3A_1279 = tpu.concatenate %pad3A_1278, %pad3A_1277 in 1 : vector<96x1xf32>, vector<96x90xf32> -> vector<96x91xf32>
    %pad3A_1280 = vector.broadcast %convert_element_type3A_1273 : f32 to vector<96x5xf32>
    %pad3A_1281 = tpu.concatenate %pad3A_1279, %pad3A_1280 in 1 : vector<96x91xf32>, vector<96x5xf32> -> vector<96x96xf32>
    %add3A_1282 = arith.addf %add3A_1266, %pad3A_1281 : vector<96x96xf32>
    %get3A_1283 = arith.constant 86 : index
    %get3A_1284 = arith.constant 0 : index
    %get3A_1285 = arith.constant 0 : index
    %get3A_1286 = vector.load %arg0[%get3A_1283, %get3A_1284, %get3A_1285] : memref<147x96x96xf32, #tpu.memory_space<vmem>>, vector<1x90x90xf32>
    %get3A_1287 = vector.shape_cast %get3A_1286 : vector<1x90x90xf32> to vector<90x90xf32>
    %jit3A_1288 = arith.constant 0 : i32
    %convert_element_type3A_1289 = arith.sitofp %jit3A_1288 : i32 to f32
    %pad3A_1290 = vector.broadcast %convert_element_type3A_1289 : f32 to vector<5x90xf32>
    %pad3A_1291 = tpu.concatenate %pad3A_1290, %get3A_1287 in 0 : vector<5x90xf32>, vector<90x90xf32> -> vector<95x90xf32>
    %pad3A_1292 = vector.broadcast %convert_element_type3A_1289 : f32 to vector<1x90xf32>
    %pad3A_1293 = tpu.concatenate %pad3A_1291, %pad3A_1292 in 0 : vector<95x90xf32>, vector<1x90xf32> -> vector<96x90xf32>
    %pad3A_1294 = vector.broadcast %convert_element_type3A_1289 : f32 to vector<96x2xf32>
    %pad3A_1295 = tpu.concatenate %pad3A_1294, %pad3A_1293 in 1 : vector<96x2xf32>, vector<96x90xf32> -> vector<96x92xf32>
    %pad3A_1296 = vector.broadcast %convert_element_type3A_1289 : f32 to vector<96x4xf32>
    %pad3A_1297 = tpu.concatenate %pad3A_1295, %pad3A_1296 in 1 : vector<96x92xf32>, vector<96x4xf32> -> vector<96x96xf32>
    %add3A_1298 = arith.addf %add3A_1282, %pad3A_1297 : vector<96x96xf32>
    %get3A_1299 = arith.constant 87 : index
    %get3A_1300 = arith.constant 0 : index
    %get3A_1301 = arith.constant 0 : index
    %get3A_1302 = vector.load %arg0[%get3A_1299, %get3A_1300, %get3A_1301] : memref<147x96x96xf32, #tpu.memory_space<vmem>>, vector<1x90x90xf32>
    %get3A_1303 = vector.shape_cast %get3A_1302 : vector<1x90x90xf32> to vector<90x90xf32>
    %jit3A_1304 = arith.constant 0 : i32
    %convert_element_type3A_1305 = arith.sitofp %jit3A_1304 : i32 to f32
    %pad3A_1306 = vector.broadcast %convert_element_type3A_1305 : f32 to vector<5x90xf32>
    %pad3A_1307 = tpu.concatenate %pad3A_1306, %get3A_1303 in 0 : vector<5x90xf32>, vector<90x90xf32> -> vector<95x90xf32>
    %pad3A_1308 = vector.broadcast %convert_element_type3A_1305 : f32 to vector<1x90xf32>
    %pad3A_1309 = tpu.concatenate %pad3A_1307, %pad3A_1308 in 0 : vector<95x90xf32>, vector<1x90xf32> -> vector<96x90xf32>
    %pad3A_1310 = vector.broadcast %convert_element_type3A_1305 : f32 to vector<96x3xf32>
    %pad3A_1311 = tpu.concatenate %pad3A_1310, %pad3A_1309 in 1 : vector<96x3xf32>, vector<96x90xf32> -> vector<96x93xf32>
    %pad3A_1312 = vector.broadcast %convert_element_type3A_1305 : f32 to vector<96x3xf32>
    %pad3A_1313 = tpu.concatenate %pad3A_1311, %pad3A_1312 in 1 : vector<96x93xf32>, vector<96x3xf32> -> vector<96x96xf32>
    %add3A_1314 = arith.addf %add3A_1298, %pad3A_1313 : vector<96x96xf32>
    %get3A_1315 = arith.constant 88 : index
    %get3A_1316 = arith.constant 0 : index
    %get3A_1317 = arith.constant 0 : index
    %get3A_1318 = vector.load %arg0[%get3A_1315, %get3A_1316, %get3A_1317] : memref<147x96x96xf32, #tpu.memory_space<vmem>>, vector<1x90x90xf32>
    %get3A_1319 = vector.shape_cast %get3A_1318 : vector<1x90x90xf32> to vector<90x90xf32>
    %jit3A_1320 = arith.constant 0 : i32
    %convert_element_type3A_1321 = arith.sitofp %jit3A_1320 : i32 to f32
    %pad3A_1322 = vector.broadcast %convert_element_type3A_1321 : f32 to vector<5x90xf32>
    %pad3A_1323 = tpu.concatenate %pad3A_1322, %get3A_1319 in 0 : vector<5x90xf32>, vector<90x90xf32> -> vector<95x90xf32>
    %pad3A_1324 = vector.broadcast %convert_element_type3A_1321 : f32 to vector<1x90xf32>
    %pad3A_1325 = tpu.concatenate %pad3A_1323, %pad3A_1324 in 0 : vector<95x90xf32>, vector<1x90xf32> -> vector<96x90xf32>
    %pad3A_1326 = vector.broadcast %convert_element_type3A_1321 : f32 to vector<96x4xf32>
    %pad3A_1327 = tpu.concatenate %pad3A_1326, %pad3A_1325 in 1 : vector<96x4xf32>, vector<96x90xf32> -> vector<96x94xf32>
    %pad3A_1328 = vector.broadcast %convert_element_type3A_1321 : f32 to vector<96x2xf32>
    %pad3A_1329 = tpu.concatenate %pad3A_1327, %pad3A_1328 in 1 : vector<96x94xf32>, vector<96x2xf32> -> vector<96x96xf32>
    %add3A_1330 = arith.addf %add3A_1314, %pad3A_1329 : vector<96x96xf32>
    %get3A_1331 = arith.constant 89 : index
    %get3A_1332 = arith.constant 0 : index
    %get3A_1333 = arith.constant 0 : index
    %get3A_1334 = vector.load %arg0[%get3A_1331, %get3A_1332, %get3A_1333] : memref<147x96x96xf32, #tpu.memory_space<vmem>>, vector<1x90x90xf32>
    %get3A_1335 = vector.shape_cast %get3A_1334 : vector<1x90x90xf32> to vector<90x90xf32>
    %jit3A_1336 = arith.constant 0 : i32
    %convert_element_type3A_1337 = arith.sitofp %jit3A_1336 : i32 to f32
    %pad3A_1338 = vector.broadcast %convert_element_type3A_1337 : f32 to vector<5x90xf32>
    %pad3A_1339 = tpu.concatenate %pad3A_1338, %get3A_1335 in 0 : vector<5x90xf32>, vector<90x90xf32> -> vector<95x90xf32>
    %pad3A_1340 = vector.broadcast %convert_element_type3A_1337 : f32 to vector<1x90xf32>
    %pad3A_1341 = tpu.concatenate %pad3A_1339, %pad3A_1340 in 0 : vector<95x90xf32>, vector<1x90xf32> -> vector<96x90xf32>
    %pad3A_1342 = vector.broadcast %convert_element_type3A_1337 : f32 to vector<96x5xf32>
    %pad3A_1343 = tpu.concatenate %pad3A_1342, %pad3A_1341 in 1 : vector<96x5xf32>, vector<96x90xf32> -> vector<96x95xf32>
    %pad3A_1344 = vector.broadcast %convert_element_type3A_1337 : f32 to vector<96x1xf32>
    %pad3A_1345 = tpu.concatenate %pad3A_1343, %pad3A_1344 in 1 : vector<96x95xf32>, vector<96x1xf32> -> vector<96x96xf32>
    %add3A_1346 = arith.addf %add3A_1330, %pad3A_1345 : vector<96x96xf32>
    %get3A_1347 = arith.constant 90 : index
    %get3A_1348 = arith.constant 0 : index
    %get3A_1349 = arith.constant 0 : index
    %get3A_1350 = vector.load %arg0[%get3A_1347, %get3A_1348, %get3A_1349] : memref<147x96x96xf32, #tpu.memory_space<vmem>>, vector<1x90x90xf32>
    %get3A_1351 = vector.shape_cast %get3A_1350 : vector<1x90x90xf32> to vector<90x90xf32>
    %jit3A_1352 = arith.constant 0 : i32
    %convert_element_type3A_1353 = arith.sitofp %jit3A_1352 : i32 to f32
    %pad3A_1354 = vector.broadcast %convert_element_type3A_1353 : f32 to vector<5x90xf32>
    %pad3A_1355 = tpu.concatenate %pad3A_1354, %get3A_1351 in 0 : vector<5x90xf32>, vector<90x90xf32> -> vector<95x90xf32>
    %pad3A_1356 = vector.broadcast %convert_element_type3A_1353 : f32 to vector<1x90xf32>
    %pad3A_1357 = tpu.concatenate %pad3A_1355, %pad3A_1356 in 0 : vector<95x90xf32>, vector<1x90xf32> -> vector<96x90xf32>
    %pad3A_1358 = vector.broadcast %convert_element_type3A_1353 : f32 to vector<96x6xf32>
    %pad3A_1359 = tpu.concatenate %pad3A_1358, %pad3A_1357 in 1 : vector<96x6xf32>, vector<96x90xf32> -> vector<96x96xf32>
    %add3A_1360 = arith.addf %add3A_1346, %pad3A_1359 : vector<96x96xf32>
    %get3A_1361 = arith.constant 91 : index
    %get3A_1362 = arith.constant 0 : index
    %get3A_1363 = arith.constant 0 : index
    %get3A_1364 = vector.load %arg0[%get3A_1361, %get3A_1362, %get3A_1363] : memref<147x96x96xf32, #tpu.memory_space<vmem>>, vector<1x90x90xf32>
    %get3A_1365 = vector.shape_cast %get3A_1364 : vector<1x90x90xf32> to vector<90x90xf32>
    %jit3A_1366 = arith.constant 0 : i32
    %convert_element_type3A_1367 = arith.sitofp %jit3A_1366 : i32 to f32
    %pad3A_1368 = vector.broadcast %convert_element_type3A_1367 : f32 to vector<6x90xf32>
    %pad3A_1369 = tpu.concatenate %pad3A_1368, %get3A_1365 in 0 : vector<6x90xf32>, vector<90x90xf32> -> vector<96x90xf32>
    %pad3A_1370 = vector.broadcast %convert_element_type3A_1367 : f32 to vector<96x6xf32>
    %pad3A_1371 = tpu.concatenate %pad3A_1369, %pad3A_1370 in 1 : vector<96x90xf32>, vector<96x6xf32> -> vector<96x96xf32>
    %add3A_1372 = arith.addf %add3A_1360, %pad3A_1371 : vector<96x96xf32>
    %get3A_1373 = arith.constant 92 : index
    %get3A_1374 = arith.constant 0 : index
    %get3A_1375 = arith.constant 0 : index
    %get3A_1376 = vector.load %arg0[%get3A_1373, %get3A_1374, %get3A_1375] : memref<147x96x96xf32, #tpu.memory_space<vmem>>, vector<1x90x90xf32>
    %get3A_1377 = vector.shape_cast %get3A_1376 : vector<1x90x90xf32> to vector<90x90xf32>
    %jit3A_1378 = arith.constant 0 : i32
    %convert_element_type3A_1379 = arith.sitofp %jit3A_1378 : i32 to f32
    %pad3A_1380 = vector.broadcast %convert_element_type3A_1379 : f32 to vector<6x90xf32>
    %pad3A_1381 = tpu.concatenate %pad3A_1380, %get3A_1377 in 0 : vector<6x90xf32>, vector<90x90xf32> -> vector<96x90xf32>
    %pad3A_1382 = vector.broadcast %convert_element_type3A_1379 : f32 to vector<96x1xf32>
    %pad3A_1383 = tpu.concatenate %pad3A_1382, %pad3A_1381 in 1 : vector<96x1xf32>, vector<96x90xf32> -> vector<96x91xf32>
    %pad3A_1384 = vector.broadcast %convert_element_type3A_1379 : f32 to vector<96x5xf32>
    %pad3A_1385 = tpu.concatenate %pad3A_1383, %pad3A_1384 in 1 : vector<96x91xf32>, vector<96x5xf32> -> vector<96x96xf32>
    %add3A_1386 = arith.addf %add3A_1372, %pad3A_1385 : vector<96x96xf32>
    %get3A_1387 = arith.constant 93 : index
    %get3A_1388 = arith.constant 0 : index
    %get3A_1389 = arith.constant 0 : index
    %get3A_1390 = vector.load %arg0[%get3A_1387, %get3A_1388, %get3A_1389] : memref<147x96x96xf32, #tpu.memory_space<vmem>>, vector<1x90x90xf32>
    %get3A_1391 = vector.shape_cast %get3A_1390 : vector<1x90x90xf32> to vector<90x90xf32>
    %jit3A_1392 = arith.constant 0 : i32
    %convert_element_type3A_1393 = arith.sitofp %jit3A_1392 : i32 to f32
    %pad3A_1394 = vector.broadcast %convert_element_type3A_1393 : f32 to vector<6x90xf32>
    %pad3A_1395 = tpu.concatenate %pad3A_1394, %get3A_1391 in 0 : vector<6x90xf32>, vector<90x90xf32> -> vector<96x90xf32>
    %pad3A_1396 = vector.broadcast %convert_element_type3A_1393 : f32 to vector<96x2xf32>
    %pad3A_1397 = tpu.concatenate %pad3A_1396, %pad3A_1395 in 1 : vector<96x2xf32>, vector<96x90xf32> -> vector<96x92xf32>
    %pad3A_1398 = vector.broadcast %convert_element_type3A_1393 : f32 to vector<96x4xf32>
    %pad3A_1399 = tpu.concatenate %pad3A_1397, %pad3A_1398 in 1 : vector<96x92xf32>, vector<96x4xf32> -> vector<96x96xf32>
    %add3A_1400 = arith.addf %add3A_1386, %pad3A_1399 : vector<96x96xf32>
    %get3A_1401 = arith.constant 94 : index
    %get3A_1402 = arith.constant 0 : index
    %get3A_1403 = arith.constant 0 : index
    %get3A_1404 = vector.load %arg0[%get3A_1401, %get3A_1402, %get3A_1403] : memref<147x96x96xf32, #tpu.memory_space<vmem>>, vector<1x90x90xf32>
    %get3A_1405 = vector.shape_cast %get3A_1404 : vector<1x90x90xf32> to vector<90x90xf32>
    %jit3A_1406 = arith.constant 0 : i32
    %convert_element_type3A_1407 = arith.sitofp %jit3A_1406 : i32 to f32
    %pad3A_1408 = vector.broadcast %convert_element_type3A_1407 : f32 to vector<6x90xf32>
    %pad3A_1409 = tpu.concatenate %pad3A_1408, %get3A_1405 in 0 : vector<6x90xf32>, vector<90x90xf32> -> vector<96x90xf32>
    %pad3A_1410 = vector.broadcast %convert_element_type3A_1407 : f32 to vector<96x3xf32>
    %pad3A_1411 = tpu.concatenate %pad3A_1410, %pad3A_1409 in 1 : vector<96x3xf32>, vector<96x90xf32> -> vector<96x93xf32>
    %pad3A_1412 = vector.broadcast %convert_element_type3A_1407 : f32 to vector<96x3xf32>
    %pad3A_1413 = tpu.concatenate %pad3A_1411, %pad3A_1412 in 1 : vector<96x93xf32>, vector<96x3xf32> -> vector<96x96xf32>
    %add3A_1414 = arith.addf %add3A_1400, %pad3A_1413 : vector<96x96xf32>
    %get3A_1415 = arith.constant 95 : index
    %get3A_1416 = arith.constant 0 : index
    %get3A_1417 = arith.constant 0 : index
    %get3A_1418 = vector.load %arg0[%get3A_1415, %get3A_1416, %get3A_1417] : memref<147x96x96xf32, #tpu.memory_space<vmem>>, vector<1x90x90xf32>
    %get3A_1419 = vector.shape_cast %get3A_1418 : vector<1x90x90xf32> to vector<90x90xf32>
    %jit3A_1420 = arith.constant 0 : i32
    %convert_element_type3A_1421 = arith.sitofp %jit3A_1420 : i32 to f32
    %pad3A_1422 = vector.broadcast %convert_element_type3A_1421 : f32 to vector<6x90xf32>
    %pad3A_1423 = tpu.concatenate %pad3A_1422, %get3A_1419 in 0 : vector<6x90xf32>, vector<90x90xf32> -> vector<96x90xf32>
    %pad3A_1424 = vector.broadcast %convert_element_type3A_1421 : f32 to vector<96x4xf32>
    %pad3A_1425 = tpu.concatenate %pad3A_1424, %pad3A_1423 in 1 : vector<96x4xf32>, vector<96x90xf32> -> vector<96x94xf32>
    %pad3A_1426 = vector.broadcast %convert_element_type3A_1421 : f32 to vector<96x2xf32>
    %pad3A_1427 = tpu.concatenate %pad3A_1425, %pad3A_1426 in 1 : vector<96x94xf32>, vector<96x2xf32> -> vector<96x96xf32>
    %add3A_1428 = arith.addf %add3A_1414, %pad3A_1427 : vector<96x96xf32>
    %get3A_1429 = arith.constant 96 : index
    %get3A_1430 = arith.constant 0 : index
    %get3A_1431 = arith.constant 0 : index
    %get3A_1432 = vector.load %arg0[%get3A_1429, %get3A_1430, %get3A_1431] : memref<147x96x96xf32, #tpu.memory_space<vmem>>, vector<1x90x90xf32>
    %get3A_1433 = vector.shape_cast %get3A_1432 : vector<1x90x90xf32> to vector<90x90xf32>
    %jit3A_1434 = arith.constant 0 : i32
    %convert_element_type3A_1435 = arith.sitofp %jit3A_1434 : i32 to f32
    %pad3A_1436 = vector.broadcast %convert_element_type3A_1435 : f32 to vector<6x90xf32>
    %pad3A_1437 = tpu.concatenate %pad3A_1436, %get3A_1433 in 0 : vector<6x90xf32>, vector<90x90xf32> -> vector<96x90xf32>
    %pad3A_1438 = vector.broadcast %convert_element_type3A_1435 : f32 to vector<96x5xf32>
    %pad3A_1439 = tpu.concatenate %pad3A_1438, %pad3A_1437 in 1 : vector<96x5xf32>, vector<96x90xf32> -> vector<96x95xf32>
    %pad3A_1440 = vector.broadcast %convert_element_type3A_1435 : f32 to vector<96x1xf32>
    %pad3A_1441 = tpu.concatenate %pad3A_1439, %pad3A_1440 in 1 : vector<96x95xf32>, vector<96x1xf32> -> vector<96x96xf32>
    %add3A_1442 = arith.addf %add3A_1428, %pad3A_1441 : vector<96x96xf32>
    %get3A_1443 = arith.constant 97 : index
    %get3A_1444 = arith.constant 0 : index
    %get3A_1445 = arith.constant 0 : index
    %get3A_1446 = vector.load %arg0[%get3A_1443, %get3A_1444, %get3A_1445] : memref<147x96x96xf32, #tpu.memory_space<vmem>>, vector<1x90x90xf32>
    %get3A_1447 = vector.shape_cast %get3A_1446 : vector<1x90x90xf32> to vector<90x90xf32>
    %jit3A_1448 = arith.constant 0 : i32
    %convert_element_type3A_1449 = arith.sitofp %jit3A_1448 : i32 to f32
    %pad3A_1450 = vector.broadcast %convert_element_type3A_1449 : f32 to vector<6x90xf32>
    %pad3A_1451 = tpu.concatenate %pad3A_1450, %get3A_1447 in 0 : vector<6x90xf32>, vector<90x90xf32> -> vector<96x90xf32>
    %pad3A_1452 = vector.broadcast %convert_element_type3A_1449 : f32 to vector<96x6xf32>
    %pad3A_1453 = tpu.concatenate %pad3A_1452, %pad3A_1451 in 1 : vector<96x6xf32>, vector<96x90xf32> -> vector<96x96xf32>
    %add3A_1454 = arith.addf %add3A_1442, %pad3A_1453 : vector<96x96xf32>
    %broadcast_in_dim3A_1455 = vector.shape_cast %add3A_1454 : vector<96x96xf32> to vector<1x96x96xf32>
    %broadcast_in_dim3A_1456 = arith.constant 0.000000e+00 : f32
    %broadcast_in_dim3A_1457 = vector.broadcast %broadcast_in_dim3A_1456 : f32 to vector<96x96xf32>
    %get3A_1458 = arith.constant 98 : index
    %get3A_1459 = arith.constant 0 : index
    %get3A_1460 = arith.constant 0 : index
    %get3A_1461 = vector.load %arg0[%get3A_1458, %get3A_1459, %get3A_1460] : memref<147x96x96xf32, #tpu.memory_space<vmem>>, vector<1x90x90xf32>
    %get3A_1462 = vector.shape_cast %get3A_1461 : vector<1x90x90xf32> to vector<90x90xf32>
    %jit3A_1463 = arith.constant 0 : i32
    %convert_element_type3A_1464 = arith.sitofp %jit3A_1463 : i32 to f32
    %pad3A_1465 = vector.broadcast %convert_element_type3A_1464 : f32 to vector<6x90xf32>
    %pad3A_1466 = tpu.concatenate %get3A_1462, %pad3A_1465 in 0 : vector<90x90xf32>, vector<6x90xf32> -> vector<96x90xf32>
    %pad3A_1467 = vector.broadcast %convert_element_type3A_1464 : f32 to vector<96x6xf32>
    %pad3A_1468 = tpu.concatenate %pad3A_1466, %pad3A_1467 in 1 : vector<96x90xf32>, vector<96x6xf32> -> vector<96x96xf32>
    %add3A_1469 = arith.addf %broadcast_in_dim3A_1457, %pad3A_1468 : vector<96x96xf32>
    %get3A_1470 = arith.constant 99 : index
    %get3A_1471 = arith.constant 0 : index
    %get3A_1472 = arith.constant 0 : index
    %get3A_1473 = vector.load %arg0[%get3A_1470, %get3A_1471, %get3A_1472] : memref<147x96x96xf32, #tpu.memory_space<vmem>>, vector<1x90x90xf32>
    %get3A_1474 = vector.shape_cast %get3A_1473 : vector<1x90x90xf32> to vector<90x90xf32>
    %jit3A_1475 = arith.constant 0 : i32
    %convert_element_type3A_1476 = arith.sitofp %jit3A_1475 : i32 to f32
    %pad3A_1477 = vector.broadcast %convert_element_type3A_1476 : f32 to vector<6x90xf32>
    %pad3A_1478 = tpu.concatenate %get3A_1474, %pad3A_1477 in 0 : vector<90x90xf32>, vector<6x90xf32> -> vector<96x90xf32>
    %pad3A_1479 = vector.broadcast %convert_element_type3A_1476 : f32 to vector<96x1xf32>
    %pad3A_1480 = tpu.concatenate %pad3A_1479, %pad3A_1478 in 1 : vector<96x1xf32>, vector<96x90xf32> -> vector<96x91xf32>
    %pad3A_1481 = vector.broadcast %convert_element_type3A_1476 : f32 to vector<96x5xf32>
    %pad3A_1482 = tpu.concatenate %pad3A_1480, %pad3A_1481 in 1 : vector<96x91xf32>, vector<96x5xf32> -> vector<96x96xf32>
    %add3A_1483 = arith.addf %add3A_1469, %pad3A_1482 : vector<96x96xf32>
    %get3A_1484 = arith.constant 100 : index
    %get3A_1485 = arith.constant 0 : index
    %get3A_1486 = arith.constant 0 : index
    %get3A_1487 = vector.load %arg0[%get3A_1484, %get3A_1485, %get3A_1486] : memref<147x96x96xf32, #tpu.memory_space<vmem>>, vector<1x90x90xf32>
    %get3A_1488 = vector.shape_cast %get3A_1487 : vector<1x90x90xf32> to vector<90x90xf32>
    %jit3A_1489 = arith.constant 0 : i32
    %convert_element_type3A_1490 = arith.sitofp %jit3A_1489 : i32 to f32
    %pad3A_1491 = vector.broadcast %convert_element_type3A_1490 : f32 to vector<6x90xf32>
    %pad3A_1492 = tpu.concatenate %get3A_1488, %pad3A_1491 in 0 : vector<90x90xf32>, vector<6x90xf32> -> vector<96x90xf32>
    %pad3A_1493 = vector.broadcast %convert_element_type3A_1490 : f32 to vector<96x2xf32>
    %pad3A_1494 = tpu.concatenate %pad3A_1493, %pad3A_1492 in 1 : vector<96x2xf32>, vector<96x90xf32> -> vector<96x92xf32>
    %pad3A_1495 = vector.broadcast %convert_element_type3A_1490 : f32 to vector<96x4xf32>
    %pad3A_1496 = tpu.concatenate %pad3A_1494, %pad3A_1495 in 1 : vector<96x92xf32>, vector<96x4xf32> -> vector<96x96xf32>
    %add3A_1497 = arith.addf %add3A_1483, %pad3A_1496 : vector<96x96xf32>
    %get3A_1498 = arith.constant 101 : index
    %get3A_1499 = arith.constant 0 : index
    %get3A_1500 = arith.constant 0 : index
    %get3A_1501 = vector.load %arg0[%get3A_1498, %get3A_1499, %get3A_1500] : memref<147x96x96xf32, #tpu.memory_space<vmem>>, vector<1x90x90xf32>
    %get3A_1502 = vector.shape_cast %get3A_1501 : vector<1x90x90xf32> to vector<90x90xf32>
    %jit3A_1503 = arith.constant 0 : i32
    %convert_element_type3A_1504 = arith.sitofp %jit3A_1503 : i32 to f32
    %pad3A_1505 = vector.broadcast %convert_element_type3A_1504 : f32 to vector<6x90xf32>
    %pad3A_1506 = tpu.concatenate %get3A_1502, %pad3A_1505 in 0 : vector<90x90xf32>, vector<6x90xf32> -> vector<96x90xf32>
    %pad3A_1507 = vector.broadcast %convert_element_type3A_1504 : f32 to vector<96x3xf32>
    %pad3A_1508 = tpu.concatenate %pad3A_1507, %pad3A_1506 in 1 : vector<96x3xf32>, vector<96x90xf32> -> vector<96x93xf32>
    %pad3A_1509 = vector.broadcast %convert_element_type3A_1504 : f32 to vector<96x3xf32>
    %pad3A_1510 = tpu.concatenate %pad3A_1508, %pad3A_1509 in 1 : vector<96x93xf32>, vector<96x3xf32> -> vector<96x96xf32>
    %add3A_1511 = arith.addf %add3A_1497, %pad3A_1510 : vector<96x96xf32>
    %get3A_1512 = arith.constant 102 : index
    %get3A_1513 = arith.constant 0 : index
    %get3A_1514 = arith.constant 0 : index
    %get3A_1515 = vector.load %arg0[%get3A_1512, %get3A_1513, %get3A_1514] : memref<147x96x96xf32, #tpu.memory_space<vmem>>, vector<1x90x90xf32>
    %get3A_1516 = vector.shape_cast %get3A_1515 : vector<1x90x90xf32> to vector<90x90xf32>
    %jit3A_1517 = arith.constant 0 : i32
    %convert_element_type3A_1518 = arith.sitofp %jit3A_1517 : i32 to f32
    %pad3A_1519 = vector.broadcast %convert_element_type3A_1518 : f32 to vector<6x90xf32>
    %pad3A_1520 = tpu.concatenate %get3A_1516, %pad3A_1519 in 0 : vector<90x90xf32>, vector<6x90xf32> -> vector<96x90xf32>
    %pad3A_1521 = vector.broadcast %convert_element_type3A_1518 : f32 to vector<96x4xf32>
    %pad3A_1522 = tpu.concatenate %pad3A_1521, %pad3A_1520 in 1 : vector<96x4xf32>, vector<96x90xf32> -> vector<96x94xf32>
    %pad3A_1523 = vector.broadcast %convert_element_type3A_1518 : f32 to vector<96x2xf32>
    %pad3A_1524 = tpu.concatenate %pad3A_1522, %pad3A_1523 in 1 : vector<96x94xf32>, vector<96x2xf32> -> vector<96x96xf32>
    %add3A_1525 = arith.addf %add3A_1511, %pad3A_1524 : vector<96x96xf32>
    %get3A_1526 = arith.constant 103 : index
    %get3A_1527 = arith.constant 0 : index
    %get3A_1528 = arith.constant 0 : index
    %get3A_1529 = vector.load %arg0[%get3A_1526, %get3A_1527, %get3A_1528] : memref<147x96x96xf32, #tpu.memory_space<vmem>>, vector<1x90x90xf32>
    %get3A_1530 = vector.shape_cast %get3A_1529 : vector<1x90x90xf32> to vector<90x90xf32>
    %jit3A_1531 = arith.constant 0 : i32
    %convert_element_type3A_1532 = arith.sitofp %jit3A_1531 : i32 to f32
    %pad3A_1533 = vector.broadcast %convert_element_type3A_1532 : f32 to vector<6x90xf32>
    %pad3A_1534 = tpu.concatenate %get3A_1530, %pad3A_1533 in 0 : vector<90x90xf32>, vector<6x90xf32> -> vector<96x90xf32>
    %pad3A_1535 = vector.broadcast %convert_element_type3A_1532 : f32 to vector<96x5xf32>
    %pad3A_1536 = tpu.concatenate %pad3A_1535, %pad3A_1534 in 1 : vector<96x5xf32>, vector<96x90xf32> -> vector<96x95xf32>
    %pad3A_1537 = vector.broadcast %convert_element_type3A_1532 : f32 to vector<96x1xf32>
    %pad3A_1538 = tpu.concatenate %pad3A_1536, %pad3A_1537 in 1 : vector<96x95xf32>, vector<96x1xf32> -> vector<96x96xf32>
    %add3A_1539 = arith.addf %add3A_1525, %pad3A_1538 : vector<96x96xf32>
    %get3A_1540 = arith.constant 104 : index
    %get3A_1541 = arith.constant 0 : index
    %get3A_1542 = arith.constant 0 : index
    %get3A_1543 = vector.load %arg0[%get3A_1540, %get3A_1541, %get3A_1542] : memref<147x96x96xf32, #tpu.memory_space<vmem>>, vector<1x90x90xf32>
    %get3A_1544 = vector.shape_cast %get3A_1543 : vector<1x90x90xf32> to vector<90x90xf32>
    %jit3A_1545 = arith.constant 0 : i32
    %convert_element_type3A_1546 = arith.sitofp %jit3A_1545 : i32 to f32
    %pad3A_1547 = vector.broadcast %convert_element_type3A_1546 : f32 to vector<6x90xf32>
    %pad3A_1548 = tpu.concatenate %get3A_1544, %pad3A_1547 in 0 : vector<90x90xf32>, vector<6x90xf32> -> vector<96x90xf32>
    %pad3A_1549 = vector.broadcast %convert_element_type3A_1546 : f32 to vector<96x6xf32>
    %pad3A_1550 = tpu.concatenate %pad3A_1549, %pad3A_1548 in 1 : vector<96x6xf32>, vector<96x90xf32> -> vector<96x96xf32>
    %add3A_1551 = arith.addf %add3A_1539, %pad3A_1550 : vector<96x96xf32>
    %get3A_1552 = arith.constant 105 : index
    %get3A_1553 = arith.constant 0 : index
    %get3A_1554 = arith.constant 0 : index
    %get3A_1555 = vector.load %arg0[%get3A_1552, %get3A_1553, %get3A_1554] : memref<147x96x96xf32, #tpu.memory_space<vmem>>, vector<1x90x90xf32>
    %get3A_1556 = vector.shape_cast %get3A_1555 : vector<1x90x90xf32> to vector<90x90xf32>
    %jit3A_1557 = arith.constant 0 : i32
    %convert_element_type3A_1558 = arith.sitofp %jit3A_1557 : i32 to f32
    %pad3A_1559 = vector.broadcast %convert_element_type3A_1558 : f32 to vector<1x90xf32>
    %pad3A_1560 = tpu.concatenate %pad3A_1559, %get3A_1556 in 0 : vector<1x90xf32>, vector<90x90xf32> -> vector<91x90xf32>
    %pad3A_1561 = vector.broadcast %convert_element_type3A_1558 : f32 to vector<5x90xf32>
    %pad3A_1562 = tpu.concatenate %pad3A_1560, %pad3A_1561 in 0 : vector<91x90xf32>, vector<5x90xf32> -> vector<96x90xf32>
    %pad3A_1563 = vector.broadcast %convert_element_type3A_1558 : f32 to vector<96x6xf32>
    %pad3A_1564 = tpu.concatenate %pad3A_1562, %pad3A_1563 in 1 : vector<96x90xf32>, vector<96x6xf32> -> vector<96x96xf32>
    %add3A_1565 = arith.addf %add3A_1551, %pad3A_1564 : vector<96x96xf32>
    %get3A_1566 = arith.constant 106 : index
    %get3A_1567 = arith.constant 0 : index
    %get3A_1568 = arith.constant 0 : index
    %get3A_1569 = vector.load %arg0[%get3A_1566, %get3A_1567, %get3A_1568] : memref<147x96x96xf32, #tpu.memory_space<vmem>>, vector<1x90x90xf32>
    %get3A_1570 = vector.shape_cast %get3A_1569 : vector<1x90x90xf32> to vector<90x90xf32>
    %jit3A_1571 = arith.constant 0 : i32
    %convert_element_type3A_1572 = arith.sitofp %jit3A_1571 : i32 to f32
    %pad3A_1573 = vector.broadcast %convert_element_type3A_1572 : f32 to vector<1x90xf32>
    %pad3A_1574 = tpu.concatenate %pad3A_1573, %get3A_1570 in 0 : vector<1x90xf32>, vector<90x90xf32> -> vector<91x90xf32>
    %pad3A_1575 = vector.broadcast %convert_element_type3A_1572 : f32 to vector<5x90xf32>
    %pad3A_1576 = tpu.concatenate %pad3A_1574, %pad3A_1575 in 0 : vector<91x90xf32>, vector<5x90xf32> -> vector<96x90xf32>
    %pad3A_1577 = vector.broadcast %convert_element_type3A_1572 : f32 to vector<96x1xf32>
    %pad3A_1578 = tpu.concatenate %pad3A_1577, %pad3A_1576 in 1 : vector<96x1xf32>, vector<96x90xf32> -> vector<96x91xf32>
    %pad3A_1579 = vector.broadcast %convert_element_type3A_1572 : f32 to vector<96x5xf32>
    %pad3A_1580 = tpu.concatenate %pad3A_1578, %pad3A_1579 in 1 : vector<96x91xf32>, vector<96x5xf32> -> vector<96x96xf32>
    %add3A_1581 = arith.addf %add3A_1565, %pad3A_1580 : vector<96x96xf32>
    %get3A_1582 = arith.constant 107 : index
    %get3A_1583 = arith.constant 0 : index
    %get3A_1584 = arith.constant 0 : index
    %get3A_1585 = vector.load %arg0[%get3A_1582, %get3A_1583, %get3A_1584] : memref<147x96x96xf32, #tpu.memory_space<vmem>>, vector<1x90x90xf32>
    %get3A_1586 = vector.shape_cast %get3A_1585 : vector<1x90x90xf32> to vector<90x90xf32>
    %jit3A_1587 = arith.constant 0 : i32
    %convert_element_type3A_1588 = arith.sitofp %jit3A_1587 : i32 to f32
    %pad3A_1589 = vector.broadcast %convert_element_type3A_1588 : f32 to vector<1x90xf32>
    %pad3A_1590 = tpu.concatenate %pad3A_1589, %get3A_1586 in 0 : vector<1x90xf32>, vector<90x90xf32> -> vector<91x90xf32>
    %pad3A_1591 = vector.broadcast %convert_element_type3A_1588 : f32 to vector<5x90xf32>
    %pad3A_1592 = tpu.concatenate %pad3A_1590, %pad3A_1591 in 0 : vector<91x90xf32>, vector<5x90xf32> -> vector<96x90xf32>
    %pad3A_1593 = vector.broadcast %convert_element_type3A_1588 : f32 to vector<96x2xf32>
    %pad3A_1594 = tpu.concatenate %pad3A_1593, %pad3A_1592 in 1 : vector<96x2xf32>, vector<96x90xf32> -> vector<96x92xf32>
    %pad3A_1595 = vector.broadcast %convert_element_type3A_1588 : f32 to vector<96x4xf32>
    %pad3A_1596 = tpu.concatenate %pad3A_1594, %pad3A_1595 in 1 : vector<96x92xf32>, vector<96x4xf32> -> vector<96x96xf32>
    %add3A_1597 = arith.addf %add3A_1581, %pad3A_1596 : vector<96x96xf32>
    %get3A_1598 = arith.constant 108 : index
    %get3A_1599 = arith.constant 0 : index
    %get3A_1600 = arith.constant 0 : index
    %get3A_1601 = vector.load %arg0[%get3A_1598, %get3A_1599, %get3A_1600] : memref<147x96x96xf32, #tpu.memory_space<vmem>>, vector<1x90x90xf32>
    %get3A_1602 = vector.shape_cast %get3A_1601 : vector<1x90x90xf32> to vector<90x90xf32>
    %jit3A_1603 = arith.constant 0 : i32
    %convert_element_type3A_1604 = arith.sitofp %jit3A_1603 : i32 to f32
    %pad3A_1605 = vector.broadcast %convert_element_type3A_1604 : f32 to vector<1x90xf32>
    %pad3A_1606 = tpu.concatenate %pad3A_1605, %get3A_1602 in 0 : vector<1x90xf32>, vector<90x90xf32> -> vector<91x90xf32>
    %pad3A_1607 = vector.broadcast %convert_element_type3A_1604 : f32 to vector<5x90xf32>
    %pad3A_1608 = tpu.concatenate %pad3A_1606, %pad3A_1607 in 0 : vector<91x90xf32>, vector<5x90xf32> -> vector<96x90xf32>
    %pad3A_1609 = vector.broadcast %convert_element_type3A_1604 : f32 to vector<96x3xf32>
    %pad3A_1610 = tpu.concatenate %pad3A_1609, %pad3A_1608 in 1 : vector<96x3xf32>, vector<96x90xf32> -> vector<96x93xf32>
    %pad3A_1611 = vector.broadcast %convert_element_type3A_1604 : f32 to vector<96x3xf32>
    %pad3A_1612 = tpu.concatenate %pad3A_1610, %pad3A_1611 in 1 : vector<96x93xf32>, vector<96x3xf32> -> vector<96x96xf32>
    %add3A_1613 = arith.addf %add3A_1597, %pad3A_1612 : vector<96x96xf32>
    %get3A_1614 = arith.constant 109 : index
    %get3A_1615 = arith.constant 0 : index
    %get3A_1616 = arith.constant 0 : index
    %get3A_1617 = vector.load %arg0[%get3A_1614, %get3A_1615, %get3A_1616] : memref<147x96x96xf32, #tpu.memory_space<vmem>>, vector<1x90x90xf32>
    %get3A_1618 = vector.shape_cast %get3A_1617 : vector<1x90x90xf32> to vector<90x90xf32>
    %jit3A_1619 = arith.constant 0 : i32
    %convert_element_type3A_1620 = arith.sitofp %jit3A_1619 : i32 to f32
    %pad3A_1621 = vector.broadcast %convert_element_type3A_1620 : f32 to vector<1x90xf32>
    %pad3A_1622 = tpu.concatenate %pad3A_1621, %get3A_1618 in 0 : vector<1x90xf32>, vector<90x90xf32> -> vector<91x90xf32>
    %pad3A_1623 = vector.broadcast %convert_element_type3A_1620 : f32 to vector<5x90xf32>
    %pad3A_1624 = tpu.concatenate %pad3A_1622, %pad3A_1623 in 0 : vector<91x90xf32>, vector<5x90xf32> -> vector<96x90xf32>
    %pad3A_1625 = vector.broadcast %convert_element_type3A_1620 : f32 to vector<96x4xf32>
    %pad3A_1626 = tpu.concatenate %pad3A_1625, %pad3A_1624 in 1 : vector<96x4xf32>, vector<96x90xf32> -> vector<96x94xf32>
    %pad3A_1627 = vector.broadcast %convert_element_type3A_1620 : f32 to vector<96x2xf32>
    %pad3A_1628 = tpu.concatenate %pad3A_1626, %pad3A_1627 in 1 : vector<96x94xf32>, vector<96x2xf32> -> vector<96x96xf32>
    %add3A_1629 = arith.addf %add3A_1613, %pad3A_1628 : vector<96x96xf32>
    %get3A_1630 = arith.constant 110 : index
    %get3A_1631 = arith.constant 0 : index
    %get3A_1632 = arith.constant 0 : index
    %get3A_1633 = vector.load %arg0[%get3A_1630, %get3A_1631, %get3A_1632] : memref<147x96x96xf32, #tpu.memory_space<vmem>>, vector<1x90x90xf32>
    %get3A_1634 = vector.shape_cast %get3A_1633 : vector<1x90x90xf32> to vector<90x90xf32>
    %jit3A_1635 = arith.constant 0 : i32
    %convert_element_type3A_1636 = arith.sitofp %jit3A_1635 : i32 to f32
    %pad3A_1637 = vector.broadcast %convert_element_type3A_1636 : f32 to vector<1x90xf32>
    %pad3A_1638 = tpu.concatenate %pad3A_1637, %get3A_1634 in 0 : vector<1x90xf32>, vector<90x90xf32> -> vector<91x90xf32>
    %pad3A_1639 = vector.broadcast %convert_element_type3A_1636 : f32 to vector<5x90xf32>
    %pad3A_1640 = tpu.concatenate %pad3A_1638, %pad3A_1639 in 0 : vector<91x90xf32>, vector<5x90xf32> -> vector<96x90xf32>
    %pad3A_1641 = vector.broadcast %convert_element_type3A_1636 : f32 to vector<96x5xf32>
    %pad3A_1642 = tpu.concatenate %pad3A_1641, %pad3A_1640 in 1 : vector<96x5xf32>, vector<96x90xf32> -> vector<96x95xf32>
    %pad3A_1643 = vector.broadcast %convert_element_type3A_1636 : f32 to vector<96x1xf32>
    %pad3A_1644 = tpu.concatenate %pad3A_1642, %pad3A_1643 in 1 : vector<96x95xf32>, vector<96x1xf32> -> vector<96x96xf32>
    %add3A_1645 = arith.addf %add3A_1629, %pad3A_1644 : vector<96x96xf32>
    %get3A_1646 = arith.constant 111 : index
    %get3A_1647 = arith.constant 0 : index
    %get3A_1648 = arith.constant 0 : index
    %get3A_1649 = vector.load %arg0[%get3A_1646, %get3A_1647, %get3A_1648] : memref<147x96x96xf32, #tpu.memory_space<vmem>>, vector<1x90x90xf32>
    %get3A_1650 = vector.shape_cast %get3A_1649 : vector<1x90x90xf32> to vector<90x90xf32>
    %jit3A_1651 = arith.constant 0 : i32
    %convert_element_type3A_1652 = arith.sitofp %jit3A_1651 : i32 to f32
    %pad3A_1653 = vector.broadcast %convert_element_type3A_1652 : f32 to vector<1x90xf32>
    %pad3A_1654 = tpu.concatenate %pad3A_1653, %get3A_1650 in 0 : vector<1x90xf32>, vector<90x90xf32> -> vector<91x90xf32>
    %pad3A_1655 = vector.broadcast %convert_element_type3A_1652 : f32 to vector<5x90xf32>
    %pad3A_1656 = tpu.concatenate %pad3A_1654, %pad3A_1655 in 0 : vector<91x90xf32>, vector<5x90xf32> -> vector<96x90xf32>
    %pad3A_1657 = vector.broadcast %convert_element_type3A_1652 : f32 to vector<96x6xf32>
    %pad3A_1658 = tpu.concatenate %pad3A_1657, %pad3A_1656 in 1 : vector<96x6xf32>, vector<96x90xf32> -> vector<96x96xf32>
    %add3A_1659 = arith.addf %add3A_1645, %pad3A_1658 : vector<96x96xf32>
    %get3A_1660 = arith.constant 112 : index
    %get3A_1661 = arith.constant 0 : index
    %get3A_1662 = arith.constant 0 : index
    %get3A_1663 = vector.load %arg0[%get3A_1660, %get3A_1661, %get3A_1662] : memref<147x96x96xf32, #tpu.memory_space<vmem>>, vector<1x90x90xf32>
    %get3A_1664 = vector.shape_cast %get3A_1663 : vector<1x90x90xf32> to vector<90x90xf32>
    %jit3A_1665 = arith.constant 0 : i32
    %convert_element_type3A_1666 = arith.sitofp %jit3A_1665 : i32 to f32
    %pad3A_1667 = vector.broadcast %convert_element_type3A_1666 : f32 to vector<2x90xf32>
    %pad3A_1668 = tpu.concatenate %pad3A_1667, %get3A_1664 in 0 : vector<2x90xf32>, vector<90x90xf32> -> vector<92x90xf32>
    %pad3A_1669 = vector.broadcast %convert_element_type3A_1666 : f32 to vector<4x90xf32>
    %pad3A_1670 = tpu.concatenate %pad3A_1668, %pad3A_1669 in 0 : vector<92x90xf32>, vector<4x90xf32> -> vector<96x90xf32>
    %pad3A_1671 = vector.broadcast %convert_element_type3A_1666 : f32 to vector<96x6xf32>
    %pad3A_1672 = tpu.concatenate %pad3A_1670, %pad3A_1671 in 1 : vector<96x90xf32>, vector<96x6xf32> -> vector<96x96xf32>
    %add3A_1673 = arith.addf %add3A_1659, %pad3A_1672 : vector<96x96xf32>
    %get3A_1674 = arith.constant 113 : index
    %get3A_1675 = arith.constant 0 : index
    %get3A_1676 = arith.constant 0 : index
    %get3A_1677 = vector.load %arg0[%get3A_1674, %get3A_1675, %get3A_1676] : memref<147x96x96xf32, #tpu.memory_space<vmem>>, vector<1x90x90xf32>
    %get3A_1678 = vector.shape_cast %get3A_1677 : vector<1x90x90xf32> to vector<90x90xf32>
    %jit3A_1679 = arith.constant 0 : i32
    %convert_element_type3A_1680 = arith.sitofp %jit3A_1679 : i32 to f32
    %pad3A_1681 = vector.broadcast %convert_element_type3A_1680 : f32 to vector<2x90xf32>
    %pad3A_1682 = tpu.concatenate %pad3A_1681, %get3A_1678 in 0 : vector<2x90xf32>, vector<90x90xf32> -> vector<92x90xf32>
    %pad3A_1683 = vector.broadcast %convert_element_type3A_1680 : f32 to vector<4x90xf32>
    %pad3A_1684 = tpu.concatenate %pad3A_1682, %pad3A_1683 in 0 : vector<92x90xf32>, vector<4x90xf32> -> vector<96x90xf32>
    %pad3A_1685 = vector.broadcast %convert_element_type3A_1680 : f32 to vector<96x1xf32>
    %pad3A_1686 = tpu.concatenate %pad3A_1685, %pad3A_1684 in 1 : vector<96x1xf32>, vector<96x90xf32> -> vector<96x91xf32>
    %pad3A_1687 = vector.broadcast %convert_element_type3A_1680 : f32 to vector<96x5xf32>
    %pad3A_1688 = tpu.concatenate %pad3A_1686, %pad3A_1687 in 1 : vector<96x91xf32>, vector<96x5xf32> -> vector<96x96xf32>
    %add3A_1689 = arith.addf %add3A_1673, %pad3A_1688 : vector<96x96xf32>
    %get3A_1690 = arith.constant 114 : index
    %get3A_1691 = arith.constant 0 : index
    %get3A_1692 = arith.constant 0 : index
    %get3A_1693 = vector.load %arg0[%get3A_1690, %get3A_1691, %get3A_1692] : memref<147x96x96xf32, #tpu.memory_space<vmem>>, vector<1x90x90xf32>
    %get3A_1694 = vector.shape_cast %get3A_1693 : vector<1x90x90xf32> to vector<90x90xf32>
    %jit3A_1695 = arith.constant 0 : i32
    %convert_element_type3A_1696 = arith.sitofp %jit3A_1695 : i32 to f32
    %pad3A_1697 = vector.broadcast %convert_element_type3A_1696 : f32 to vector<2x90xf32>
    %pad3A_1698 = tpu.concatenate %pad3A_1697, %get3A_1694 in 0 : vector<2x90xf32>, vector<90x90xf32> -> vector<92x90xf32>
    %pad3A_1699 = vector.broadcast %convert_element_type3A_1696 : f32 to vector<4x90xf32>
    %pad3A_1700 = tpu.concatenate %pad3A_1698, %pad3A_1699 in 0 : vector<92x90xf32>, vector<4x90xf32> -> vector<96x90xf32>
    %pad3A_1701 = vector.broadcast %convert_element_type3A_1696 : f32 to vector<96x2xf32>
    %pad3A_1702 = tpu.concatenate %pad3A_1701, %pad3A_1700 in 1 : vector<96x2xf32>, vector<96x90xf32> -> vector<96x92xf32>
    %pad3A_1703 = vector.broadcast %convert_element_type3A_1696 : f32 to vector<96x4xf32>
    %pad3A_1704 = tpu.concatenate %pad3A_1702, %pad3A_1703 in 1 : vector<96x92xf32>, vector<96x4xf32> -> vector<96x96xf32>
    %add3A_1705 = arith.addf %add3A_1689, %pad3A_1704 : vector<96x96xf32>
    %get3A_1706 = arith.constant 115 : index
    %get3A_1707 = arith.constant 0 : index
    %get3A_1708 = arith.constant 0 : index
    %get3A_1709 = vector.load %arg0[%get3A_1706, %get3A_1707, %get3A_1708] : memref<147x96x96xf32, #tpu.memory_space<vmem>>, vector<1x90x90xf32>
    %get3A_1710 = vector.shape_cast %get3A_1709 : vector<1x90x90xf32> to vector<90x90xf32>
    %jit3A_1711 = arith.constant 0 : i32
    %convert_element_type3A_1712 = arith.sitofp %jit3A_1711 : i32 to f32
    %pad3A_1713 = vector.broadcast %convert_element_type3A_1712 : f32 to vector<2x90xf32>
    %pad3A_1714 = tpu.concatenate %pad3A_1713, %get3A_1710 in 0 : vector<2x90xf32>, vector<90x90xf32> -> vector<92x90xf32>
    %pad3A_1715 = vector.broadcast %convert_element_type3A_1712 : f32 to vector<4x90xf32>
    %pad3A_1716 = tpu.concatenate %pad3A_1714, %pad3A_1715 in 0 : vector<92x90xf32>, vector<4x90xf32> -> vector<96x90xf32>
    %pad3A_1717 = vector.broadcast %convert_element_type3A_1712 : f32 to vector<96x3xf32>
    %pad3A_1718 = tpu.concatenate %pad3A_1717, %pad3A_1716 in 1 : vector<96x3xf32>, vector<96x90xf32> -> vector<96x93xf32>
    %pad3A_1719 = vector.broadcast %convert_element_type3A_1712 : f32 to vector<96x3xf32>
    %pad3A_1720 = tpu.concatenate %pad3A_1718, %pad3A_1719 in 1 : vector<96x93xf32>, vector<96x3xf32> -> vector<96x96xf32>
    %add3A_1721 = arith.addf %add3A_1705, %pad3A_1720 : vector<96x96xf32>
    %get3A_1722 = arith.constant 116 : index
    %get3A_1723 = arith.constant 0 : index
    %get3A_1724 = arith.constant 0 : index
    %get3A_1725 = vector.load %arg0[%get3A_1722, %get3A_1723, %get3A_1724] : memref<147x96x96xf32, #tpu.memory_space<vmem>>, vector<1x90x90xf32>
    %get3A_1726 = vector.shape_cast %get3A_1725 : vector<1x90x90xf32> to vector<90x90xf32>
    %jit3A_1727 = arith.constant 0 : i32
    %convert_element_type3A_1728 = arith.sitofp %jit3A_1727 : i32 to f32
    %pad3A_1729 = vector.broadcast %convert_element_type3A_1728 : f32 to vector<2x90xf32>
    %pad3A_1730 = tpu.concatenate %pad3A_1729, %get3A_1726 in 0 : vector<2x90xf32>, vector<90x90xf32> -> vector<92x90xf32>
    %pad3A_1731 = vector.broadcast %convert_element_type3A_1728 : f32 to vector<4x90xf32>
    %pad3A_1732 = tpu.concatenate %pad3A_1730, %pad3A_1731 in 0 : vector<92x90xf32>, vector<4x90xf32> -> vector<96x90xf32>
    %pad3A_1733 = vector.broadcast %convert_element_type3A_1728 : f32 to vector<96x4xf32>
    %pad3A_1734 = tpu.concatenate %pad3A_1733, %pad3A_1732 in 1 : vector<96x4xf32>, vector<96x90xf32> -> vector<96x94xf32>
    %pad3A_1735 = vector.broadcast %convert_element_type3A_1728 : f32 to vector<96x2xf32>
    %pad3A_1736 = tpu.concatenate %pad3A_1734, %pad3A_1735 in 1 : vector<96x94xf32>, vector<96x2xf32> -> vector<96x96xf32>
    %add3A_1737 = arith.addf %add3A_1721, %pad3A_1736 : vector<96x96xf32>
    %get3A_1738 = arith.constant 117 : index
    %get3A_1739 = arith.constant 0 : index
    %get3A_1740 = arith.constant 0 : index
    %get3A_1741 = vector.load %arg0[%get3A_1738, %get3A_1739, %get3A_1740] : memref<147x96x96xf32, #tpu.memory_space<vmem>>, vector<1x90x90xf32>
    %get3A_1742 = vector.shape_cast %get3A_1741 : vector<1x90x90xf32> to vector<90x90xf32>
    %jit3A_1743 = arith.constant 0 : i32
    %convert_element_type3A_1744 = arith.sitofp %jit3A_1743 : i32 to f32
    %pad3A_1745 = vector.broadcast %convert_element_type3A_1744 : f32 to vector<2x90xf32>
    %pad3A_1746 = tpu.concatenate %pad3A_1745, %get3A_1742 in 0 : vector<2x90xf32>, vector<90x90xf32> -> vector<92x90xf32>
    %pad3A_1747 = vector.broadcast %convert_element_type3A_1744 : f32 to vector<4x90xf32>
    %pad3A_1748 = tpu.concatenate %pad3A_1746, %pad3A_1747 in 0 : vector<92x90xf32>, vector<4x90xf32> -> vector<96x90xf32>
    %pad3A_1749 = vector.broadcast %convert_element_type3A_1744 : f32 to vector<96x5xf32>
    %pad3A_1750 = tpu.concatenate %pad3A_1749, %pad3A_1748 in 1 : vector<96x5xf32>, vector<96x90xf32> -> vector<96x95xf32>
    %pad3A_1751 = vector.broadcast %convert_element_type3A_1744 : f32 to vector<96x1xf32>
    %pad3A_1752 = tpu.concatenate %pad3A_1750, %pad3A_1751 in 1 : vector<96x95xf32>, vector<96x1xf32> -> vector<96x96xf32>
    %add3A_1753 = arith.addf %add3A_1737, %pad3A_1752 : vector<96x96xf32>
    %get3A_1754 = arith.constant 118 : index
    %get3A_1755 = arith.constant 0 : index
    %get3A_1756 = arith.constant 0 : index
    %get3A_1757 = vector.load %arg0[%get3A_1754, %get3A_1755, %get3A_1756] : memref<147x96x96xf32, #tpu.memory_space<vmem>>, vector<1x90x90xf32>
    %get3A_1758 = vector.shape_cast %get3A_1757 : vector<1x90x90xf32> to vector<90x90xf32>
    %jit3A_1759 = arith.constant 0 : i32
    %convert_element_type3A_1760 = arith.sitofp %jit3A_1759 : i32 to f32
    %pad3A_1761 = vector.broadcast %convert_element_type3A_1760 : f32 to vector<2x90xf32>
    %pad3A_1762 = tpu.concatenate %pad3A_1761, %get3A_1758 in 0 : vector<2x90xf32>, vector<90x90xf32> -> vector<92x90xf32>
    %pad3A_1763 = vector.broadcast %convert_element_type3A_1760 : f32 to vector<4x90xf32>
    %pad3A_1764 = tpu.concatenate %pad3A_1762, %pad3A_1763 in 0 : vector<92x90xf32>, vector<4x90xf32> -> vector<96x90xf32>
    %pad3A_1765 = vector.broadcast %convert_element_type3A_1760 : f32 to vector<96x6xf32>
    %pad3A_1766 = tpu.concatenate %pad3A_1765, %pad3A_1764 in 1 : vector<96x6xf32>, vector<96x90xf32> -> vector<96x96xf32>
    %add3A_1767 = arith.addf %add3A_1753, %pad3A_1766 : vector<96x96xf32>
    %get3A_1768 = arith.constant 119 : index
    %get3A_1769 = arith.constant 0 : index
    %get3A_1770 = arith.constant 0 : index
    %get3A_1771 = vector.load %arg0[%get3A_1768, %get3A_1769, %get3A_1770] : memref<147x96x96xf32, #tpu.memory_space<vmem>>, vector<1x90x90xf32>
    %get3A_1772 = vector.shape_cast %get3A_1771 : vector<1x90x90xf32> to vector<90x90xf32>
    %jit3A_1773 = arith.constant 0 : i32
    %convert_element_type3A_1774 = arith.sitofp %jit3A_1773 : i32 to f32
    %pad3A_1775 = vector.broadcast %convert_element_type3A_1774 : f32 to vector<3x90xf32>
    %pad3A_1776 = tpu.concatenate %pad3A_1775, %get3A_1772 in 0 : vector<3x90xf32>, vector<90x90xf32> -> vector<93x90xf32>
    %pad3A_1777 = vector.broadcast %convert_element_type3A_1774 : f32 to vector<3x90xf32>
    %pad3A_1778 = tpu.concatenate %pad3A_1776, %pad3A_1777 in 0 : vector<93x90xf32>, vector<3x90xf32> -> vector<96x90xf32>
    %pad3A_1779 = vector.broadcast %convert_element_type3A_1774 : f32 to vector<96x6xf32>
    %pad3A_1780 = tpu.concatenate %pad3A_1778, %pad3A_1779 in 1 : vector<96x90xf32>, vector<96x6xf32> -> vector<96x96xf32>
    %add3A_1781 = arith.addf %add3A_1767, %pad3A_1780 : vector<96x96xf32>
    %get3A_1782 = arith.constant 120 : index
    %get3A_1783 = arith.constant 0 : index
    %get3A_1784 = arith.constant 0 : index
    %get3A_1785 = vector.load %arg0[%get3A_1782, %get3A_1783, %get3A_1784] : memref<147x96x96xf32, #tpu.memory_space<vmem>>, vector<1x90x90xf32>
    %get3A_1786 = vector.shape_cast %get3A_1785 : vector<1x90x90xf32> to vector<90x90xf32>
    %jit3A_1787 = arith.constant 0 : i32
    %convert_element_type3A_1788 = arith.sitofp %jit3A_1787 : i32 to f32
    %pad3A_1789 = vector.broadcast %convert_element_type3A_1788 : f32 to vector<3x90xf32>
    %pad3A_1790 = tpu.concatenate %pad3A_1789, %get3A_1786 in 0 : vector<3x90xf32>, vector<90x90xf32> -> vector<93x90xf32>
    %pad3A_1791 = vector.broadcast %convert_element_type3A_1788 : f32 to vector<3x90xf32>
    %pad3A_1792 = tpu.concatenate %pad3A_1790, %pad3A_1791 in 0 : vector<93x90xf32>, vector<3x90xf32> -> vector<96x90xf32>
    %pad3A_1793 = vector.broadcast %convert_element_type3A_1788 : f32 to vector<96x1xf32>
    %pad3A_1794 = tpu.concatenate %pad3A_1793, %pad3A_1792 in 1 : vector<96x1xf32>, vector<96x90xf32> -> vector<96x91xf32>
    %pad3A_1795 = vector.broadcast %convert_element_type3A_1788 : f32 to vector<96x5xf32>
    %pad3A_1796 = tpu.concatenate %pad3A_1794, %pad3A_1795 in 1 : vector<96x91xf32>, vector<96x5xf32> -> vector<96x96xf32>
    %add3A_1797 = arith.addf %add3A_1781, %pad3A_1796 : vector<96x96xf32>
    %get3A_1798 = arith.constant 121 : index
    %get3A_1799 = arith.constant 0 : index
    %get3A_1800 = arith.constant 0 : index
    %get3A_1801 = vector.load %arg0[%get3A_1798, %get3A_1799, %get3A_1800] : memref<147x96x96xf32, #tpu.memory_space<vmem>>, vector<1x90x90xf32>
    %get3A_1802 = vector.shape_cast %get3A_1801 : vector<1x90x90xf32> to vector<90x90xf32>
    %jit3A_1803 = arith.constant 0 : i32
    %convert_element_type3A_1804 = arith.sitofp %jit3A_1803 : i32 to f32
    %pad3A_1805 = vector.broadcast %convert_element_type3A_1804 : f32 to vector<3x90xf32>
    %pad3A_1806 = tpu.concatenate %pad3A_1805, %get3A_1802 in 0 : vector<3x90xf32>, vector<90x90xf32> -> vector<93x90xf32>
    %pad3A_1807 = vector.broadcast %convert_element_type3A_1804 : f32 to vector<3x90xf32>
    %pad3A_1808 = tpu.concatenate %pad3A_1806, %pad3A_1807 in 0 : vector<93x90xf32>, vector<3x90xf32> -> vector<96x90xf32>
    %pad3A_1809 = vector.broadcast %convert_element_type3A_1804 : f32 to vector<96x2xf32>
    %pad3A_1810 = tpu.concatenate %pad3A_1809, %pad3A_1808 in 1 : vector<96x2xf32>, vector<96x90xf32> -> vector<96x92xf32>
    %pad3A_1811 = vector.broadcast %convert_element_type3A_1804 : f32 to vector<96x4xf32>
    %pad3A_1812 = tpu.concatenate %pad3A_1810, %pad3A_1811 in 1 : vector<96x92xf32>, vector<96x4xf32> -> vector<96x96xf32>
    %add3A_1813 = arith.addf %add3A_1797, %pad3A_1812 : vector<96x96xf32>
    %get3A_1814 = arith.constant 122 : index
    %get3A_1815 = arith.constant 0 : index
    %get3A_1816 = arith.constant 0 : index
    %get3A_1817 = vector.load %arg0[%get3A_1814, %get3A_1815, %get3A_1816] : memref<147x96x96xf32, #tpu.memory_space<vmem>>, vector<1x90x90xf32>
    %get3A_1818 = vector.shape_cast %get3A_1817 : vector<1x90x90xf32> to vector<90x90xf32>
    %jit3A_1819 = arith.constant 0 : i32
    %convert_element_type3A_1820 = arith.sitofp %jit3A_1819 : i32 to f32
    %pad3A_1821 = vector.broadcast %convert_element_type3A_1820 : f32 to vector<3x90xf32>
    %pad3A_1822 = tpu.concatenate %pad3A_1821, %get3A_1818 in 0 : vector<3x90xf32>, vector<90x90xf32> -> vector<93x90xf32>
    %pad3A_1823 = vector.broadcast %convert_element_type3A_1820 : f32 to vector<3x90xf32>
    %pad3A_1824 = tpu.concatenate %pad3A_1822, %pad3A_1823 in 0 : vector<93x90xf32>, vector<3x90xf32> -> vector<96x90xf32>
    %pad3A_1825 = vector.broadcast %convert_element_type3A_1820 : f32 to vector<96x3xf32>
    %pad3A_1826 = tpu.concatenate %pad3A_1825, %pad3A_1824 in 1 : vector<96x3xf32>, vector<96x90xf32> -> vector<96x93xf32>
    %pad3A_1827 = vector.broadcast %convert_element_type3A_1820 : f32 to vector<96x3xf32>
    %pad3A_1828 = tpu.concatenate %pad3A_1826, %pad3A_1827 in 1 : vector<96x93xf32>, vector<96x3xf32> -> vector<96x96xf32>
    %add3A_1829 = arith.addf %add3A_1813, %pad3A_1828 : vector<96x96xf32>
    %get3A_1830 = arith.constant 123 : index
    %get3A_1831 = arith.constant 0 : index
    %get3A_1832 = arith.constant 0 : index
    %get3A_1833 = vector.load %arg0[%get3A_1830, %get3A_1831, %get3A_1832] : memref<147x96x96xf32, #tpu.memory_space<vmem>>, vector<1x90x90xf32>
    %get3A_1834 = vector.shape_cast %get3A_1833 : vector<1x90x90xf32> to vector<90x90xf32>
    %jit3A_1835 = arith.constant 0 : i32
    %convert_element_type3A_1836 = arith.sitofp %jit3A_1835 : i32 to f32
    %pad3A_1837 = vector.broadcast %convert_element_type3A_1836 : f32 to vector<3x90xf32>
    %pad3A_1838 = tpu.concatenate %pad3A_1837, %get3A_1834 in 0 : vector<3x90xf32>, vector<90x90xf32> -> vector<93x90xf32>
    %pad3A_1839 = vector.broadcast %convert_element_type3A_1836 : f32 to vector<3x90xf32>
    %pad3A_1840 = tpu.concatenate %pad3A_1838, %pad3A_1839 in 0 : vector<93x90xf32>, vector<3x90xf32> -> vector<96x90xf32>
    %pad3A_1841 = vector.broadcast %convert_element_type3A_1836 : f32 to vector<96x4xf32>
    %pad3A_1842 = tpu.concatenate %pad3A_1841, %pad3A_1840 in 1 : vector<96x4xf32>, vector<96x90xf32> -> vector<96x94xf32>
    %pad3A_1843 = vector.broadcast %convert_element_type3A_1836 : f32 to vector<96x2xf32>
    %pad3A_1844 = tpu.concatenate %pad3A_1842, %pad3A_1843 in 1 : vector<96x94xf32>, vector<96x2xf32> -> vector<96x96xf32>
    %add3A_1845 = arith.addf %add3A_1829, %pad3A_1844 : vector<96x96xf32>
    %get3A_1846 = arith.constant 124 : index
    %get3A_1847 = arith.constant 0 : index
    %get3A_1848 = arith.constant 0 : index
    %get3A_1849 = vector.load %arg0[%get3A_1846, %get3A_1847, %get3A_1848] : memref<147x96x96xf32, #tpu.memory_space<vmem>>, vector<1x90x90xf32>
    %get3A_1850 = vector.shape_cast %get3A_1849 : vector<1x90x90xf32> to vector<90x90xf32>
    %jit3A_1851 = arith.constant 0 : i32
    %convert_element_type3A_1852 = arith.sitofp %jit3A_1851 : i32 to f32
    %pad3A_1853 = vector.broadcast %convert_element_type3A_1852 : f32 to vector<3x90xf32>
    %pad3A_1854 = tpu.concatenate %pad3A_1853, %get3A_1850 in 0 : vector<3x90xf32>, vector<90x90xf32> -> vector<93x90xf32>
    %pad3A_1855 = vector.broadcast %convert_element_type3A_1852 : f32 to vector<3x90xf32>
    %pad3A_1856 = tpu.concatenate %pad3A_1854, %pad3A_1855 in 0 : vector<93x90xf32>, vector<3x90xf32> -> vector<96x90xf32>
    %pad3A_1857 = vector.broadcast %convert_element_type3A_1852 : f32 to vector<96x5xf32>
    %pad3A_1858 = tpu.concatenate %pad3A_1857, %pad3A_1856 in 1 : vector<96x5xf32>, vector<96x90xf32> -> vector<96x95xf32>
    %pad3A_1859 = vector.broadcast %convert_element_type3A_1852 : f32 to vector<96x1xf32>
    %pad3A_1860 = tpu.concatenate %pad3A_1858, %pad3A_1859 in 1 : vector<96x95xf32>, vector<96x1xf32> -> vector<96x96xf32>
    %add3A_1861 = arith.addf %add3A_1845, %pad3A_1860 : vector<96x96xf32>
    %get3A_1862 = arith.constant 125 : index
    %get3A_1863 = arith.constant 0 : index
    %get3A_1864 = arith.constant 0 : index
    %get3A_1865 = vector.load %arg0[%get3A_1862, %get3A_1863, %get3A_1864] : memref<147x96x96xf32, #tpu.memory_space<vmem>>, vector<1x90x90xf32>
    %get3A_1866 = vector.shape_cast %get3A_1865 : vector<1x90x90xf32> to vector<90x90xf32>
    %jit3A_1867 = arith.constant 0 : i32
    %convert_element_type3A_1868 = arith.sitofp %jit3A_1867 : i32 to f32
    %pad3A_1869 = vector.broadcast %convert_element_type3A_1868 : f32 to vector<3x90xf32>
    %pad3A_1870 = tpu.concatenate %pad3A_1869, %get3A_1866 in 0 : vector<3x90xf32>, vector<90x90xf32> -> vector<93x90xf32>
    %pad3A_1871 = vector.broadcast %convert_element_type3A_1868 : f32 to vector<3x90xf32>
    %pad3A_1872 = tpu.concatenate %pad3A_1870, %pad3A_1871 in 0 : vector<93x90xf32>, vector<3x90xf32> -> vector<96x90xf32>
    %pad3A_1873 = vector.broadcast %convert_element_type3A_1868 : f32 to vector<96x6xf32>
    %pad3A_1874 = tpu.concatenate %pad3A_1873, %pad3A_1872 in 1 : vector<96x6xf32>, vector<96x90xf32> -> vector<96x96xf32>
    %add3A_1875 = arith.addf %add3A_1861, %pad3A_1874 : vector<96x96xf32>
    %get3A_1876 = arith.constant 126 : index
    %get3A_1877 = arith.constant 0 : index
    %get3A_1878 = arith.constant 0 : index
    %get3A_1879 = vector.load %arg0[%get3A_1876, %get3A_1877, %get3A_1878] : memref<147x96x96xf32, #tpu.memory_space<vmem>>, vector<1x90x90xf32>
    %get3A_1880 = vector.shape_cast %get3A_1879 : vector<1x90x90xf32> to vector<90x90xf32>
    %jit3A_1881 = arith.constant 0 : i32
    %convert_element_type3A_1882 = arith.sitofp %jit3A_1881 : i32 to f32
    %pad3A_1883 = vector.broadcast %convert_element_type3A_1882 : f32 to vector<4x90xf32>
    %pad3A_1884 = tpu.concatenate %pad3A_1883, %get3A_1880 in 0 : vector<4x90xf32>, vector<90x90xf32> -> vector<94x90xf32>
    %pad3A_1885 = vector.broadcast %convert_element_type3A_1882 : f32 to vector<2x90xf32>
    %pad3A_1886 = tpu.concatenate %pad3A_1884, %pad3A_1885 in 0 : vector<94x90xf32>, vector<2x90xf32> -> vector<96x90xf32>
    %pad3A_1887 = vector.broadcast %convert_element_type3A_1882 : f32 to vector<96x6xf32>
    %pad3A_1888 = tpu.concatenate %pad3A_1886, %pad3A_1887 in 1 : vector<96x90xf32>, vector<96x6xf32> -> vector<96x96xf32>
    %add3A_1889 = arith.addf %add3A_1875, %pad3A_1888 : vector<96x96xf32>
    %get3A_1890 = arith.constant 127 : index
    %get3A_1891 = arith.constant 0 : index
    %get3A_1892 = arith.constant 0 : index
    %get3A_1893 = vector.load %arg0[%get3A_1890, %get3A_1891, %get3A_1892] : memref<147x96x96xf32, #tpu.memory_space<vmem>>, vector<1x90x90xf32>
    %get3A_1894 = vector.shape_cast %get3A_1893 : vector<1x90x90xf32> to vector<90x90xf32>
    %jit3A_1895 = arith.constant 0 : i32
    %convert_element_type3A_1896 = arith.sitofp %jit3A_1895 : i32 to f32
    %pad3A_1897 = vector.broadcast %convert_element_type3A_1896 : f32 to vector<4x90xf32>
    %pad3A_1898 = tpu.concatenate %pad3A_1897, %get3A_1894 in 0 : vector<4x90xf32>, vector<90x90xf32> -> vector<94x90xf32>
    %pad3A_1899 = vector.broadcast %convert_element_type3A_1896 : f32 to vector<2x90xf32>
    %pad3A_1900 = tpu.concatenate %pad3A_1898, %pad3A_1899 in 0 : vector<94x90xf32>, vector<2x90xf32> -> vector<96x90xf32>
    %pad3A_1901 = vector.broadcast %convert_element_type3A_1896 : f32 to vector<96x1xf32>
    %pad3A_1902 = tpu.concatenate %pad3A_1901, %pad3A_1900 in 1 : vector<96x1xf32>, vector<96x90xf32> -> vector<96x91xf32>
    %pad3A_1903 = vector.broadcast %convert_element_type3A_1896 : f32 to vector<96x5xf32>
    %pad3A_1904 = tpu.concatenate %pad3A_1902, %pad3A_1903 in 1 : vector<96x91xf32>, vector<96x5xf32> -> vector<96x96xf32>
    %add3A_1905 = arith.addf %add3A_1889, %pad3A_1904 : vector<96x96xf32>
    %get3A_1906 = arith.constant 128 : index
    %get3A_1907 = arith.constant 0 : index
    %get3A_1908 = arith.constant 0 : index
    %get3A_1909 = vector.load %arg0[%get3A_1906, %get3A_1907, %get3A_1908] : memref<147x96x96xf32, #tpu.memory_space<vmem>>, vector<1x90x90xf32>
    %get3A_1910 = vector.shape_cast %get3A_1909 : vector<1x90x90xf32> to vector<90x90xf32>
    %jit3A_1911 = arith.constant 0 : i32
    %convert_element_type3A_1912 = arith.sitofp %jit3A_1911 : i32 to f32
    %pad3A_1913 = vector.broadcast %convert_element_type3A_1912 : f32 to vector<4x90xf32>
    %pad3A_1914 = tpu.concatenate %pad3A_1913, %get3A_1910 in 0 : vector<4x90xf32>, vector<90x90xf32> -> vector<94x90xf32>
    %pad3A_1915 = vector.broadcast %convert_element_type3A_1912 : f32 to vector<2x90xf32>
    %pad3A_1916 = tpu.concatenate %pad3A_1914, %pad3A_1915 in 0 : vector<94x90xf32>, vector<2x90xf32> -> vector<96x90xf32>
    %pad3A_1917 = vector.broadcast %convert_element_type3A_1912 : f32 to vector<96x2xf32>
    %pad3A_1918 = tpu.concatenate %pad3A_1917, %pad3A_1916 in 1 : vector<96x2xf32>, vector<96x90xf32> -> vector<96x92xf32>
    %pad3A_1919 = vector.broadcast %convert_element_type3A_1912 : f32 to vector<96x4xf32>
    %pad3A_1920 = tpu.concatenate %pad3A_1918, %pad3A_1919 in 1 : vector<96x92xf32>, vector<96x4xf32> -> vector<96x96xf32>
    %add3A_1921 = arith.addf %add3A_1905, %pad3A_1920 : vector<96x96xf32>
    %get3A_1922 = arith.constant 129 : index
    %get3A_1923 = arith.constant 0 : index
    %get3A_1924 = arith.constant 0 : index
    %get3A_1925 = vector.load %arg0[%get3A_1922, %get3A_1923, %get3A_1924] : memref<147x96x96xf32, #tpu.memory_space<vmem>>, vector<1x90x90xf32>
    %get3A_1926 = vector.shape_cast %get3A_1925 : vector<1x90x90xf32> to vector<90x90xf32>
    %jit3A_1927 = arith.constant 0 : i32
    %convert_element_type3A_1928 = arith.sitofp %jit3A_1927 : i32 to f32
    %pad3A_1929 = vector.broadcast %convert_element_type3A_1928 : f32 to vector<4x90xf32>
    %pad3A_1930 = tpu.concatenate %pad3A_1929, %get3A_1926 in 0 : vector<4x90xf32>, vector<90x90xf32> -> vector<94x90xf32>
    %pad3A_1931 = vector.broadcast %convert_element_type3A_1928 : f32 to vector<2x90xf32>
    %pad3A_1932 = tpu.concatenate %pad3A_1930, %pad3A_1931 in 0 : vector<94x90xf32>, vector<2x90xf32> -> vector<96x90xf32>
    %pad3A_1933 = vector.broadcast %convert_element_type3A_1928 : f32 to vector<96x3xf32>
    %pad3A_1934 = tpu.concatenate %pad3A_1933, %pad3A_1932 in 1 : vector<96x3xf32>, vector<96x90xf32> -> vector<96x93xf32>
    %pad3A_1935 = vector.broadcast %convert_element_type3A_1928 : f32 to vector<96x3xf32>
    %pad3A_1936 = tpu.concatenate %pad3A_1934, %pad3A_1935 in 1 : vector<96x93xf32>, vector<96x3xf32> -> vector<96x96xf32>
    %add3A_1937 = arith.addf %add3A_1921, %pad3A_1936 : vector<96x96xf32>
    %get3A_1938 = arith.constant 130 : index
    %get3A_1939 = arith.constant 0 : index
    %get3A_1940 = arith.constant 0 : index
    %get3A_1941 = vector.load %arg0[%get3A_1938, %get3A_1939, %get3A_1940] : memref<147x96x96xf32, #tpu.memory_space<vmem>>, vector<1x90x90xf32>
    %get3A_1942 = vector.shape_cast %get3A_1941 : vector<1x90x90xf32> to vector<90x90xf32>
    %jit3A_1943 = arith.constant 0 : i32
    %convert_element_type3A_1944 = arith.sitofp %jit3A_1943 : i32 to f32
    %pad3A_1945 = vector.broadcast %convert_element_type3A_1944 : f32 to vector<4x90xf32>
    %pad3A_1946 = tpu.concatenate %pad3A_1945, %get3A_1942 in 0 : vector<4x90xf32>, vector<90x90xf32> -> vector<94x90xf32>
    %pad3A_1947 = vector.broadcast %convert_element_type3A_1944 : f32 to vector<2x90xf32>
    %pad3A_1948 = tpu.concatenate %pad3A_1946, %pad3A_1947 in 0 : vector<94x90xf32>, vector<2x90xf32> -> vector<96x90xf32>
    %pad3A_1949 = vector.broadcast %convert_element_type3A_1944 : f32 to vector<96x4xf32>
    %pad3A_1950 = tpu.concatenate %pad3A_1949, %pad3A_1948 in 1 : vector<96x4xf32>, vector<96x90xf32> -> vector<96x94xf32>
    %pad3A_1951 = vector.broadcast %convert_element_type3A_1944 : f32 to vector<96x2xf32>
    %pad3A_1952 = tpu.concatenate %pad3A_1950, %pad3A_1951 in 1 : vector<96x94xf32>, vector<96x2xf32> -> vector<96x96xf32>
    %add3A_1953 = arith.addf %add3A_1937, %pad3A_1952 : vector<96x96xf32>
    %get3A_1954 = arith.constant 131 : index
    %get3A_1955 = arith.constant 0 : index
    %get3A_1956 = arith.constant 0 : index
    %get3A_1957 = vector.load %arg0[%get3A_1954, %get3A_1955, %get3A_1956] : memref<147x96x96xf32, #tpu.memory_space<vmem>>, vector<1x90x90xf32>
    %get3A_1958 = vector.shape_cast %get3A_1957 : vector<1x90x90xf32> to vector<90x90xf32>
    %jit3A_1959 = arith.constant 0 : i32
    %convert_element_type3A_1960 = arith.sitofp %jit3A_1959 : i32 to f32
    %pad3A_1961 = vector.broadcast %convert_element_type3A_1960 : f32 to vector<4x90xf32>
    %pad3A_1962 = tpu.concatenate %pad3A_1961, %get3A_1958 in 0 : vector<4x90xf32>, vector<90x90xf32> -> vector<94x90xf32>
    %pad3A_1963 = vector.broadcast %convert_element_type3A_1960 : f32 to vector<2x90xf32>
    %pad3A_1964 = tpu.concatenate %pad3A_1962, %pad3A_1963 in 0 : vector<94x90xf32>, vector<2x90xf32> -> vector<96x90xf32>
    %pad3A_1965 = vector.broadcast %convert_element_type3A_1960 : f32 to vector<96x5xf32>
    %pad3A_1966 = tpu.concatenate %pad3A_1965, %pad3A_1964 in 1 : vector<96x5xf32>, vector<96x90xf32> -> vector<96x95xf32>
    %pad3A_1967 = vector.broadcast %convert_element_type3A_1960 : f32 to vector<96x1xf32>
    %pad3A_1968 = tpu.concatenate %pad3A_1966, %pad3A_1967 in 1 : vector<96x95xf32>, vector<96x1xf32> -> vector<96x96xf32>
    %add3A_1969 = arith.addf %add3A_1953, %pad3A_1968 : vector<96x96xf32>
    %get3A_1970 = arith.constant 132 : index
    %get3A_1971 = arith.constant 0 : index
    %get3A_1972 = arith.constant 0 : index
    %get3A_1973 = vector.load %arg0[%get3A_1970, %get3A_1971, %get3A_1972] : memref<147x96x96xf32, #tpu.memory_space<vmem>>, vector<1x90x90xf32>
    %get3A_1974 = vector.shape_cast %get3A_1973 : vector<1x90x90xf32> to vector<90x90xf32>
    %jit3A_1975 = arith.constant 0 : i32
    %convert_element_type3A_1976 = arith.sitofp %jit3A_1975 : i32 to f32
    %pad3A_1977 = vector.broadcast %convert_element_type3A_1976 : f32 to vector<4x90xf32>
    %pad3A_1978 = tpu.concatenate %pad3A_1977, %get3A_1974 in 0 : vector<4x90xf32>, vector<90x90xf32> -> vector<94x90xf32>
    %pad3A_1979 = vector.broadcast %convert_element_type3A_1976 : f32 to vector<2x90xf32>
    %pad3A_1980 = tpu.concatenate %pad3A_1978, %pad3A_1979 in 0 : vector<94x90xf32>, vector<2x90xf32> -> vector<96x90xf32>
    %pad3A_1981 = vector.broadcast %convert_element_type3A_1976 : f32 to vector<96x6xf32>
    %pad3A_1982 = tpu.concatenate %pad3A_1981, %pad3A_1980 in 1 : vector<96x6xf32>, vector<96x90xf32> -> vector<96x96xf32>
    %add3A_1983 = arith.addf %add3A_1969, %pad3A_1982 : vector<96x96xf32>
    %get3A_1984 = arith.constant 133 : index
    %get3A_1985 = arith.constant 0 : index
    %get3A_1986 = arith.constant 0 : index
    %get3A_1987 = vector.load %arg0[%get3A_1984, %get3A_1985, %get3A_1986] : memref<147x96x96xf32, #tpu.memory_space<vmem>>, vector<1x90x90xf32>
    %get3A_1988 = vector.shape_cast %get3A_1987 : vector<1x90x90xf32> to vector<90x90xf32>
    %jit3A_1989 = arith.constant 0 : i32
    %convert_element_type3A_1990 = arith.sitofp %jit3A_1989 : i32 to f32
    %pad3A_1991 = vector.broadcast %convert_element_type3A_1990 : f32 to vector<5x90xf32>
    %pad3A_1992 = tpu.concatenate %pad3A_1991, %get3A_1988 in 0 : vector<5x90xf32>, vector<90x90xf32> -> vector<95x90xf32>
    %pad3A_1993 = vector.broadcast %convert_element_type3A_1990 : f32 to vector<1x90xf32>
    %pad3A_1994 = tpu.concatenate %pad3A_1992, %pad3A_1993 in 0 : vector<95x90xf32>, vector<1x90xf32> -> vector<96x90xf32>
    %pad3A_1995 = vector.broadcast %convert_element_type3A_1990 : f32 to vector<96x6xf32>
    %pad3A_1996 = tpu.concatenate %pad3A_1994, %pad3A_1995 in 1 : vector<96x90xf32>, vector<96x6xf32> -> vector<96x96xf32>
    %add3A_1997 = arith.addf %add3A_1983, %pad3A_1996 : vector<96x96xf32>
    %get3A_1998 = arith.constant 134 : index
    %get3A_1999 = arith.constant 0 : index
    %get3A_2000 = arith.constant 0 : index
    %get3A_2001 = vector.load %arg0[%get3A_1998, %get3A_1999, %get3A_2000] : memref<147x96x96xf32, #tpu.memory_space<vmem>>, vector<1x90x90xf32>
    %get3A_2002 = vector.shape_cast %get3A_2001 : vector<1x90x90xf32> to vector<90x90xf32>
    %jit3A_2003 = arith.constant 0 : i32
    %convert_element_type3A_2004 = arith.sitofp %jit3A_2003 : i32 to f32
    %pad3A_2005 = vector.broadcast %convert_element_type3A_2004 : f32 to vector<5x90xf32>
    %pad3A_2006 = tpu.concatenate %pad3A_2005, %get3A_2002 in 0 : vector<5x90xf32>, vector<90x90xf32> -> vector<95x90xf32>
    %pad3A_2007 = vector.broadcast %convert_element_type3A_2004 : f32 to vector<1x90xf32>
    %pad3A_2008 = tpu.concatenate %pad3A_2006, %pad3A_2007 in 0 : vector<95x90xf32>, vector<1x90xf32> -> vector<96x90xf32>
    %pad3A_2009 = vector.broadcast %convert_element_type3A_2004 : f32 to vector<96x1xf32>
    %pad3A_2010 = tpu.concatenate %pad3A_2009, %pad3A_2008 in 1 : vector<96x1xf32>, vector<96x90xf32> -> vector<96x91xf32>
    %pad3A_2011 = vector.broadcast %convert_element_type3A_2004 : f32 to vector<96x5xf32>
    %pad3A_2012 = tpu.concatenate %pad3A_2010, %pad3A_2011 in 1 : vector<96x91xf32>, vector<96x5xf32> -> vector<96x96xf32>
    %add3A_2013 = arith.addf %add3A_1997, %pad3A_2012 : vector<96x96xf32>
    %get3A_2014 = arith.constant 135 : index
    %get3A_2015 = arith.constant 0 : index
    %get3A_2016 = arith.constant 0 : index
    %get3A_2017 = vector.load %arg0[%get3A_2014, %get3A_2015, %get3A_2016] : memref<147x96x96xf32, #tpu.memory_space<vmem>>, vector<1x90x90xf32>
    %get3A_2018 = vector.shape_cast %get3A_2017 : vector<1x90x90xf32> to vector<90x90xf32>
    %jit3A_2019 = arith.constant 0 : i32
    %convert_element_type3A_2020 = arith.sitofp %jit3A_2019 : i32 to f32
    %pad3A_2021 = vector.broadcast %convert_element_type3A_2020 : f32 to vector<5x90xf32>
    %pad3A_2022 = tpu.concatenate %pad3A_2021, %get3A_2018 in 0 : vector<5x90xf32>, vector<90x90xf32> -> vector<95x90xf32>
    %pad3A_2023 = vector.broadcast %convert_element_type3A_2020 : f32 to vector<1x90xf32>
    %pad3A_2024 = tpu.concatenate %pad3A_2022, %pad3A_2023 in 0 : vector<95x90xf32>, vector<1x90xf32> -> vector<96x90xf32>
    %pad3A_2025 = vector.broadcast %convert_element_type3A_2020 : f32 to vector<96x2xf32>
    %pad3A_2026 = tpu.concatenate %pad3A_2025, %pad3A_2024 in 1 : vector<96x2xf32>, vector<96x90xf32> -> vector<96x92xf32>
    %pad3A_2027 = vector.broadcast %convert_element_type3A_2020 : f32 to vector<96x4xf32>
    %pad3A_2028 = tpu.concatenate %pad3A_2026, %pad3A_2027 in 1 : vector<96x92xf32>, vector<96x4xf32> -> vector<96x96xf32>
    %add3A_2029 = arith.addf %add3A_2013, %pad3A_2028 : vector<96x96xf32>
    %get3A_2030 = arith.constant 136 : index
    %get3A_2031 = arith.constant 0 : index
    %get3A_2032 = arith.constant 0 : index
    %get3A_2033 = vector.load %arg0[%get3A_2030, %get3A_2031, %get3A_2032] : memref<147x96x96xf32, #tpu.memory_space<vmem>>, vector<1x90x90xf32>
    %get3A_2034 = vector.shape_cast %get3A_2033 : vector<1x90x90xf32> to vector<90x90xf32>
    %jit3A_2035 = arith.constant 0 : i32
    %convert_element_type3A_2036 = arith.sitofp %jit3A_2035 : i32 to f32
    %pad3A_2037 = vector.broadcast %convert_element_type3A_2036 : f32 to vector<5x90xf32>
    %pad3A_2038 = tpu.concatenate %pad3A_2037, %get3A_2034 in 0 : vector<5x90xf32>, vector<90x90xf32> -> vector<95x90xf32>
    %pad3A_2039 = vector.broadcast %convert_element_type3A_2036 : f32 to vector<1x90xf32>
    %pad3A_2040 = tpu.concatenate %pad3A_2038, %pad3A_2039 in 0 : vector<95x90xf32>, vector<1x90xf32> -> vector<96x90xf32>
    %pad3A_2041 = vector.broadcast %convert_element_type3A_2036 : f32 to vector<96x3xf32>
    %pad3A_2042 = tpu.concatenate %pad3A_2041, %pad3A_2040 in 1 : vector<96x3xf32>, vector<96x90xf32> -> vector<96x93xf32>
    %pad3A_2043 = vector.broadcast %convert_element_type3A_2036 : f32 to vector<96x3xf32>
    %pad3A_2044 = tpu.concatenate %pad3A_2042, %pad3A_2043 in 1 : vector<96x93xf32>, vector<96x3xf32> -> vector<96x96xf32>
    %add3A_2045 = arith.addf %add3A_2029, %pad3A_2044 : vector<96x96xf32>
    %get3A_2046 = arith.constant 137 : index
    %get3A_2047 = arith.constant 0 : index
    %get3A_2048 = arith.constant 0 : index
    %get3A_2049 = vector.load %arg0[%get3A_2046, %get3A_2047, %get3A_2048] : memref<147x96x96xf32, #tpu.memory_space<vmem>>, vector<1x90x90xf32>
    %get3A_2050 = vector.shape_cast %get3A_2049 : vector<1x90x90xf32> to vector<90x90xf32>
    %jit3A_2051 = arith.constant 0 : i32
    %convert_element_type3A_2052 = arith.sitofp %jit3A_2051 : i32 to f32
    %pad3A_2053 = vector.broadcast %convert_element_type3A_2052 : f32 to vector<5x90xf32>
    %pad3A_2054 = tpu.concatenate %pad3A_2053, %get3A_2050 in 0 : vector<5x90xf32>, vector<90x90xf32> -> vector<95x90xf32>
    %pad3A_2055 = vector.broadcast %convert_element_type3A_2052 : f32 to vector<1x90xf32>
    %pad3A_2056 = tpu.concatenate %pad3A_2054, %pad3A_2055 in 0 : vector<95x90xf32>, vector<1x90xf32> -> vector<96x90xf32>
    %pad3A_2057 = vector.broadcast %convert_element_type3A_2052 : f32 to vector<96x4xf32>
    %pad3A_2058 = tpu.concatenate %pad3A_2057, %pad3A_2056 in 1 : vector<96x4xf32>, vector<96x90xf32> -> vector<96x94xf32>
    %pad3A_2059 = vector.broadcast %convert_element_type3A_2052 : f32 to vector<96x2xf32>
    %pad3A_2060 = tpu.concatenate %pad3A_2058, %pad3A_2059 in 1 : vector<96x94xf32>, vector<96x2xf32> -> vector<96x96xf32>
    %add3A_2061 = arith.addf %add3A_2045, %pad3A_2060 : vector<96x96xf32>
    %get3A_2062 = arith.constant 138 : index
    %get3A_2063 = arith.constant 0 : index
    %get3A_2064 = arith.constant 0 : index
    %get3A_2065 = vector.load %arg0[%get3A_2062, %get3A_2063, %get3A_2064] : memref<147x96x96xf32, #tpu.memory_space<vmem>>, vector<1x90x90xf32>
    %get3A_2066 = vector.shape_cast %get3A_2065 : vector<1x90x90xf32> to vector<90x90xf32>
    %jit3A_2067 = arith.constant 0 : i32
    %convert_element_type3A_2068 = arith.sitofp %jit3A_2067 : i32 to f32
    %pad3A_2069 = vector.broadcast %convert_element_type3A_2068 : f32 to vector<5x90xf32>
    %pad3A_2070 = tpu.concatenate %pad3A_2069, %get3A_2066 in 0 : vector<5x90xf32>, vector<90x90xf32> -> vector<95x90xf32>
    %pad3A_2071 = vector.broadcast %convert_element_type3A_2068 : f32 to vector<1x90xf32>
    %pad3A_2072 = tpu.concatenate %pad3A_2070, %pad3A_2071 in 0 : vector<95x90xf32>, vector<1x90xf32> -> vector<96x90xf32>
    %pad3A_2073 = vector.broadcast %convert_element_type3A_2068 : f32 to vector<96x5xf32>
    %pad3A_2074 = tpu.concatenate %pad3A_2073, %pad3A_2072 in 1 : vector<96x5xf32>, vector<96x90xf32> -> vector<96x95xf32>
    %pad3A_2075 = vector.broadcast %convert_element_type3A_2068 : f32 to vector<96x1xf32>
    %pad3A_2076 = tpu.concatenate %pad3A_2074, %pad3A_2075 in 1 : vector<96x95xf32>, vector<96x1xf32> -> vector<96x96xf32>
    %add3A_2077 = arith.addf %add3A_2061, %pad3A_2076 : vector<96x96xf32>
    %get3A_2078 = arith.constant 139 : index
    %get3A_2079 = arith.constant 0 : index
    %get3A_2080 = arith.constant 0 : index
    %get3A_2081 = vector.load %arg0[%get3A_2078, %get3A_2079, %get3A_2080] : memref<147x96x96xf32, #tpu.memory_space<vmem>>, vector<1x90x90xf32>
    %get3A_2082 = vector.shape_cast %get3A_2081 : vector<1x90x90xf32> to vector<90x90xf32>
    %jit3A_2083 = arith.constant 0 : i32
    %convert_element_type3A_2084 = arith.sitofp %jit3A_2083 : i32 to f32
    %pad3A_2085 = vector.broadcast %convert_element_type3A_2084 : f32 to vector<5x90xf32>
    %pad3A_2086 = tpu.concatenate %pad3A_2085, %get3A_2082 in 0 : vector<5x90xf32>, vector<90x90xf32> -> vector<95x90xf32>
    %pad3A_2087 = vector.broadcast %convert_element_type3A_2084 : f32 to vector<1x90xf32>
    %pad3A_2088 = tpu.concatenate %pad3A_2086, %pad3A_2087 in 0 : vector<95x90xf32>, vector<1x90xf32> -> vector<96x90xf32>
    %pad3A_2089 = vector.broadcast %convert_element_type3A_2084 : f32 to vector<96x6xf32>
    %pad3A_2090 = tpu.concatenate %pad3A_2089, %pad3A_2088 in 1 : vector<96x6xf32>, vector<96x90xf32> -> vector<96x96xf32>
    %add3A_2091 = arith.addf %add3A_2077, %pad3A_2090 : vector<96x96xf32>
    %get3A_2092 = arith.constant 140 : index
    %get3A_2093 = arith.constant 0 : index
    %get3A_2094 = arith.constant 0 : index
    %get3A_2095 = vector.load %arg0[%get3A_2092, %get3A_2093, %get3A_2094] : memref<147x96x96xf32, #tpu.memory_space<vmem>>, vector<1x90x90xf32>
    %get3A_2096 = vector.shape_cast %get3A_2095 : vector<1x90x90xf32> to vector<90x90xf32>
    %jit3A_2097 = arith.constant 0 : i32
    %convert_element_type3A_2098 = arith.sitofp %jit3A_2097 : i32 to f32
    %pad3A_2099 = vector.broadcast %convert_element_type3A_2098 : f32 to vector<6x90xf32>
    %pad3A_2100 = tpu.concatenate %pad3A_2099, %get3A_2096 in 0 : vector<6x90xf32>, vector<90x90xf32> -> vector<96x90xf32>
    %pad3A_2101 = vector.broadcast %convert_element_type3A_2098 : f32 to vector<96x6xf32>
    %pad3A_2102 = tpu.concatenate %pad3A_2100, %pad3A_2101 in 1 : vector<96x90xf32>, vector<96x6xf32> -> vector<96x96xf32>
    %add3A_2103 = arith.addf %add3A_2091, %pad3A_2102 : vector<96x96xf32>
    %get3A_2104 = arith.constant 141 : index
    %get3A_2105 = arith.constant 0 : index
    %get3A_2106 = arith.constant 0 : index
    %get3A_2107 = vector.load %arg0[%get3A_2104, %get3A_2105, %get3A_2106] : memref<147x96x96xf32, #tpu.memory_space<vmem>>, vector<1x90x90xf32>
    %get3A_2108 = vector.shape_cast %get3A_2107 : vector<1x90x90xf32> to vector<90x90xf32>
    %jit3A_2109 = arith.constant 0 : i32
    %convert_element_type3A_2110 = arith.sitofp %jit3A_2109 : i32 to f32
    %pad3A_2111 = vector.broadcast %convert_element_type3A_2110 : f32 to vector<6x90xf32>
    %pad3A_2112 = tpu.concatenate %pad3A_2111, %get3A_2108 in 0 : vector<6x90xf32>, vector<90x90xf32> -> vector<96x90xf32>
    %pad3A_2113 = vector.broadcast %convert_element_type3A_2110 : f32 to vector<96x1xf32>
    %pad3A_2114 = tpu.concatenate %pad3A_2113, %pad3A_2112 in 1 : vector<96x1xf32>, vector<96x90xf32> -> vector<96x91xf32>
    %pad3A_2115 = vector.broadcast %convert_element_type3A_2110 : f32 to vector<96x5xf32>
    %pad3A_2116 = tpu.concatenate %pad3A_2114, %pad3A_2115 in 1 : vector<96x91xf32>, vector<96x5xf32> -> vector<96x96xf32>
    %add3A_2117 = arith.addf %add3A_2103, %pad3A_2116 : vector<96x96xf32>
    %get3A_2118 = arith.constant 142 : index
    %get3A_2119 = arith.constant 0 : index
    %get3A_2120 = arith.constant 0 : index
    %get3A_2121 = vector.load %arg0[%get3A_2118, %get3A_2119, %get3A_2120] : memref<147x96x96xf32, #tpu.memory_space<vmem>>, vector<1x90x90xf32>
    %get3A_2122 = vector.shape_cast %get3A_2121 : vector<1x90x90xf32> to vector<90x90xf32>
    %jit3A_2123 = arith.constant 0 : i32
    %convert_element_type3A_2124 = arith.sitofp %jit3A_2123 : i32 to f32
    %pad3A_2125 = vector.broadcast %convert_element_type3A_2124 : f32 to vector<6x90xf32>
    %pad3A_2126 = tpu.concatenate %pad3A_2125, %get3A_2122 in 0 : vector<6x90xf32>, vector<90x90xf32> -> vector<96x90xf32>
    %pad3A_2127 = vector.broadcast %convert_element_type3A_2124 : f32 to vector<96x2xf32>
    %pad3A_2128 = tpu.concatenate %pad3A_2127, %pad3A_2126 in 1 : vector<96x2xf32>, vector<96x90xf32> -> vector<96x92xf32>
    %pad3A_2129 = vector.broadcast %convert_element_type3A_2124 : f32 to vector<96x4xf32>
    %pad3A_2130 = tpu.concatenate %pad3A_2128, %pad3A_2129 in 1 : vector<96x92xf32>, vector<96x4xf32> -> vector<96x96xf32>
    %add3A_2131 = arith.addf %add3A_2117, %pad3A_2130 : vector<96x96xf32>
    %get3A_2132 = arith.constant 143 : index
    %get3A_2133 = arith.constant 0 : index
    %get3A_2134 = arith.constant 0 : index
    %get3A_2135 = vector.load %arg0[%get3A_2132, %get3A_2133, %get3A_2134] : memref<147x96x96xf32, #tpu.memory_space<vmem>>, vector<1x90x90xf32>
    %get3A_2136 = vector.shape_cast %get3A_2135 : vector<1x90x90xf32> to vector<90x90xf32>
    %jit3A_2137 = arith.constant 0 : i32
    %convert_element_type3A_2138 = arith.sitofp %jit3A_2137 : i32 to f32
    %pad3A_2139 = vector.broadcast %convert_element_type3A_2138 : f32 to vector<6x90xf32>
    %pad3A_2140 = tpu.concatenate %pad3A_2139, %get3A_2136 in 0 : vector<6x90xf32>, vector<90x90xf32> -> vector<96x90xf32>
    %pad3A_2141 = vector.broadcast %convert_element_type3A_2138 : f32 to vector<96x3xf32>
    %pad3A_2142 = tpu.concatenate %pad3A_2141, %pad3A_2140 in 1 : vector<96x3xf32>, vector<96x90xf32> -> vector<96x93xf32>
    %pad3A_2143 = vector.broadcast %convert_element_type3A_2138 : f32 to vector<96x3xf32>
    %pad3A_2144 = tpu.concatenate %pad3A_2142, %pad3A_2143 in 1 : vector<96x93xf32>, vector<96x3xf32> -> vector<96x96xf32>
    %add3A_2145 = arith.addf %add3A_2131, %pad3A_2144 : vector<96x96xf32>
    %get3A_2146 = arith.constant 144 : index
    %get3A_2147 = arith.constant 0 : index
    %get3A_2148 = arith.constant 0 : index
    %get3A_2149 = vector.load %arg0[%get3A_2146, %get3A_2147, %get3A_2148] : memref<147x96x96xf32, #tpu.memory_space<vmem>>, vector<1x90x90xf32>
    %get3A_2150 = vector.shape_cast %get3A_2149 : vector<1x90x90xf32> to vector<90x90xf32>
    %jit3A_2151 = arith.constant 0 : i32
    %convert_element_type3A_2152 = arith.sitofp %jit3A_2151 : i32 to f32
    %pad3A_2153 = vector.broadcast %convert_element_type3A_2152 : f32 to vector<6x90xf32>
    %pad3A_2154 = tpu.concatenate %pad3A_2153, %get3A_2150 in 0 : vector<6x90xf32>, vector<90x90xf32> -> vector<96x90xf32>
    %pad3A_2155 = vector.broadcast %convert_element_type3A_2152 : f32 to vector<96x4xf32>
    %pad3A_2156 = tpu.concatenate %pad3A_2155, %pad3A_2154 in 1 : vector<96x4xf32>, vector<96x90xf32> -> vector<96x94xf32>
    %pad3A_2157 = vector.broadcast %convert_element_type3A_2152 : f32 to vector<96x2xf32>
    %pad3A_2158 = tpu.concatenate %pad3A_2156, %pad3A_2157 in 1 : vector<96x94xf32>, vector<96x2xf32> -> vector<96x96xf32>
    %add3A_2159 = arith.addf %add3A_2145, %pad3A_2158 : vector<96x96xf32>
    %get3A_2160 = arith.constant 145 : index
    %get3A_2161 = arith.constant 0 : index
    %get3A_2162 = arith.constant 0 : index
    %get3A_2163 = vector.load %arg0[%get3A_2160, %get3A_2161, %get3A_2162] : memref<147x96x96xf32, #tpu.memory_space<vmem>>, vector<1x90x90xf32>
    %get3A_2164 = vector.shape_cast %get3A_2163 : vector<1x90x90xf32> to vector<90x90xf32>
    %jit3A_2165 = arith.constant 0 : i32
    %convert_element_type3A_2166 = arith.sitofp %jit3A_2165 : i32 to f32
    %pad3A_2167 = vector.broadcast %convert_element_type3A_2166 : f32 to vector<6x90xf32>
    %pad3A_2168 = tpu.concatenate %pad3A_2167, %get3A_2164 in 0 : vector<6x90xf32>, vector<90x90xf32> -> vector<96x90xf32>
    %pad3A_2169 = vector.broadcast %convert_element_type3A_2166 : f32 to vector<96x5xf32>
    %pad3A_2170 = tpu.concatenate %pad3A_2169, %pad3A_2168 in 1 : vector<96x5xf32>, vector<96x90xf32> -> vector<96x95xf32>
    %pad3A_2171 = vector.broadcast %convert_element_type3A_2166 : f32 to vector<96x1xf32>
    %pad3A_2172 = tpu.concatenate %pad3A_2170, %pad3A_2171 in 1 : vector<96x95xf32>, vector<96x1xf32> -> vector<96x96xf32>
    %add3A_2173 = arith.addf %add3A_2159, %pad3A_2172 : vector<96x96xf32>
    %get3A_2174 = arith.constant 146 : index
    %get3A_2175 = arith.constant 0 : index
    %get3A_2176 = arith.constant 0 : index
    %get3A_2177 = vector.load %arg0[%get3A_2174, %get3A_2175, %get3A_2176] : memref<147x96x96xf32, #tpu.memory_space<vmem>>, vector<1x90x90xf32>
    %get3A_2178 = vector.shape_cast %get3A_2177 : vector<1x90x90xf32> to vector<90x90xf32>
    %jit3A_2179 = arith.constant 0 : i32
    %convert_element_type3A_2180 = arith.sitofp %jit3A_2179 : i32 to f32
    %pad3A_2181 = vector.broadcast %convert_element_type3A_2180 : f32 to vector<6x90xf32>
    %pad3A_2182 = tpu.concatenate %pad3A_2181, %get3A_2178 in 0 : vector<6x90xf32>, vector<90x90xf32> -> vector<96x90xf32>
    %pad3A_2183 = vector.broadcast %convert_element_type3A_2180 : f32 to vector<96x6xf32>
    %pad3A_2184 = tpu.concatenate %pad3A_2183, %pad3A_2182 in 1 : vector<96x6xf32>, vector<96x90xf32> -> vector<96x96xf32>
    %add3A_2185 = arith.addf %add3A_2173, %pad3A_2184 : vector<96x96xf32>
    %broadcast_in_dim3A_2186 = vector.shape_cast %add3A_2185 : vector<96x96xf32> to vector<1x96x96xf32>
    %concatenate3A = tpu.concatenate %broadcast_in_dim3A_724, %broadcast_in_dim3A_1455, %broadcast_in_dim3A_2186 in 0 : vector<1x96x96xf32>, vector<1x96x96xf32>, vector<1x96x96xf32> -> vector<3x96x96xf32>
    %get3A_2187 = arith.constant 0 : index
    %get3A_2188 = arith.constant 0 : index
    %get3A_2189 = vector.load %arg1[%get3A_2187, %get3A_2188] : memref<96x96xf32, #tpu.memory_space<vmem>>, vector<96x96xf32>
    %broadcast_in_dim3A_2190 = vector.shape_cast %get3A_2189 : vector<96x96xf32> to vector<1x96x96xf32>
    %mul3A = vector.broadcast %broadcast_in_dim3A_2190 : vector<1x96x96xf32> to vector<3x96x96xf32>
    %mul3A_2191 = arith.mulf %concatenate3A, %mul3A : vector<3x96x96xf32>
    %swap3A = arith.constant 0 : index
    %swap3A_2192 = arith.constant 0 : index
    %swap3A_2193 = arith.constant 0 : index
    %swap3A_2194 = vector.load %arg2[%swap3A, %swap3A_2192, %swap3A_2193] : memref<3x96x96xf32, #tpu.memory_space<vmem>>, vector<3x96x96xf32>
    tpu.vector_store %arg2[%swap3A, %swap3A_2192, %swap3A_2193], %mul3A_2191 {strides = array<i32>} : memref<3x96x96xf32, #tpu.memory_space<vmem>>, vector<3x96x96xf32>,
    return
  }
}

</mosaic_0001>

<sc_bundles>
// kernel: kernel.5.cloned.1.call-start
scs
__scs_entry_jumppad:
0x0: {  	(pc) =	sbr.rel $0x88, $3  }
0x1: {  	(tag) =	ssettag $0x0;
	lr =	simm.s32 $0x1  }
0x2: {  	[smem:$0x3F9E] =	sst lr;
	_ =	strace $0xD0000000  }
0x3: {  	_ = 	snop  }
0x4: {  	_ = 	snop  }
0x5: {  	_ = 	snop  }
0x6: {  	_ = 	snop  }
0x7: {  	_ = 	snop  }
__scs_overlays_trampoline_lowered:
0x8: {  	[smem:$0x3FAD] =	sst s0  }
0x9: {  	[smem:$0x3FAE] =	sst s1  }
0xa: {  	[smem:$0x3FAF] =	sst s2  }
0xb: {  	[smem:$0x3FB0] =	sst s3  }
0xc: {  	[smem:$0x3FB1] =	sst s4  }
0xd: {  	[smem:$0x3FB2] =	sst s5  }
0xe: {  	[smem:$0x3FB3] =	sst s6  }
0xf: {  	[smem:$0x3FB4] =	sst s7  }
0x10: {  	[smem:$0x3FB5] =	sst s8  }
0x11: {  	[smem:$0x3FB6] =	sst s9;
	s0 =	simm.s32 @!p0 $0x0  }
0x12: {  	s1 =	sld [smem:$0x3F9C];
	s0 =	simm.s32 @p0 $0x1  }
0x13: {  	[smem:$0x3FB7] =	sst s0;
	s0 =	simm.s32 @!p1 $0x0  }
0x14: {  	s2 =	sld [smem:$0x3F9B];
	s0 =	simm.s32 @p1 $0x1  }
0x15: {  	[smem:$0x3FB8] =	sst s0;
	s0 =	simm.s32 @!p2 $0x0  }
0x16: {  	s3 =	sld [smem:$0x3FDB];
	s0 =	simm.s32 @p2 $0x1  }
0x17: {  	s4 =	simm.s32 $0x1BF5;
	[smem:$0x3FBA] =	sst s0  }
0x18: {  	s0 =	sld [smem:$0x3F9D];
	_ =	swait.ge [sflag:s4], $0x0  }
0x19: {  	s7 =	sld [smem:$0x3F9E]  }
0x1a: {  	s8 =	sadd.s32 $0xFFFFE003, lr  }
0x1b: {  	s9 =	sadd.s32 $0xFFFFFEF7, lr;
	s5 =	simm.s32 $0xFFFFFFFF;
	p2 =	slt.u32 s8, $0xFFFFF086  }
0x1c: {  	p1 =	slt.u32 s9, $0xF7A;
	s5 =	simm.s32 @!p2 $0x0  }
0x1d: {  	s5 =	simm.s32 @p1 $0x1;
	p0 =	seq.s32 s7, s2  }
0x1e: {  	s7 =	smul.u32 @!p0 $0xF7A, s2;
	p2 =	seq.s32 @!p0 s5, $0x0  }
0x1f: {  	s9 =	smul.u32 $0xF7A, s1;
	s8 =	simm.s32 @!p0 $0x1BF5;
	p2 =	por !p2, p0  }
0x20: {  	[sflag:s8] =	ssyncset.s32 @!p0 $0xFFFFF086;
	s6 =	sadd.s32 @!p0 s3, s7;
	s7 =	simm.s32 @!p0 $0x108  }
0x21: {  	s3 =	sadd.s32 s3, s9;
	s6 =	sadd.s32 @!p0 $0x88, s6;
	s7 =	simm.s32 @p2 $0x1082  }
0x22: {  	[simem:s7], [sflag:s8] =	dma.local @!p0 [hbm:s6], $0xF7A  }
0x23: {  	s9 =	sor.u32 $0xD0000000, s2;
	s6 =	simm.s32 $0x108;
	_ =	swait.ge @!p0 [sflag:s8], $0x0  }
0x24: {  	s3 =	sadd.s32 $0x88, s3;
	s6 =	simm.s32 @!p1 $0x1082;
	[sflag:s4] =	ssyncset.s32 $0xFFFFF086  }
0x25: {  	[simem:s6], [sflag:s4] =	dma.local [hbm:s3], $0xF7A  }
0x26: {  	[smem:$0x3F9E] =	sst s1;
	(tag) =	ssettag s2;
	_ =	strace s9  }
0x27: {  	s1 =	sld [smem:$0x3FAE]  }
0x28: {  	s2 =	sld [smem:$0x3FAF]  }
0x29: {  	s4 =	sld [smem:$0x3FB1]  }
0x2a: {  	p0 =	seq.s32 s5, $0x0;
	s5 =	sld [smem:$0x3FB2]  }
0x2b: {  	s6 =	sld [smem:$0x3FB3]  }
0x2c: {  	s7 =	sld [smem:$0x3FB4]  }
0x2d: {  	s3 =	simm.s32 $0x108;
	s8 =	sld [smem:$0x3FB5]  }
0x2e: {  	s3 =	simm.s32 @!p0 $0x1082;
	s9 =	sld [smem:$0x3FB6]  }
0x2f: {  	lr =	sadd.s32 s0, s3;
	s0 =	sld [smem:$0x3FAD]  }
0x30: {  	s3 =	sld [smem:$0x3FB0]  }
0x31: {  	[smem:$0x3FB9] =	sst s10  }
0x32: {  	s10 =	sld [smem:$0x3FB7];
	_ =	sdelay $0x3  }
0x33: {  	p0 =	seq.s32 s10, $0x1;
	s10 =	sld [smem:$0x3FB9];
	_ =	sdelay $0x3  }
0x34: {  	[smem:$0x3FB9] =	sst s10  }
0x35: {  	s10 =	sld [smem:$0x3FB8];
	_ =	sdelay $0x3  }
0x36: {  	p1 =	seq.s32 s10, $0x1;
	s10 =	sld [smem:$0x3FB9];
	_ =	sdelay $0x3  }
0x37: {  	[smem:$0x3FB9] =	sst s10  }
0x38: {  	s10 =	sld [smem:$0x3FBA]  }
0x39: {  	_ = 	snop;
	(pc) =	sbr.ind lr, $3  }
0x3a: {  	_ = 	snop  }
0x3b: {  	_ = 	snop  }
0x3c: {  	p2 =	seq.s32 s10, $0x1;
	s10 =	sld [smem:$0x3FB9]  }
0x3d: {  	_ =	shalt  }
0x3e: {  	_ =	shalt  }
0x3f: {  	_ =	shalt  }
0x40: {  	_ =	shalt  }
0x41: {  	_ =	shalt  }
0x42: {  	_ =	shalt  }
0x43: {  	_ =	shalt  }
0x44: {  	_ =	shalt  }
0x45: {  	_ =	shalt  }
0x46: {  	_ =	shalt  }
0x47: {  	_ =	shalt  }
0x48: {  	_ =	shalt  }
0x49: {  	_ =	shalt  }
0x4a: {  	_ =	shalt  }
0x4b: {  	_ =	shalt  }
0x4c: {  	_ =	shalt  }
0x4d: {  	_ =	shalt  }
0x4e: {  	_ =	shalt  }
0x4f: {  	_ =	shalt  }
0x50: {  	_ =	shalt  }
0x51: {  	_ =	shalt  }
0x52: {  	_ =	shalt  }
0x53: {  	_ =	shalt  }
0x54: {  	_ =	shalt  }
0x55: {  	_ =	shalt  }
0x56: {  	_ =	shalt  }
0x57: {  	_ =	shalt  }
0x58: {  	_ =	shalt  }
0x59: {  	_ =	shalt  }
0x5a: {  	_ =	shalt  }
0x5b: {  	_ =	shalt  }
0x5c: {  	_ =	shalt  }
0x5d: {  	_ =	shalt  }
0x5e: {  	_ =	shalt  }
0x5f: {  	_ =	shalt  }
0x60: {  	_ =	shalt  }
0x61: {  	_ =	shalt  }
0x62: {  	_ =	shalt  }
0x63: {  	_ =	shalt  }
0x64: {  	_ =	shalt  }
0x65: {  	_ =	shalt  }
0x66: {  	_ =	shalt  }
0x67: {  	_ =	shalt  }
0x68: {  	_ =	shalt  }
0x69: {  	_ =	shalt  }
0x6a: {  	_ =	shalt  }
0x6b: {  	_ =	shalt  }
0x6c: {  	_ =	shalt  }
0x6d: {  	_ =	shalt  }
0x6e: {  	_ =	shalt  }
0x6f: {  	_ =	shalt  }
0x70: {  	_ =	shalt  }
0x71: {  	_ =	shalt  }
0x72: {  	_ =	shalt  }
0x73: {  	_ =	shalt  }
0x74: {  	_ =	shalt  }
0x75: {  	_ =	shalt  }
0x76: {  	_ =	shalt  }
0x77: {  	_ =	shalt  }
0x78: {  	_ =	shalt  }
0x79: {  	_ =	shalt  }
0x7a: {  	_ =	shalt  }
0x7b: {  	_ =	shalt  }
0x7c: {  	_ =	shalt  }
0x7d: {  	_ =	shalt  }
0x7e: {  	_ =	shalt  }
0x7f: {  	_ =	shalt  }
0x80: {  	_ =	shalt  }
0x81: {  	_ =	shalt  }
0x82: {  	_ =	shalt  }
0x83: {  	_ =	shalt  }
0x84: {  	_ =	shalt  }
0x85: {  	_ =	shalt  }
0x86: {  	_ =	shalt  }
0x87: {  	_ =	shalt  }
.Lfunc_end0:
.L_simem_size_0:
called_computation_lowered:
.L_overlay_start_0:
0x88: {  	s2 =	sld [smem:$0x3FD9]  }
0x89: {  	s3 =	sld [smem:$0x3FFE];
	_ =	sdelay $0x1  }
0x8a: {  	s1 =	srdreg.scid  }
0x8b: {  	s0 =	sand.u32 $0x1, s1  }
0x8c: {  	s17 =	sshll.u32 s0, $0xA;
	s2 =	sadd.s32 s3, s2  }
0x8d: {  	s2 =	sadd.s32 s2, s17  }
0x8e: {  	[smem:$0x3FC5] =	sst s2  }
0x8f: {  	_ = 	snop  }
0x90: {  	s2 =	sld [smem:$0x3FD0];
	(tm) =	ssettm $0x1  }
0x91: {  	s18 =	sld [smem:$0x3FFB];
	_ =	sdelay $0x3  }
0x92: {  	_ =	strace s18  }
0x93: {  	s3 =	sld [smem:$0x3FFC];
	_ =	sdelay $0x3  }
0x94: {  	_ =	strace s3  }
0x95: {  	s3 =	sld [smem:$0x3FFD];
	_ =	sdelay $0x3  }
0x96: {  	_ =	strace s3  }
0x97: {  	_ =	strace $0x8FFFFFFF  }
0x98: {  	s19 =	sld [smem:$0x3FDB];
	_ =	sdelay $0x1  }
0x99: {  	s4 =	simm.s32 $_scs_section_size  }
0x9a: {  	s5 =	simm.s32 $_size__tile_overlayer_lowered;
	s6 =	simm.s32 $_tile_overlayer_lowered  }
0x9b: {  	s22 =	simm.s32 $0x1BFF;
	s21 =	sshll.u32 s6, $0x1;
	s3 =	sadd.s32 s4, s19  }
0x9c: {  	s7 =	simm.s32 $0x0;
	s20 =	sshll.u32 s5, $0x1;
	s5 =	sadd.s32 s21, s3  }
0x9d: {  	[timem:s7], [sflag:s22] =	dma.local [hbm:s5], s20  }
0x9e: {  	_ =	swait.ge [sflag:s22], s20  }
0x9f: {  	s4 =	ssub.s32 $0x0, s20;
	[sflag:s22] =	ssyncset.done $0x0  }
0xa0: {  	[sflag:s22] =	ssyncadd.s32 s4;
	_ =	sdelay $0x1  }
0xa1: {  	s23 =	simm.s32 $0x1B8B  }
0xa2: {  	_ =	swait.ge [sflag:s23], $0x1  }
0xa3: {  	[sflag:s23] =	ssyncset.done $0x0  }
0xa4: {  	s25 =	simm.s32 $0x1B8E;
	s24 =	sld [smem:$0x3FFE];
	[sflag:s23] =	ssyncadd.s32 $0xFFFFFFFF  }
0xa5: {  	s26 =	simm.s32 $execute0_lowered;
	[smem:$0x3FD2] =	sst s25  }
0xa6: {  	s5 =	sshll.u32 s26, $0x1;
	_ =	strace $0x80000046;
	[dreg:$0x1] =	wrdreg $0xFFFFFFFF  }
0xa7: {  	s28 =	simm.s32 $_size_execute0_lowered;
	s3 =	sadd.s32 s3, s5;
	[dreg:$0x0] =	wrdreg $0x0  }
0xa8: {  	s5 =	sshll.u32 s28, $0x1;
	[dreg:$0x2] =	wrdreg s3  }
0xa9: {  	[dreg:$0x3] =	wrdreg s5  }
0xaa: {  	[dreg:$0x4] =	wrdreg $0xC0  }
0xab: {  	_ =	task [dreg:s7], $0x5FFFF  }
0xac: {  	[dreg:$0x1] =	wrdreg $0xFFFFFFFF  }
0xad: {  	[dreg:$0x0] =	wrdreg $0x60  }
0xae: {  	[dreg:$0x2] =	wrdreg s24  }
0xaf: {  	[dreg:$0x3] =	wrdreg s2  }
0xb0: {  	[dreg:$0x4] =	wrdreg $0x9  }
0xb1: {  	_ =	task.clear_ibuf [dreg:s7], $0x5FFFF;
	_ =	strace $0x90000046  }
0xb2: {  	s29 =	simm.s32 $0x9;
	_ =	strace $0x80000048  }
0xb3: {  	_ =	swait.ge [sflag:s29], $0x1  }
0xb4: {  	[sflag:s29] =	ssyncadd.s32 $0xFFFFFFFF  }
0xb5: {  	_ =	strace $0x90000048  }
0xb6: {  	_ =	sfence  }
0xb7: {  	s30 =	sld [smem:$0x0];
	_ =	sdelay $0x2  }
0xb8: {  	s31 =	sshll.u32 s1, $0xD;
	s1 =	sshrl.u32 s1, $0x2  }
0xb9: {  	s3 =	sand.u32 $0x4000, s31;
	s1 =	sadd.s32 s1, s30  }
0xba: {  	s0 =	sor.u32 s3, s0;
	s1 =	sshll.u32 s1, $0x11  }
0xbb: {  	s0 =	sor.u32 s1, s0  }
0xbc: {  	s0 =	sadd.s32 $0x8F2B, s0  }
0xbd: {  	[sflag:s0] =	ssyncadd.remote.s32 $0x1  }
0xbe: {  	_ =	sfence.sel $0xFFFF  }
0xbf: {  	[dreg:$0x0] =	wrdreg $0xFFFFFFFF;
	(pc) =	sbr.abs _section_cstart, $3  }
0xc0: {  	[dreg:$0x1] =	wrdreg $0xFFFFFFFF  }
0xc1: {  	_ =	task.clear_ibuf [dreg:s7], $0x2FFFF;
	_ =	strace $0x9FFFFFFF  }
0xc2: {  	(tm) =	ssettm $0x7FFFFFFF  }
0xc3: {  	_ =	shalt  }
tec
execute0_lowered:
.L_overlay_start_1:
0x0: {  	(tag) =	ssettag $0x1  }
0x1: {  	s1 =	srdreg.scid  }
0x2: {  	s0 =	stileid.u32;
	s8 =	rddreg [dreg:$0x0]  }
0x3: {  	s3 =	rddreg [dreg:$0x1];
	s6 =	sand.u32 $0x1, s1;
	s30 =	sshll.u32 s0, $0x1  }
0x4: {  	s2 =	simm.s32 $0x0;
	s1 =	rddreg [dreg:$0x2];
	s7 =	sor.u32 s6, s30  }
0x5: {  	[smem:$0x7FF] =	sst s2;
	s4 =	smul.u32 $0x24, s7  }
0x6: {  	s5 =	sadd.s32 $0x1400, s8;
	_ =	strace $0x80000047;
	s10 =	ssub.s32 $0x2, s6  }
0x7: {  	s6 =	simm.s32 $0x120;
	s4 =	sadd.s32 s3, s4;
	s3 =	simm.s32 $0x2  }
0x8: {  	[tilespmem:s2], [sflag:$0x2] =	stream.linear.gather [hbm4b:s4+s2], $0x120, $0x38;
	[tilespmem:$0xB520] =	vst v63  }
0x9: {  	s9 =	smul.u32 $0x1680, s7;
	s11 =	sshrl.u32 s10, $0x1;
	_ =	swait.ge [sflag:s3], $0x120  }
0xa: {  	s7 =	simm.s32 $0x1;
	s31 =	ssub.s32 s10, s11;
	[sflag:s3] =	ssyncset.done $0x0  }
0xb: {  	s8 =	sadd.s32 s9, s8;
	s9 =	smax.u32 s31, $0x1;
	[sflag:s3] =	ssyncadd.s32 $0xFFFFFEE0  }
0xc: {  	[tilespmem:s6], [sflag:$0x1] =	stream.indirect.gather [hbm4b:s5+s6], $0xA0, s2, s6, $0xb8;
	[tilespmem:$0xB520] =	vst v63  }
0xd: {  	p0 =	sne.s32 s9, $0x1;
	_ =	swait.ge [sflag:s7], $0xB400  }
.Ltmp0:
0xe: {  	[sflag:s7] =	ssyncset.done $0x0;
	(pc) =	sbr.rel @!p0 .LBB2_2-.Ltmp0, $4  }
0xf: {  	s8 =	sadd.s32 $0x29400, s8;
	[sflag:s7] =	ssyncadd.s32 $0xFFFF4C00  }
0x10: {  	[hbm4b:s8+s2] =	stream.linear.scatter [tilespmem:s6], [sflag:$0x2], $0xB400, $0x38;
	[tilespmem:$0xB520] =	vst v63  }
0x11: {  	_ =	swait.ge [sflag:s3], $0xB400  }
0x12: {  	s9 =	sadd.s32 $0xFFFFFFFF, s9;
	[sflag:s3] =	ssyncset.done $0x0  }
.LBB2_1:
0x13: {  	p0 =	sne.s32 s9, $0x1;
	s9 =	sadd.s32 $0xFFFFFFFF, s9;
	[sflag:s3] =	ssyncadd.s32 $0xFFFF4C00  }
0x14: {  	[tilespmem:s2], [sflag:$0x2] =	stream.linear.gather [hbm4b:s4+s2], $0x120, $0x38;
	[tilespmem:$0xB520] =	vst v63  }
0x15: {  	_ =	swait.ge [sflag:s3], $0x120  }
0x16: {  	[sflag:s3] =	ssyncset.done $0x0  }
0x17: {  	[sflag:s3] =	ssyncadd.s32 $0xFFFFFEE0  }
0x18: {  	[tilespmem:s6], [sflag:$0x1] =	stream.indirect.gather [hbm4b:s5+s6], $0xA0, s2, s6, $0xb8;
	[tilespmem:$0xB520] =	vst v63  }
0x19: {  	_ =	swait.ge [sflag:s7], $0xB400  }
.Ltmp1:
0x1a: {  	[sflag:s7] =	ssyncset.done $0x0;
	(pc) =	sbr.rel @p0 .LBB2_1-.Ltmp1, $4  }
0x1b: {  	[sflag:s7] =	ssyncadd.s32 $0xFFFF4C00  }
0x1c: {  	[hbm4b:s8+s2] =	stream.linear.scatter [tilespmem:s6], [sflag:$0x2], $0xB400, $0x38;
	[tilespmem:$0xB520] =	vst v63  }
0x1d: {  	_ =	swait.ge [sflag:s3], $0xB400  }
0x1e: {  	[sflag:s3] =	ssyncset.done $0x0  }
.LBB2_2:
0x1f: {  	[sflag:s3] =	ssyncadd.s32 $0xFFFF4C00  }
0x20: {  	_ =	sfence.sel $0x180000  }
0x21: {  	[bflag:$0x0] =	sbarrier.arrive $0xFFFF  }
0x22: {  	p0 =	sne.s32 s0, $0x0;
	_ =	strace $0x90000047  }
0x23: {  	s0 =	sadd.s32 @!p0 $0x100000, s1;
	[bflag:$0x2] =	sbarrier.arrive $0xFFFF  }
0x24: {  	[sflag:s0] =	ssyncadd.tile.s32 @!p0 $0x1;
	_ =	shalt  }
.Lfunc_end2:
_tile_overlayer_lowered:
.L_overlay_start_2:
0x25: {  	(tag) =	ssettag $0x2  }
0x26: {  	s0 =	rddreg [dreg:$0x0];
	s2 =	stileid.u32  }
0x27: {  	s1 =	rddreg [dreg:$0x1];
	p0 =	sne.s32 s2, $0x0  }
0x28: {  	s3 =	rddreg [dreg:$0x2];
	[bflag:$0x3] =	sbarrier.arrive $0xFFFF;
	s2 =	simm.s32 @!p0 $0x1C02  }
0x29: {  	[timem:s3], [sflag:s2] =	dma.local @!p0 [hbm:s0], s1  }
0x2a: {  	s0 =	simm.s32 @!p0 $0x2  }
0x2b: {  	_ =	swait.ge @!p0 [sflag:s0], s1  }
0x2c: {  	s1 =	ssub.s32 @!p0 $0x0, s1;
	[sflag:s0] =	ssyncset.done @!p0 $0x0  }
0x2d: {  	[sflag:s0] =	ssyncadd.s32 @!p0 s1  }
0x2e: {  	[bflag:$0x3] =	sbarrier.arrive $0xFFFF  }
0x2f: {  	_ =	shalt  }

</sc_bundles>
